<compile_context>
chip_gen: v7x
topology: tpu7x:2x2x1
jax: 0.10.2.dev20260603
libtpu: 0.0.44.dev20260713+nightly
codegen_flags: <defaults>
</compile_context>

<pallas_src>
import functools

import jax
import jax.numpy as jnp
import numpy as np
from jax import lax
from jax.experimental import pallas as pl
from jax.experimental.pallas import tpu as pltpu
from jax.experimental.pallas import tpu_sc as plsc

N = 10000
E = 320000
HID = 128
HEADS = 8
HD = HID // HEADS

NC = 2
NS = 16
NW = NC * NS
EPW = E // NW
CH = 80
NCHUNK = EPW // CH
NPT = 624
NTAIL = N - NS * NPT

_BLK = 400
_EBLK = 6400

_PERM = np.empty((HID,), np.int64)
for _j in range(8):
    for _l in range(16):
        _h = _l if _l < 8 else 15 - _l
        _d = 2 * _j + (0 if _l < 8 else 1)
        _PERM[16 * _j + _l] = _h * HD + _d
_INV = np.argsort(_PERM)


def _mirror(a8):
    return jnp.concatenate([a8, a8[::-1]])



def _qkv_body(h_ref, w_ref, b_ref, out_ref):
    out_ref[...] = (
        jnp.dot(h_ref[...], w_ref[...], preferred_element_type=jnp.float32)
        + b_ref[...]
    )


def _qkv_proj(h, Wq, bq, Wk, bk, Wv, bv):
    W = jnp.concatenate([Wq.T, Wk.T, Wv.T], axis=1)
    b = jnp.concatenate([bq, bk, bv])[None, :]
    out = pl.pallas_call(
        _qkv_body,
        grid=(N // _BLK,),
        in_specs=[
            pl.BlockSpec((_BLK, HID), lambda i: (i, 0)),
            pl.BlockSpec((HID, 3 * HID), lambda i: (0, 0)),
            pl.BlockSpec((1, 3 * HID), lambda i: (0, 0)),
        ],
        out_specs=pl.BlockSpec((_BLK, 3 * HID), lambda i: (i, 0)),
        out_shape=jax.ShapeDtypeStruct((N, 3 * HID), jnp.float32),
    )(h, W, b)
    return out[:, :HID], out[:, HID:2 * HID], out[:, 2 * HID:]


def _bias_body(s_ref, c_ref, out_ref):
    s = s_ref[...]
    d2 = s[:, 0:1] * s[:, 0:1]
    sm = jnp.concatenate([d2, s[:, 1:]], axis=1)
    out_ref[...] = jnp.dot(sm, c_ref[...], preferred_element_type=jnp.float32)


def _edge_bias(scal, C):
    return pl.pallas_call(
        _bias_body,
        grid=(E // _EBLK,),
        in_specs=[
            pl.BlockSpec((_EBLK, 8), lambda i: (i, 0)),
            pl.BlockSpec((8, 16), lambda i: (0, 0)),
        ],
        out_specs=pl.BlockSpec((_EBLK, 16), lambda i: (i, 0)),
        out_shape=jax.ShapeDtypeStruct((E, 16), jnp.float32),
    )(scal, C)


def _rsum_body(p_ref, out_ref):
    s = p_ref[0] + p_ref[1]
    out_ref[...] = 1.0 / jnp.clip(s, 1e-9, None)


def _rsum(ssum_p):
    return pl.pallas_call(
        _rsum_body,
        grid=(N // _BLK,),
        in_specs=[pl.BlockSpec((NC, _BLK, 16), lambda i: (0, i, 0))],
        out_specs=pl.BlockSpec((_BLK, 16), lambda i: (i, 0)),
        out_shape=jax.ShapeDtypeStruct((N, 16), jnp.float32),
    )(ssum_p)


def _final_body(h_ref, x_ref, acc_ref, f9_ref, wo_ref, bo_ref,
                wg1_ref, bg1_ref, wg2_ref, bg2_ref, ho_ref, xo_ref):
    pp = acc_ref[0] + acc_ref[1]
    hu = pp[:, :HID]
    h_out = h_ref[...] + jnp.dot(hu, wo_ref[...],
                                 preferred_element_type=jnp.float32) + bo_ref[...]
    t1 = jnp.dot(h_out, wg1_ref[...], preferred_element_type=jnp.float32) + bg1_ref[...]
    s1 = t1 * (1.0 / (1.0 + jnp.exp(-t1)))
    g = jnp.tanh(jnp.dot(s1, wg2_ref[...], preferred_element_type=jnp.float32)
                 + bg2_ref[...])
    f9 = f9_ref[...]
    x = x_ref[...]
    cols = []
    for i in range(3):
        dg = (f9[:, 3 * i + 0:3 * i + 1] * pp[:, 136:137]
              + f9[:, 3 * i + 1:3 * i + 2] * pp[:, 137:138]
              + f9[:, 3 * i + 2:3 * i + 3] * pp[:, 138:139])
        disp = 0.5 * dg + 0.5 * pp[:, 139 + i:140 + i]
        cols.append(x[:, i:i + 1] + g * disp)
    cols.append(x[:, 3:])
    ho_ref[...] = h_out
    xo_ref[...] = jnp.concatenate(cols, axis=1)


def _final(h, x3, acc_p, f9, Wo, bo, Wg1, bg1, Wg2, bg2):
    x16 = jnp.concatenate([x3, jnp.zeros((N, 13), jnp.float32)], axis=1)
    ho, xo = pl.pallas_call(
        _final_body,
        grid=(N // _BLK,),
        in_specs=[
            pl.BlockSpec((_BLK, HID), lambda i: (i, 0)),
            pl.BlockSpec((_BLK, 16), lambda i: (i, 0)),
            pl.BlockSpec((NC, _BLK, 144), lambda i: (0, i, 0)),
            pl.BlockSpec((_BLK, 9), lambda i: (i, 0)),
            pl.BlockSpec((HID, HID), lambda i: (0, 0)),
            pl.BlockSpec((1, HID), lambda i: (0, 0)),
            pl.BlockSpec((HID, HID), lambda i: (0, 0)),
            pl.BlockSpec((1, HID), lambda i: (0, 0)),
            pl.BlockSpec((HID, 1), lambda i: (0, 0)),
            pl.BlockSpec((1, 1), lambda i: (0, 0)),
        ],
        out_specs=[
            pl.BlockSpec((_BLK, HID), lambda i: (i, 0)),
            pl.BlockSpec((_BLK, 16), lambda i: (i, 0)),
        ],
        out_shape=[
            jax.ShapeDtypeStruct((N, HID), jnp.float32),
            jax.ShapeDtypeStruct((N, 16), jnp.float32),
        ],
    )(h, x16, acc_p, f9, Wo, bo[None, :], Wg1.T, bg1[None, :],
      Wg2.T, bg2[None, :])
    return ho, xo[:, :3]



_P_BOR = 0
_P_WO0 = 1
_P_WO1 = 2
_P_WO2 = 3
_P_MASK8 = 4
_P_MASK813 = 5
_P_OH8 = 6


def _sc_pass1(qT, kT, fx, btot, src, dst, par):
    mesh = plsc.VectorSubcoreMesh(core_axis_name="c", subcore_axis_name="s")

    @functools.partial(
        pl.kernel,
        out_type=[
            jax.ShapeDtypeStruct((E, 16), jnp.float32),
            jax.ShapeDtypeStruct((NC, N, 16), jnp.float32),
        ],
        mesh=mesh,
        scratch_types=[
            pltpu.VMEM((CH, HID), jnp.float32),
            pltpu.VMEM((CH, HID), jnp.float32),
            pltpu.VMEM((CH, 16), jnp.float32),
            pltpu.VMEM((CH, 16), jnp.float32),
            pltpu.VMEM((CH, 16), jnp.float32),
            pltpu.VMEM((CH, 16), jnp.float32),
            pltpu.VMEM((CH,), jnp.int32),
            pltpu.VMEM((CH,), jnp.int32),
            pltpu.VMEM((16, 16), jnp.float32),
            pltpu.VMEM((NPT, 16), jnp.float32),
            pltpu.VMEM_SHARED((N, 16), jnp.float32),
        ],
        compiler_params=pltpu.CompilerParams(use_tc_tiling_on_sc=False),
    )
    def kern(q_hbm, k_hbm, fx_hbm, bt_hbm, src_hbm, dst_hbm, par_hbm,
             rec_out, ssum_out, qr, kr, fxs, fxd, btv, rec, si, di, parv,
             zb, ssum_sh):
        cid = lax.axis_index("c")
        sid = lax.axis_index("s")
        wid = cid * NS + sid

        pltpu.sync_copy(par_hbm, parv)

        zvec = jnp.zeros((16,), jnp.float32)

        def _zrow(i, _):
            zb[i, :] = zvec
            return 0
        lax.fori_loop(0, NPT, _zrow, 0)

        pltpu.sync_copy(zb, ssum_sh.at[pl.ds(sid * NPT, NPT)])

        @pl.when(sid == 0)
        def _():
            pltpu.sync_copy(zb.at[pl.ds(0, NTAIL)],
                            ssum_sh.at[pl.ds(NS * NPT, NTAIL)])
        plsc.subcore_barrier()

        ebase = wid * EPW

        def chunk(ci, _):
            base = ebase + ci * CH
            pltpu.sync_copy(src_hbm.at[pl.ds(base, CH)], si)
            pltpu.sync_copy(dst_hbm.at[pl.ds(base, CH)], di)
            pltpu.sync_copy(bt_hbm.at[pl.ds(base, CH)], btv)
            pltpu.sync_copy(q_hbm.at[si], qr)
            pltpu.sync_copy(k_hbm.at[di], kr)
            pltpu.sync_copy(fx_hbm.at[si], fxs)
            pltpu.sync_copy(fx_hbm.at[di], fxd)

            mask8 = parv[_P_MASK8, :]
            bor = parv[_P_BOR, :]
            wo0 = parv[_P_WO0, :]
            wo1 = parv[_P_WO1, :]
            wo2 = parv[_P_WO2, :]

            def edge(e, _):
                acc = qr[e, pl.ds(0, 16)] * kr[e, pl.ds(0, 16)]
                for j in range(1, 8):
                    acc = acc + (qr[e, pl.ds(16 * j, 16)]
                                 * kr[e, pl.ds(16 * j, 16)])
                logits = (acc + lax.rev(acc, (0,))) * 0.25

                frow = fxs[e, :]
                drow = fxd[e, :] - frow
                dx = [jnp.full((16,), drow[9 + c], jnp.float32)
                      for c in range(3)]
                fsc = [jnp.full((16,), frow[j], jnp.float32) for j in range(9)]
                loc = [fsc[3 * 0 + i] * dx[0] + fsc[3 * 1 + i] * dx[1]
                       + fsc[3 * 2 + i] * dx[2] for i in range(3)]
                s2 = jnp.maximum(loc[0] * loc[0] + loc[1] * loc[1]
                                 + loc[2] * loc[2], 1e-12)
                ib = lax.bitcast_convert_type(s2, jnp.int32)
                y = lax.bitcast_convert_type(
                    jnp.full((16,), 0x5F3759DF, jnp.int32) - (ib >> 1),
                    jnp.float32)
                for _ in range(3):
                    y = y * (1.5 - 0.5 * s2 * y * y)
                nrm = jnp.maximum(s2 * y, 1e-6)
                u = [loc[i] / nrm for i in range(3)]

                z = wo0 * u[0] + wo1 * u[1] + wo2 * u[2] + bor
                e2 = jnp.exp(2.0 * z)
                ori = 0.1 * (1.0 - 2.0 / (e2 + 1.0))

                tot = logits + btv[e, :] + ori
                expv = jnp.exp(tot)

                deltas = zvec
                for c in range(3):
                    deltas = deltas + loc[c] * parv[_P_OH8 + c, :]
                    deltas = deltas + dx[c] * parv[_P_OH8 + 3 + c, :]
                rec[e, :] = expv * mask8 + deltas
                return 0

            lax.fori_loop(0, CH, edge, 0)
            pltpu.sync_copy(rec, rec_out.at[pl.ds(base, CH)])
            pltpu.sync_copy(rec, ssum_sh.at[si], add=True)
            return 0

        lax.fori_loop(0, NCHUNK, chunk, 0)

        plsc.subcore_barrier()
        pltpu.sync_copy(ssum_sh.at[pl.ds(sid * NPT, NPT)], zb)
        pltpu.sync_copy(zb, ssum_out.at[cid, pl.ds(sid * NPT, NPT)])

        @pl.when(sid == 0)
        def _():
            pltpu.sync_copy(ssum_sh.at[pl.ds(NS * NPT, NTAIL)],
                            zb.at[pl.ds(0, NTAIL)])
            pltpu.sync_copy(zb.at[pl.ds(0, NTAIL)],
                            ssum_out.at[cid, pl.ds(NS * NPT, NTAIL)])

    return kern(qT, kT, fx, btot, src, dst, par)



def _sc_pass2(vT, rec, rsum, src, dst, par):
    mesh = plsc.VectorSubcoreMesh(core_axis_name="c", subcore_axis_name="s")

    @functools.partial(
        pl.kernel,
        out_type=[
            jax.ShapeDtypeStruct((NC, N, 144), jnp.float32),
        ],
        mesh=mesh,
        scratch_types=[
            pltpu.VMEM((CH, HID), jnp.float32),
            pltpu.VMEM((CH, 144), jnp.float32),
            pltpu.VMEM((CH, 16), jnp.float32),
            pltpu.VMEM((CH, 16), jnp.float32),
            pltpu.VMEM((CH,), jnp.int32),
            pltpu.VMEM((CH,), jnp.int32),
            pltpu.VMEM((16, 16), jnp.float32),
            pltpu.VMEM((48, 144), jnp.float32),
            pltpu.VMEM_SHARED((N, 144), jnp.float32),
        ],
        compiler_params=pltpu.CompilerParams(use_tc_tiling_on_sc=False),
    )
    def kern(v_hbm, rec_hbm, rsum_hbm, src_hbm, dst_hbm, par_hbm,
             acc_out, vr, vf, rec, rsr, si, di, parv, bb, acc_sh):
        cid = lax.axis_index("c")
        sid = lax.axis_index("s")
        wid = cid * NS + sid

        pltpu.sync_copy(par_hbm, parv)

        zvec = jnp.zeros((16,), jnp.float32)

        def _zb(i, _):
            for t in range(9):
                bb[i, pl.ds(t * 16, 16)] = zvec
            return 0
        lax.fori_loop(0, 48, _zb, 0)

        for t in range(13):
            pltpu.sync_copy(bb, acc_sh.at[pl.ds(sid * NPT + t * 48, 48)])

        @pl.when(sid == 0)
        def _():
            pltpu.sync_copy(bb.at[pl.ds(0, NTAIL)],
                            acc_sh.at[pl.ds(NS * NPT, NTAIL)])
        plsc.subcore_barrier()

        ebase = wid * EPW

        def chunk(ci, _):
            base = ebase + ci * CH
            pltpu.sync_copy(src_hbm.at[pl.ds(base, CH)], si)
            pltpu.sync_copy(dst_hbm.at[pl.ds(base, CH)], di)
            pltpu.sync_copy(rec_hbm.at[pl.ds(base, CH)], rec)
            pltpu.sync_copy(v_hbm.at[di], vr)
            pltpu.sync_copy(rsum_hbm.at[si], rsr)

            mask8 = parv[_P_MASK8, :]
            mask813 = parv[_P_MASK813, :]

            def edge(e, _):
                rrow = rec[e, :]
                w8 = rrow * rsr[e, :] * mask8
                wfull = w8 + lax.rev(w8, (0,))
                wm = zvec
                for hh in range(8):
                    wm = wm + jnp.full((16,), w8[hh], jnp.float32)
                wm = wm * 0.125
                for j in range(8):
                    sl = pl.ds(16 * j, 16)
                    vf[e, sl] = vr[e, sl] * wfull
                vf[e, pl.ds(128, 16)] = rrow * wm * mask813
                return 0

            lax.fori_loop(0, CH, edge, 0)
            pltpu.sync_copy(vf, acc_sh.at[si], add=True)
            return 0

        lax.fori_loop(0, NCHUNK, chunk, 0)

        plsc.subcore_barrier()
        for t in range(13):
            pltpu.sync_copy(acc_sh.at[pl.ds(sid * NPT + t * 48, 48)], bb)
            pltpu.sync_copy(bb, acc_out.at[cid, pl.ds(sid * NPT + t * 48, 48)])

        @pl.when(sid == 0)
        def _():
            pltpu.sync_copy(acc_sh.at[pl.ds(NS * NPT, NTAIL)],
                            bb.at[pl.ds(0, NTAIL)])
            pltpu.sync_copy(bb.at[pl.ds(0, NTAIL)],
                            acc_out.at[cid, pl.ds(NS * NPT, NTAIL)])

    return kern(vT, rec, rsum, src, dst, par)



def kernel(h, x, src, dst, distances, bpp_edge_bias, msa_edge_bias,
           chem_edge_bias, relative_offset, chain_break_mask, frames,
           Wq, bq, Wk, bk, Wv, bv, Wo, bo, Wd, bd, Wbpp, bbpp, Wmsa, bmsa,
           Wchem, bchem, Wrel, brel, Wcb, bcb, Worient, borient,
           Wg1, bg1, Wg2, bg2):
    q, k, v = _qkv_proj(h, Wq, bq, Wk, bk, Wv, bv)
    qT = q[:, _PERM]
    kT = k[:, _PERM]
    vT = v[:, _PERM]

    fx = jnp.concatenate(
        [frames.reshape(N, 9), x, jnp.zeros((N, 4), jnp.float32)], axis=1)
    scal = jnp.stack(
        [distances, bpp_edge_bias, msa_edge_bias, chem_edge_bias,
         relative_offset, chain_break_mask,
         jnp.ones((E,), jnp.float32), jnp.zeros((E,), jnp.float32)], axis=1)
    cbias = -bd + bbpp + bmsa + bchem + brel + bcb
    c8 = jnp.stack([-Wd[:, 0], Wbpp[:, 0], Wmsa[:, 0], Wchem[:, 0],
                    Wrel[:, 0], Wcb[:, 0], cbias,
                    jnp.zeros((8,), jnp.float32)], axis=0)
    C = jnp.concatenate([c8, c8[:, ::-1]], axis=1)
    btot = _edge_bias(scal, C)

    par_rows = [
        _mirror(borient),
        _mirror(Worient[:, 0]),
        _mirror(Worient[:, 1]),
        _mirror(Worient[:, 2]),
        jnp.concatenate([jnp.ones(8, jnp.float32), jnp.zeros(8, jnp.float32)]),
        jnp.asarray(np.concatenate([np.zeros(8), np.ones(6), np.zeros(2)]),
                    jnp.float32),
    ] + [jnp.asarray(np.eye(16, dtype=np.float32)[8 + c]) for c in range(6)]
    par_rows += [jnp.zeros((16,), jnp.float32)] * (16 - len(par_rows))
    par = jnp.stack(par_rows, axis=0)

    rec, ssum_p = _sc_pass1(qT, kT, fx, btot, src, dst, par)
    rsum = _rsum(ssum_p)
    acc_r = _sc_pass2(vT, rec, rsum, src, dst, par)
    acc_p = acc_r[0] if isinstance(acc_r, (tuple, list)) else acc_r

    WoT_perm = Wo.T[_PERM, :]
    return _final(h, x, acc_p, frames.reshape(N, 9),
                  WoT_perm, bo, Wg1, bg1, Wg2, bg2)

# --- scband reference (transcript-rebuilt; emitter-appended) ---
"""Pipeline reference for scband-ipa-block-13640816132144 (READ-ONLY COPY).

The authoritative reference and input builder live on the scoring server;
editing this copy changes nothing except your own understanding.
"""

import jax, jax.numpy as jnp
import numpy as np

N = 10000
E = 320000
HID = 128
HEADS = 8
HD = HID // HEADS


def _lin_params(key, out_f, in_f):
    k1, k2 = jax.random.split(key)
    bound = 1.0 / np.sqrt(in_f)
    W = jax.random.uniform(k1, (out_f, in_f), minval=-bound, maxval=bound, dtype=jnp.float32)
    b = jax.random.uniform(k2, (out_f,), minval=-bound, maxval=bound, dtype=jnp.float32)
    return W, b


def setup_inputs(seed: int = 0):
    key = jax.random.key(seed)
    ks = jax.random.split(key, 24)
    inp = {}
    inp['h'] = jax.random.normal(ks[0], (N, HID), dtype=jnp.float32)
    inp['x'] = jax.random.normal(ks[1], (N, 3), dtype=jnp.float32)
    inp['src'] = jax.random.randint(ks[2], (E,), 0, N, dtype=jnp.int32)
    inp['dst'] = jax.random.randint(ks[3], (E,), 0, N, dtype=jnp.int32)
    inp['distances'] = jax.random.uniform(ks[4], (E,), dtype=jnp.float32)
    inp['bpp_edge_bias'] = jax.random.uniform(ks[5], (E,), dtype=jnp.float32)
    inp['msa_edge_bias'] = jax.random.uniform(ks[6], (E,), dtype=jnp.float32)
    inp['chem_edge_bias'] = jax.random.uniform(ks[7], (E,), dtype=jnp.float32)
    inp['relative_offset'] = jax.random.normal(ks[8], (E,), dtype=jnp.float32)
    inp['chain_break_mask'] = jax.random.uniform(ks[9], (E,), dtype=jnp.float32)
    inp['frames'] = jax.random.normal(ks[10], (N, 3, 3), dtype=jnp.float32)
    inp['Wq'], inp['bq'] = _lin_params(ks[11], HID, HID)
    inp['Wk'], inp['bk'] = _lin_params(ks[12], HID, HID)
    inp['Wv'], inp['bv'] = _lin_params(ks[13], HID, HID)
    inp['Wo'], inp['bo'] = _lin_params(ks[14], HID, HID)
    inp['Wd'], inp['bd'] = _lin_params(ks[15], HEADS, 1)
    inp['Wbpp'], inp['bbpp'] = _lin_params(ks[16], HEADS, 1)
    inp['Wmsa'], inp['bmsa'] = _lin_params(ks[17], HEADS, 1)
    inp['Wchem'], inp['bchem'] = _lin_params(ks[18], HEADS, 1)
    inp['Wrel'], inp['brel'] = _lin_params(ks[19], HEADS, 1)
    inp['Wcb'], inp['bcb'] = _lin_params(ks[20], HEADS, 1)
    inp['Worient'], inp['borient'] = _lin_params(ks[21], HEADS, 3)
    inp['Wg1'], inp['bg1'] = _lin_params(ks[22], HID, HID)
    inp['Wg2'], inp['bg2'] = _lin_params(ks[23], 1, HID)
    return inp


def _forward(h, x, distances, bpp_edge_bias, msa_edge_bias, chem_edge_bias, relative_offset, chain_break_mask, frames, Wq, bq, Wk, bk, Wv, bv, Wo, bo, Wd, bd, Wbpp, bbpp, Wmsa, bmsa, Wchem, bchem, Wrel, brel, Wcb, bcb, Worient, borient, Wg1, bg1, Wg2, bg2, src, dst):
    lin = lambda a, W, b: a @ W.T + b
    n = h.shape[0]
    q = lin(h, Wq, bq).reshape(n, HEADS, HD)
    k = lin(h, Wk, bk).reshape(n, HEADS, HD)
    v = lin(h, Wv, bv).reshape(n, HEADS, HD)
    q_src = q[src]
    k_dst = k[dst]
    v_dst = v[dst]
    edge_delta = x[dst] - x[src]
    src_frames = frames[src]
    edge_local_delta = jnp.einsum('eji,ej->ei', src_frames, edge_delta)
    edge_local_norm = jnp.clip(jnp.linalg.norm(edge_local_delta, axis=-1, keepdims=True), 1e-6, None)
    edge_local_unit = edge_local_delta / edge_local_norm
    logits = jnp.einsum('ehd,ehd->eh', q_src, k_dst) / np.sqrt(float(HD))
    dist_t = lin((distances * distances)[:, None], Wd, bd)
    bpp_t = lin(bpp_edge_bias[:, None], Wbpp, bbpp)
    msa_t = lin(msa_edge_bias[:, None], Wmsa, bmsa)
    chem_t = lin(chem_edge_bias[:, None], Wchem, bchem)
    rel_t = lin(relative_offset[:, None], Wrel, brel)
    chain_t = lin(chain_break_mask[:, None], Wcb, bcb)
    orient_t = 0.1 * jnp.tanh(lin(edge_local_unit, Worient, borient))
    total = logits - dist_t + bpp_t + msa_t + chem_t + rel_t + chain_t + orient_t
    mx = jax.ops.segment_max(total, src, num_segments=n)
    expv = jnp.exp(total - mx[src])
    ssum = jax.ops.segment_sum(expv, src, num_segments=n)
    weights = expv / jnp.clip(ssum[src], 1e-9, None)
    weighted_v = v_dst * weights[:, :, None]
    h_update = jax.ops.segment_sum(weighted_v, src, num_segments=n).reshape(n, HID)
    h_out = h + lin(h_update, Wo, bo)
    wm = weights.mean(axis=1)
    disp_local = jax.ops.segment_sum(edge_local_delta * wm[:, None], src, num_segments=n)
    disp_raw = jax.ops.segment_sum(edge_delta * wm[:, None], src, num_segments=n)
    disp_global = jnp.einsum('nij,nj->ni', frames, disp_local)
    disp = 0.5 * disp_global + 0.5 * disp_raw
    gate = jnp.tanh(lin(jax.nn.silu(lin(h_out, Wg1, bg1)), Wg2, bg2))
    x_out = x + gate * disp
    return (h_out, x_out)


def reference(h, x, src, dst, distances, bpp_edge_bias, msa_edge_bias, chem_edge_bias, relative_offset, chain_break_mask, frames, Wq, bq, Wk, bk, Wv, bv, Wo, bo, Wd, bd, Wbpp, bbpp, Wmsa, bmsa, Wchem, bchem, Wrel, brel, Wcb, bcb, Worient, borient, Wg1, bg1, Wg2, bg2):
    return _forward(h, x, distances, bpp_edge_bias, msa_edge_bias, chem_edge_bias, relative_offset, chain_break_mask, frames, Wq, bq, Wk, bk, Wv, bv, Wo, bo, Wd, bd, Wbpp, bbpp, Wmsa, bmsa, Wchem, bchem, Wrel, brel, Wcb, bcb, Worient, borient, Wg1, bg1, Wg2, bg2, src, dst)

if __name__ == "__main__":
    import jax
    _d = setup_inputs()
    print(jax.jit(kernel)(*tuple(_d.values())))

</pallas_src>

<mosaic_0001>
#map = affine_map<(d0, d1) -> (0, 0)>
#map1 = affine_map<(d0, d1) -> (0)>
#map2 = affine_map<(d0, d1) -> (0, 0, 0)>
module attributes {stable_mosaic.version = 14 : i64} {
  func.func @kern(%arg0: i32, %arg1: i32, %arg2: memref<10000x128xf32, #tpu.memory_space<hbm>>, %arg3: memref<320000x16xf32, #tpu.memory_space<hbm>>, %arg4: memref<10000x16xf32, #tpu.memory_space<hbm>>, %arg5: memref<320000xi32, #tpu.memory_space<hbm>>, %arg6: memref<320000xi32, #tpu.memory_space<hbm>>, %arg7: memref<16x16xf32, #tpu.memory_space<hbm>>, %arg8: memref<2x10000x144xf32, #tpu.memory_space<hbm>>, %arg9: memref<80x128xf32, #tpu.memory_space<vmem>>, %arg10: memref<80x144xf32, #tpu.memory_space<vmem>>, %arg11: memref<80x16xf32, #tpu.memory_space<vmem>>, %arg12: memref<80x16xf32, #tpu.memory_space<vmem>>, %arg13: memref<80xi32, #tpu.memory_space<vmem>>, %arg14: memref<80xi32, #tpu.memory_space<vmem>>, %arg15: memref<16x16xf32, #tpu.memory_space<vmem>>, %arg16: memref<48x144xf32, #tpu.memory_space<vmem>>, %arg17: memref<10000x144xf32, #tpu.memory_space<vmem_shared>>) attributes {dimension_semantics = [#tpu.dimension_semantics<core_parallel>, #tpu.dimension_semantics<subcore_parallel>], iteration_bounds = array<i64: 2, 16>, scalar_prefetch = 0 : i64, scratch_operands = 9 : i64, tpu.core_type = #tpu.core_type<sc_vector_subcore>, window_params = [{transform_indices = #map}, {transform_indices = #map}, {transform_indices = #map}, {transform_indices = #map1}, {transform_indices = #map1}, {transform_indices = #map}, {transform_indices = #map2}]} {
    %mul3A = arith.constant 16 : i32
    %mul3A_0 = arith.muli %arg0, %mul3A : i32
    %add3A = arith.addi %mul3A_0, %arg1 : i32
    "tpu.region"() ({
      %run_scoped3A = tpu.sem_alloc : memref<!tpu.dma_semaphore, #tpu.memory_space<semaphore_mem>>
      tpu.enqueue_dma source(%arg7 : memref<16x16xf32, #tpu.memory_space<hbm>>) target(%arg15 : memref<16x16xf32, #tpu.memory_space<vmem>>) target_semaphore(%run_scoped3A : memref<!tpu.dma_semaphore, #tpu.memory_space<semaphore_mem>>)
      tpu.wait_dma2 semaphore(%run_scoped3A : memref<!tpu.dma_semaphore, #tpu.memory_space<semaphore_mem>>) src(%arg7 : memref<16x16xf32, #tpu.memory_space<hbm>>) dst(%arg15 : memref<16x16xf32, #tpu.memory_space<vmem>>)
      tpu.yield
    }) : () -> ()
    %broadcast_in_dim3A = arith.constant 0.000000e+00 : f32
    %broadcast_in_dim3A_1 = vector.broadcast %broadcast_in_dim3A : f32 to vector<16xf32>
    %scan3A = arith.constant 0 : i32
    %scan3A_2 = arith.constant 0 : i32
    %scan3A_3 = arith.constant 48 : i32
    %scan3A_4 = arith.addi %scan3A_2, %scan3A_3 : i32
    %scan3A_5 = arith.constant 1 : i32
    %scan3A_6 = scf.for %scan3A_181 = %scan3A_2 to %scan3A_4 step %scan3A_5 iter_args(%scan3A_182 = %scan3A) -> (i32)  : i32 {
      %swap3A = arith.index_cast %scan3A_181 : i32 to index
      %swap3A_183 = arith.constant 0 : index
      %swap3A_184 = tpu.vector_load %arg16[%swap3A, %swap3A_183] {strides = array<i32>} : memref<48x144xf32, #tpu.memory_space<vmem>>, vector<1x16xf32>,
      %swap3A_185 = vector.shape_cast %swap3A_184 : vector<1x16xf32> to vector<16xf32>
      %swap3A_186 = vector.shape_cast %broadcast_in_dim3A_1 : vector<16xf32> to vector<1x16xf32>
      tpu.vector_store %arg16[%swap3A, %swap3A_183], %swap3A_186 {strides = array<i32>} : memref<48x144xf32, #tpu.memory_space<vmem>>, vector<1x16xf32>,
      %swap3A_187 = arith.index_cast %scan3A_181 : i32 to index
      %swap3A_188 = arith.constant 16 : index
      %swap3A_189 = tpu.vector_load %arg16[%swap3A_187, %swap3A_188] {strides = array<i32>} : memref<48x144xf32, #tpu.memory_space<vmem>>, vector<1x16xf32>,
      %swap3A_190 = vector.shape_cast %swap3A_189 : vector<1x16xf32> to vector<16xf32>
      %swap3A_191 = vector.shape_cast %broadcast_in_dim3A_1 : vector<16xf32> to vector<1x16xf32>
      tpu.vector_store %arg16[%swap3A_187, %swap3A_188], %swap3A_191 {strides = array<i32>} : memref<48x144xf32, #tpu.memory_space<vmem>>, vector<1x16xf32>,
      %swap3A_192 = arith.index_cast %scan3A_181 : i32 to index
      %swap3A_193 = arith.constant 32 : index
      %swap3A_194 = tpu.vector_load %arg16[%swap3A_192, %swap3A_193] {strides = array<i32>} : memref<48x144xf32, #tpu.memory_space<vmem>>, vector<1x16xf32>,
      %swap3A_195 = vector.shape_cast %swap3A_194 : vector<1x16xf32> to vector<16xf32>
      %swap3A_196 = vector.shape_cast %broadcast_in_dim3A_1 : vector<16xf32> to vector<1x16xf32>
      tpu.vector_store %arg16[%swap3A_192, %swap3A_193], %swap3A_196 {strides = array<i32>} : memref<48x144xf32, #tpu.memory_space<vmem>>, vector<1x16xf32>,
      %swap3A_197 = arith.index_cast %scan3A_181 : i32 to index
      %swap3A_198 = arith.constant 48 : index
      %swap3A_199 = tpu.vector_load %arg16[%swap3A_197, %swap3A_198] {strides = array<i32>} : memref<48x144xf32, #tpu.memory_space<vmem>>, vector<1x16xf32>,
      %swap3A_200 = vector.shape_cast %swap3A_199 : vector<1x16xf32> to vector<16xf32>
      %swap3A_201 = vector.shape_cast %broadcast_in_dim3A_1 : vector<16xf32> to vector<1x16xf32>
      tpu.vector_store %arg16[%swap3A_197, %swap3A_198], %swap3A_201 {strides = array<i32>} : memref<48x144xf32, #tpu.memory_space<vmem>>, vector<1x16xf32>,
      %swap3A_202 = arith.index_cast %scan3A_181 : i32 to index
      %swap3A_203 = arith.constant 64 : index
      %swap3A_204 = tpu.vector_load %arg16[%swap3A_202, %swap3A_203] {strides = array<i32>} : memref<48x144xf32, #tpu.memory_space<vmem>>, vector<1x16xf32>,
      %swap3A_205 = vector.shape_cast %swap3A_204 : vector<1x16xf32> to vector<16xf32>
      %swap3A_206 = vector.shape_cast %broadcast_in_dim3A_1 : vector<16xf32> to vector<1x16xf32>
      tpu.vector_store %arg16[%swap3A_202, %swap3A_203], %swap3A_206 {strides = array<i32>} : memref<48x144xf32, #tpu.memory_space<vmem>>, vector<1x16xf32>,
      %swap3A_207 = arith.index_cast %scan3A_181 : i32 to index
      %swap3A_208 = arith.constant 80 : index
      %swap3A_209 = tpu.vector_load %arg16[%swap3A_207, %swap3A_208] {strides = array<i32>} : memref<48x144xf32, #tpu.memory_space<vmem>>, vector<1x16xf32>,
      %swap3A_210 = vector.shape_cast %swap3A_209 : vector<1x16xf32> to vector<16xf32>
      %swap3A_211 = vector.shape_cast %broadcast_in_dim3A_1 : vector<16xf32> to vector<1x16xf32>
      tpu.vector_store %arg16[%swap3A_207, %swap3A_208], %swap3A_211 {strides = array<i32>} : memref<48x144xf32, #tpu.memory_space<vmem>>, vector<1x16xf32>,
      %swap3A_212 = arith.index_cast %scan3A_181 : i32 to index
      %swap3A_213 = arith.constant 96 : index
      %swap3A_214 = tpu.vector_load %arg16[%swap3A_212, %swap3A_213] {strides = array<i32>} : memref<48x144xf32, #tpu.memory_space<vmem>>, vector<1x16xf32>,
      %swap3A_215 = vector.shape_cast %swap3A_214 : vector<1x16xf32> to vector<16xf32>
      %swap3A_216 = vector.shape_cast %broadcast_in_dim3A_1 : vector<16xf32> to vector<1x16xf32>
      tpu.vector_store %arg16[%swap3A_212, %swap3A_213], %swap3A_216 {strides = array<i32>} : memref<48x144xf32, #tpu.memory_space<vmem>>, vector<1x16xf32>,
      %swap3A_217 = arith.index_cast %scan3A_181 : i32 to index
      %swap3A_218 = arith.constant 112 : index
      %swap3A_219 = tpu.vector_load %arg16[%swap3A_217, %swap3A_218] {strides = array<i32>} : memref<48x144xf32, #tpu.memory_space<vmem>>, vector<1x16xf32>,
      %swap3A_220 = vector.shape_cast %swap3A_219 : vector<1x16xf32> to vector<16xf32>
      %swap3A_221 = vector.shape_cast %broadcast_in_dim3A_1 : vector<16xf32> to vector<1x16xf32>
      tpu.vector_store %arg16[%swap3A_217, %swap3A_218], %swap3A_221 {strides = array<i32>} : memref<48x144xf32, #tpu.memory_space<vmem>>, vector<1x16xf32>,
      %swap3A_222 = arith.index_cast %scan3A_181 : i32 to index
      %swap3A_223 = arith.constant 128 : index
      %swap3A_224 = tpu.vector_load %arg16[%swap3A_222, %swap3A_223] {strides = array<i32>} : memref<48x144xf32, #tpu.memory_space<vmem>>, vector<1x16xf32>,
      %swap3A_225 = vector.shape_cast %swap3A_224 : vector<1x16xf32> to vector<16xf32>
      %swap3A_226 = vector.shape_cast %broadcast_in_dim3A_1 : vector<16xf32> to vector<1x16xf32>
      tpu.vector_store %arg16[%swap3A_222, %swap3A_223], %swap3A_226 {strides = array<i32>} : memref<48x144xf32, #tpu.memory_space<vmem>>, vector<1x16xf32>,
      %scan3A_227 = arith.constant 0 : i32
      scf.yield %scan3A_227 : i32
    }
    %scan3A_7 = arith.constant 48 : i32
    %mul3A_8 = arith.constant 624 : i32
    %mul3A_9 = arith.muli %arg1, %mul3A_8 : i32
    %add3A_10 = arith.constant 0 : i32
    %add3A_11 = arith.addi %mul3A_9, %add3A_10 : i32
    "tpu.region"() ({
      %run_scoped3A = tpu.sem_alloc : memref<!tpu.dma_semaphore, #tpu.memory_space<semaphore_mem>>
      %dma_start3A = arith.constant 0 : i32
      %dma_start3A_181 = tpu.memref_slice %arg17[%add3A_11, %dma_start3A] : memref<10000x144xf32, #tpu.memory_space<vmem_shared>> -> memref<48x144xf32, #tpu.memory_space<vmem_shared>>
      %dma_start3A_182 = arith.constant 0 : i32
      %dma_start3A_183 = tpu.memref_slice %arg17[%add3A_11, %dma_start3A_182] : memref<10000x144xf32, #tpu.memory_space<vmem_shared>> -> memref<48x144xf32, #tpu.memory_space<vmem_shared>>
      tpu.enqueue_dma source(%arg16 : memref<48x144xf32, #tpu.memory_space<vmem>>) target(%dma_start3A_183 : memref<48x144xf32, #tpu.memory_space<vmem_shared>>) target_semaphore(%run_scoped3A : memref<!tpu.dma_semaphore, #tpu.memory_space<semaphore_mem>>)
      %dma_wait3A = arith.constant 0 : i32
      %dma_wait3A_184 = tpu.memref_slice %arg17[%add3A_11, %dma_wait3A] : memref<10000x144xf32, #tpu.memory_space<vmem_shared>> -> memref<48x144xf32, #tpu.memory_space<vmem_shared>>
      %dma_wait3A_185 = arith.constant 0 : i32
      %dma_wait3A_186 = tpu.memref_slice %arg17[%add3A_11, %dma_wait3A_185] : memref<10000x144xf32, #tpu.memory_space<vmem_shared>> -> memref<48x144xf32, #tpu.memory_space<vmem_shared>>
      tpu.wait_dma2 semaphore(%run_scoped3A : memref<!tpu.dma_semaphore, #tpu.memory_space<semaphore_mem>>) src(%arg16 : memref<48x144xf32, #tpu.memory_space<vmem>>) dst(%dma_wait3A_186 : memref<48x144xf32, #tpu.memory_space<vmem_shared>>)
      tpu.yield
    }) : () -> ()
    %mul3A_12 = arith.constant 624 : i32
    %mul3A_13 = arith.muli %arg1, %mul3A_12 : i32
    %add3A_14 = arith.constant 48 : i32
    %add3A_15 = arith.addi %mul3A_13, %add3A_14 : i32
    "tpu.region"() ({
      %run_scoped3A = tpu.sem_alloc : memref<!tpu.dma_semaphore, #tpu.memory_space<semaphore_mem>>
      %dma_start3A = arith.constant 0 : i32
      %dma_start3A_181 = tpu.memref_slice %arg17[%add3A_15, %dma_start3A] : memref<10000x144xf32, #tpu.memory_space<vmem_shared>> -> memref<48x144xf32, #tpu.memory_space<vmem_shared>>
      %dma_start3A_182 = arith.constant 0 : i32
      %dma_start3A_183 = tpu.memref_slice %arg17[%add3A_15, %dma_start3A_182] : memref<10000x144xf32, #tpu.memory_space<vmem_shared>> -> memref<48x144xf32, #tpu.memory_space<vmem_shared>>
      tpu.enqueue_dma source(%arg16 : memref<48x144xf32, #tpu.memory_space<vmem>>) target(%dma_start3A_183 : memref<48x144xf32, #tpu.memory_space<vmem_shared>>) target_semaphore(%run_scoped3A : memref<!tpu.dma_semaphore, #tpu.memory_space<semaphore_mem>>)
      %dma_wait3A = arith.constant 0 : i32
      %dma_wait3A_184 = tpu.memref_slice %arg17[%add3A_15, %dma_wait3A] : memref<10000x144xf32, #tpu.memory_space<vmem_shared>> -> memref<48x144xf32, #tpu.memory_space<vmem_shared>>
      %dma_wait3A_185 = arith.constant 0 : i32
      %dma_wait3A_186 = tpu.memref_slice %arg17[%add3A_15, %dma_wait3A_185] : memref<10000x144xf32, #tpu.memory_space<vmem_shared>> -> memref<48x144xf32, #tpu.memory_space<vmem_shared>>
      tpu.wait_dma2 semaphore(%run_scoped3A : memref<!tpu.dma_semaphore, #tpu.memory_space<semaphore_mem>>) src(%arg16 : memref<48x144xf32, #tpu.memory_space<vmem>>) dst(%dma_wait3A_186 : memref<48x144xf32, #tpu.memory_space<vmem_shared>>)
      tpu.yield
    }) : () -> ()
    %mul3A_16 = arith.constant 624 : i32
    %mul3A_17 = arith.muli %arg1, %mul3A_16 : i32
    %add3A_18 = arith.constant 96 : i32
    %add3A_19 = arith.addi %mul3A_17, %add3A_18 : i32
    "tpu.region"() ({
      %run_scoped3A = tpu.sem_alloc : memref<!tpu.dma_semaphore, #tpu.memory_space<semaphore_mem>>
      %dma_start3A = arith.constant 0 : i32
      %dma_start3A_181 = tpu.memref_slice %arg17[%add3A_19, %dma_start3A] : memref<10000x144xf32, #tpu.memory_space<vmem_shared>> -> memref<48x144xf32, #tpu.memory_space<vmem_shared>>
      %dma_start3A_182 = arith.constant 0 : i32
      %dma_start3A_183 = tpu.memref_slice %arg17[%add3A_19, %dma_start3A_182] : memref<10000x144xf32, #tpu.memory_space<vmem_shared>> -> memref<48x144xf32, #tpu.memory_space<vmem_shared>>
      tpu.enqueue_dma source(%arg16 : memref<48x144xf32, #tpu.memory_space<vmem>>) target(%dma_start3A_183 : memref<48x144xf32, #tpu.memory_space<vmem_shared>>) target_semaphore(%run_scoped3A : memref<!tpu.dma_semaphore, #tpu.memory_space<semaphore_mem>>)
      %dma_wait3A = arith.constant 0 : i32
      %dma_wait3A_184 = tpu.memref_slice %arg17[%add3A_19, %dma_wait3A] : memref<10000x144xf32, #tpu.memory_space<vmem_shared>> -> memref<48x144xf32, #tpu.memory_space<vmem_shared>>
      %dma_wait3A_185 = arith.constant 0 : i32
      %dma_wait3A_186 = tpu.memref_slice %arg17[%add3A_19, %dma_wait3A_185] : memref<10000x144xf32, #tpu.memory_space<vmem_shared>> -> memref<48x144xf32, #tpu.memory_space<vmem_shared>>
      tpu.wait_dma2 semaphore(%run_scoped3A : memref<!tpu.dma_semaphore, #tpu.memory_space<semaphore_mem>>) src(%arg16 : memref<48x144xf32, #tpu.memory_space<vmem>>) dst(%dma_wait3A_186 : memref<48x144xf32, #tpu.memory_space<vmem_shared>>)
      tpu.yield
    }) : () -> ()
    %mul3A_20 = arith.constant 624 : i32
    %mul3A_21 = arith.muli %arg1, %mul3A_20 : i32
    %add3A_22 = arith.constant 144 : i32
    %add3A_23 = arith.addi %mul3A_21, %add3A_22 : i32
    "tpu.region"() ({
      %run_scoped3A = tpu.sem_alloc : memref<!tpu.dma_semaphore, #tpu.memory_space<semaphore_mem>>
      %dma_start3A = arith.constant 0 : i32
      %dma_start3A_181 = tpu.memref_slice %arg17[%add3A_23, %dma_start3A] : memref<10000x144xf32, #tpu.memory_space<vmem_shared>> -> memref<48x144xf32, #tpu.memory_space<vmem_shared>>
      %dma_start3A_182 = arith.constant 0 : i32
      %dma_start3A_183 = tpu.memref_slice %arg17[%add3A_23, %dma_start3A_182] : memref<10000x144xf32, #tpu.memory_space<vmem_shared>> -> memref<48x144xf32, #tpu.memory_space<vmem_shared>>
      tpu.enqueue_dma source(%arg16 : memref<48x144xf32, #tpu.memory_space<vmem>>) target(%dma_start3A_183 : memref<48x144xf32, #tpu.memory_space<vmem_shared>>) target_semaphore(%run_scoped3A : memref<!tpu.dma_semaphore, #tpu.memory_space<semaphore_mem>>)
      %dma_wait3A = arith.constant 0 : i32
      %dma_wait3A_184 = tpu.memref_slice %arg17[%add3A_23, %dma_wait3A] : memref<10000x144xf32, #tpu.memory_space<vmem_shared>> -> memref<48x144xf32, #tpu.memory_space<vmem_shared>>
      %dma_wait3A_185 = arith.constant 0 : i32
      %dma_wait3A_186 = tpu.memref_slice %arg17[%add3A_23, %dma_wait3A_185] : memref<10000x144xf32, #tpu.memory_space<vmem_shared>> -> memref<48x144xf32, #tpu.memory_space<vmem_shared>>
      tpu.wait_dma2 semaphore(%run_scoped3A : memref<!tpu.dma_semaphore, #tpu.memory_space<semaphore_mem>>) src(%arg16 : memref<48x144xf32, #tpu.memory_space<vmem>>) dst(%dma_wait3A_186 : memref<48x144xf32, #tpu.memory_space<vmem_shared>>)
      tpu.yield
    }) : () -> ()
    %mul3A_24 = arith.constant 624 : i32
    %mul3A_25 = arith.muli %arg1, %mul3A_24 : i32
    %add3A_26 = arith.constant 192 : i32
    %add3A_27 = arith.addi %mul3A_25, %add3A_26 : i32
    "tpu.region"() ({
      %run_scoped3A = tpu.sem_alloc : memref<!tpu.dma_semaphore, #tpu.memory_space<semaphore_mem>>
      %dma_start3A = arith.constant 0 : i32
      %dma_start3A_181 = tpu.memref_slice %arg17[%add3A_27, %dma_start3A] : memref<10000x144xf32, #tpu.memory_space<vmem_shared>> -> memref<48x144xf32, #tpu.memory_space<vmem_shared>>
      %dma_start3A_182 = arith.constant 0 : i32
      %dma_start3A_183 = tpu.memref_slice %arg17[%add3A_27, %dma_start3A_182] : memref<10000x144xf32, #tpu.memory_space<vmem_shared>> -> memref<48x144xf32, #tpu.memory_space<vmem_shared>>
      tpu.enqueue_dma source(%arg16 : memref<48x144xf32, #tpu.memory_space<vmem>>) target(%dma_start3A_183 : memref<48x144xf32, #tpu.memory_space<vmem_shared>>) target_semaphore(%run_scoped3A : memref<!tpu.dma_semaphore, #tpu.memory_space<semaphore_mem>>)
      %dma_wait3A = arith.constant 0 : i32
      %dma_wait3A_184 = tpu.memref_slice %arg17[%add3A_27, %dma_wait3A] : memref<10000x144xf32, #tpu.memory_space<vmem_shared>> -> memref<48x144xf32, #tpu.memory_space<vmem_shared>>
      %dma_wait3A_185 = arith.constant 0 : i32
      %dma_wait3A_186 = tpu.memref_slice %arg17[%add3A_27, %dma_wait3A_185] : memref<10000x144xf32, #tpu.memory_space<vmem_shared>> -> memref<48x144xf32, #tpu.memory_space<vmem_shared>>
      tpu.wait_dma2 semaphore(%run_scoped3A : memref<!tpu.dma_semaphore, #tpu.memory_space<semaphore_mem>>) src(%arg16 : memref<48x144xf32, #tpu.memory_space<vmem>>) dst(%dma_wait3A_186 : memref<48x144xf32, #tpu.memory_space<vmem_shared>>)
      tpu.yield
    }) : () -> ()
    %mul3A_28 = arith.constant 624 : i32
    %mul3A_29 = arith.muli %arg1, %mul3A_28 : i32
    %add3A_30 = arith.constant 240 : i32
    %add3A_31 = arith.addi %mul3A_29, %add3A_30 : i32
    "tpu.region"() ({
      %run_scoped3A = tpu.sem_alloc : memref<!tpu.dma_semaphore, #tpu.memory_space<semaphore_mem>>
      %dma_start3A = arith.constant 0 : i32
      %dma_start3A_181 = tpu.memref_slice %arg17[%add3A_31, %dma_start3A] : memref<10000x144xf32, #tpu.memory_space<vmem_shared>> -> memref<48x144xf32, #tpu.memory_space<vmem_shared>>
      %dma_start3A_182 = arith.constant 0 : i32
      %dma_start3A_183 = tpu.memref_slice %arg17[%add3A_31, %dma_start3A_182] : memref<10000x144xf32, #tpu.memory_space<vmem_shared>> -> memref<48x144xf32, #tpu.memory_space<vmem_shared>>
      tpu.enqueue_dma source(%arg16 : memref<48x144xf32, #tpu.memory_space<vmem>>) target(%dma_start3A_183 : memref<48x144xf32, #tpu.memory_space<vmem_shared>>) target_semaphore(%run_scoped3A : memref<!tpu.dma_semaphore, #tpu.memory_space<semaphore_mem>>)
      %dma_wait3A = arith.constant 0 : i32
      %dma_wait3A_184 = tpu.memref_slice %arg17[%add3A_31, %dma_wait3A] : memref<10000x144xf32, #tpu.memory_space<vmem_shared>> -> memref<48x144xf32, #tpu.memory_space<vmem_shared>>
      %dma_wait3A_185 = arith.constant 0 : i32
      %dma_wait3A_186 = tpu.memref_slice %arg17[%add3A_31, %dma_wait3A_185] : memref<10000x144xf32, #tpu.memory_space<vmem_shared>> -> memref<48x144xf32, #tpu.memory_space<vmem_shared>>
      tpu.wait_dma2 semaphore(%run_scoped3A : memref<!tpu.dma_semaphore, #tpu.memory_space<semaphore_mem>>) src(%arg16 : memref<48x144xf32, #tpu.memory_space<vmem>>) dst(%dma_wait3A_186 : memref<48x144xf32, #tpu.memory_space<vmem_shared>>)
      tpu.yield
    }) : () -> ()
    %mul3A_32 = arith.constant 624 : i32
    %mul3A_33 = arith.muli %arg1, %mul3A_32 : i32
    %add3A_34 = arith.constant 288 : i32
    %add3A_35 = arith.addi %mul3A_33, %add3A_34 : i32
    "tpu.region"() ({
      %run_scoped3A = tpu.sem_alloc : memref<!tpu.dma_semaphore, #tpu.memory_space<semaphore_mem>>
      %dma_start3A = arith.constant 0 : i32
      %dma_start3A_181 = tpu.memref_slice %arg17[%add3A_35, %dma_start3A] : memref<10000x144xf32, #tpu.memory_space<vmem_shared>> -> memref<48x144xf32, #tpu.memory_space<vmem_shared>>
      %dma_start3A_182 = arith.constant 0 : i32
      %dma_start3A_183 = tpu.memref_slice %arg17[%add3A_35, %dma_start3A_182] : memref<10000x144xf32, #tpu.memory_space<vmem_shared>> -> memref<48x144xf32, #tpu.memory_space<vmem_shared>>
      tpu.enqueue_dma source(%arg16 : memref<48x144xf32, #tpu.memory_space<vmem>>) target(%dma_start3A_183 : memref<48x144xf32, #tpu.memory_space<vmem_shared>>) target_semaphore(%run_scoped3A : memref<!tpu.dma_semaphore, #tpu.memory_space<semaphore_mem>>)
      %dma_wait3A = arith.constant 0 : i32
      %dma_wait3A_184 = tpu.memref_slice %arg17[%add3A_35, %dma_wait3A] : memref<10000x144xf32, #tpu.memory_space<vmem_shared>> -> memref<48x144xf32, #tpu.memory_space<vmem_shared>>
      %dma_wait3A_185 = arith.constant 0 : i32
      %dma_wait3A_186 = tpu.memref_slice %arg17[%add3A_35, %dma_wait3A_185] : memref<10000x144xf32, #tpu.memory_space<vmem_shared>> -> memref<48x144xf32, #tpu.memory_space<vmem_shared>>
      tpu.wait_dma2 semaphore(%run_scoped3A : memref<!tpu.dma_semaphore, #tpu.memory_space<semaphore_mem>>) src(%arg16 : memref<48x144xf32, #tpu.memory_space<vmem>>) dst(%dma_wait3A_186 : memref<48x144xf32, #tpu.memory_space<vmem_shared>>)
      tpu.yield
    }) : () -> ()
    %mul3A_36 = arith.constant 624 : i32
    %mul3A_37 = arith.muli %arg1, %mul3A_36 : i32
    %add3A_38 = arith.constant 336 : i32
    %add3A_39 = arith.addi %mul3A_37, %add3A_38 : i32
    "tpu.region"() ({
      %run_scoped3A = tpu.sem_alloc : memref<!tpu.dma_semaphore, #tpu.memory_space<semaphore_mem>>
      %dma_start3A = arith.constant 0 : i32
      %dma_start3A_181 = tpu.memref_slice %arg17[%add3A_39, %dma_start3A] : memref<10000x144xf32, #tpu.memory_space<vmem_shared>> -> memref<48x144xf32, #tpu.memory_space<vmem_shared>>
      %dma_start3A_182 = arith.constant 0 : i32
      %dma_start3A_183 = tpu.memref_slice %arg17[%add3A_39, %dma_start3A_182] : memref<10000x144xf32, #tpu.memory_space<vmem_shared>> -> memref<48x144xf32, #tpu.memory_space<vmem_shared>>
      tpu.enqueue_dma source(%arg16 : memref<48x144xf32, #tpu.memory_space<vmem>>) target(%dma_start3A_183 : memref<48x144xf32, #tpu.memory_space<vmem_shared>>) target_semaphore(%run_scoped3A : memref<!tpu.dma_semaphore, #tpu.memory_space<semaphore_mem>>)
      %dma_wait3A = arith.constant 0 : i32
      %dma_wait3A_184 = tpu.memref_slice %arg17[%add3A_39, %dma_wait3A] : memref<10000x144xf32, #tpu.memory_space<vmem_shared>> -> memref<48x144xf32, #tpu.memory_space<vmem_shared>>
      %dma_wait3A_185 = arith.constant 0 : i32
      %dma_wait3A_186 = tpu.memref_slice %arg17[%add3A_39, %dma_wait3A_185] : memref<10000x144xf32, #tpu.memory_space<vmem_shared>> -> memref<48x144xf32, #tpu.memory_space<vmem_shared>>
      tpu.wait_dma2 semaphore(%run_scoped3A : memref<!tpu.dma_semaphore, #tpu.memory_space<semaphore_mem>>) src(%arg16 : memref<48x144xf32, #tpu.memory_space<vmem>>) dst(%dma_wait3A_186 : memref<48x144xf32, #tpu.memory_space<vmem_shared>>)
      tpu.yield
    }) : () -> ()
    %mul3A_40 = arith.constant 624 : i32
    %mul3A_41 = arith.muli %arg1, %mul3A_40 : i32
    %add3A_42 = arith.constant 384 : i32
    %add3A_43 = arith.addi %mul3A_41, %add3A_42 : i32
    "tpu.region"() ({
      %run_scoped3A = tpu.sem_alloc : memref<!tpu.dma_semaphore, #tpu.memory_space<semaphore_mem>>
      %dma_start3A = arith.constant 0 : i32
      %dma_start3A_181 = tpu.memref_slice %arg17[%add3A_43, %dma_start3A] : memref<10000x144xf32, #tpu.memory_space<vmem_shared>> -> memref<48x144xf32, #tpu.memory_space<vmem_shared>>
      %dma_start3A_182 = arith.constant 0 : i32
      %dma_start3A_183 = tpu.memref_slice %arg17[%add3A_43, %dma_start3A_182] : memref<10000x144xf32, #tpu.memory_space<vmem_shared>> -> memref<48x144xf32, #tpu.memory_space<vmem_shared>>
      tpu.enqueue_dma source(%arg16 : memref<48x144xf32, #tpu.memory_space<vmem>>) target(%dma_start3A_183 : memref<48x144xf32, #tpu.memory_space<vmem_shared>>) target_semaphore(%run_scoped3A : memref<!tpu.dma_semaphore, #tpu.memory_space<semaphore_mem>>)
      %dma_wait3A = arith.constant 0 : i32
      %dma_wait3A_184 = tpu.memref_slice %arg17[%add3A_43, %dma_wait3A] : memref<10000x144xf32, #tpu.memory_space<vmem_shared>> -> memref<48x144xf32, #tpu.memory_space<vmem_shared>>
      %dma_wait3A_185 = arith.constant 0 : i32
      %dma_wait3A_186 = tpu.memref_slice %arg17[%add3A_43, %dma_wait3A_185] : memref<10000x144xf32, #tpu.memory_space<vmem_shared>> -> memref<48x144xf32, #tpu.memory_space<vmem_shared>>
      tpu.wait_dma2 semaphore(%run_scoped3A : memref<!tpu.dma_semaphore, #tpu.memory_space<semaphore_mem>>) src(%arg16 : memref<48x144xf32, #tpu.memory_space<vmem>>) dst(%dma_wait3A_186 : memref<48x144xf32, #tpu.memory_space<vmem_shared>>)
      tpu.yield
    }) : () -> ()
    %mul3A_44 = arith.constant 624 : i32
    %mul3A_45 = arith.muli %arg1, %mul3A_44 : i32
    %add3A_46 = arith.constant 432 : i32
    %add3A_47 = arith.addi %mul3A_45, %add3A_46 : i32
    "tpu.region"() ({
      %run_scoped3A = tpu.sem_alloc : memref<!tpu.dma_semaphore, #tpu.memory_space<semaphore_mem>>
      %dma_start3A = arith.constant 0 : i32
      %dma_start3A_181 = tpu.memref_slice %arg17[%add3A_47, %dma_start3A] : memref<10000x144xf32, #tpu.memory_space<vmem_shared>> -> memref<48x144xf32, #tpu.memory_space<vmem_shared>>
      %dma_start3A_182 = arith.constant 0 : i32
      %dma_start3A_183 = tpu.memref_slice %arg17[%add3A_47, %dma_start3A_182] : memref<10000x144xf32, #tpu.memory_space<vmem_shared>> -> memref<48x144xf32, #tpu.memory_space<vmem_shared>>
      tpu.enqueue_dma source(%arg16 : memref<48x144xf32, #tpu.memory_space<vmem>>) target(%dma_start3A_183 : memref<48x144xf32, #tpu.memory_space<vmem_shared>>) target_semaphore(%run_scoped3A : memref<!tpu.dma_semaphore, #tpu.memory_space<semaphore_mem>>)
      %dma_wait3A = arith.constant 0 : i32
      %dma_wait3A_184 = tpu.memref_slice %arg17[%add3A_47, %dma_wait3A] : memref<10000x144xf32, #tpu.memory_space<vmem_shared>> -> memref<48x144xf32, #tpu.memory_space<vmem_shared>>
      %dma_wait3A_185 = arith.constant 0 : i32
      %dma_wait3A_186 = tpu.memref_slice %arg17[%add3A_47, %dma_wait3A_185] : memref<10000x144xf32, #tpu.memory_space<vmem_shared>> -> memref<48x144xf32, #tpu.memory_space<vmem_shared>>
      tpu.wait_dma2 semaphore(%run_scoped3A : memref<!tpu.dma_semaphore, #tpu.memory_space<semaphore_mem>>) src(%arg16 : memref<48x144xf32, #tpu.memory_space<vmem>>) dst(%dma_wait3A_186 : memref<48x144xf32, #tpu.memory_space<vmem_shared>>)
      tpu.yield
    }) : () -> ()
    %mul3A_48 = arith.constant 624 : i32
    %mul3A_49 = arith.muli %arg1, %mul3A_48 : i32
    %add3A_50 = arith.constant 480 : i32
    %add3A_51 = arith.addi %mul3A_49, %add3A_50 : i32
    "tpu.region"() ({
      %run_scoped3A = tpu.sem_alloc : memref<!tpu.dma_semaphore, #tpu.memory_space<semaphore_mem>>
      %dma_start3A = arith.constant 0 : i32
      %dma_start3A_181 = tpu.memref_slice %arg17[%add3A_51, %dma_start3A] : memref<10000x144xf32, #tpu.memory_space<vmem_shared>> -> memref<48x144xf32, #tpu.memory_space<vmem_shared>>
      %dma_start3A_182 = arith.constant 0 : i32
      %dma_start3A_183 = tpu.memref_slice %arg17[%add3A_51, %dma_start3A_182] : memref<10000x144xf32, #tpu.memory_space<vmem_shared>> -> memref<48x144xf32, #tpu.memory_space<vmem_shared>>
      tpu.enqueue_dma source(%arg16 : memref<48x144xf32, #tpu.memory_space<vmem>>) target(%dma_start3A_183 : memref<48x144xf32, #tpu.memory_space<vmem_shared>>) target_semaphore(%run_scoped3A : memref<!tpu.dma_semaphore, #tpu.memory_space<semaphore_mem>>)
      %dma_wait3A = arith.constant 0 : i32
      %dma_wait3A_184 = tpu.memref_slice %arg17[%add3A_51, %dma_wait3A] : memref<10000x144xf32, #tpu.memory_space<vmem_shared>> -> memref<48x144xf32, #tpu.memory_space<vmem_shared>>
      %dma_wait3A_185 = arith.constant 0 : i32
      %dma_wait3A_186 = tpu.memref_slice %arg17[%add3A_51, %dma_wait3A_185] : memref<10000x144xf32, #tpu.memory_space<vmem_shared>> -> memref<48x144xf32, #tpu.memory_space<vmem_shared>>
      tpu.wait_dma2 semaphore(%run_scoped3A : memref<!tpu.dma_semaphore, #tpu.memory_space<semaphore_mem>>) src(%arg16 : memref<48x144xf32, #tpu.memory_space<vmem>>) dst(%dma_wait3A_186 : memref<48x144xf32, #tpu.memory_space<vmem_shared>>)
      tpu.yield
    }) : () -> ()
    %mul3A_52 = arith.constant 624 : i32
    %mul3A_53 = arith.muli %arg1, %mul3A_52 : i32
    %add3A_54 = arith.constant 528 : i32
    %add3A_55 = arith.addi %mul3A_53, %add3A_54 : i32
    "tpu.region"() ({
      %run_scoped3A = tpu.sem_alloc : memref<!tpu.dma_semaphore, #tpu.memory_space<semaphore_mem>>
      %dma_start3A = arith.constant 0 : i32
      %dma_start3A_181 = tpu.memref_slice %arg17[%add3A_55, %dma_start3A] : memref<10000x144xf32, #tpu.memory_space<vmem_shared>> -> memref<48x144xf32, #tpu.memory_space<vmem_shared>>
      %dma_start3A_182 = arith.constant 0 : i32
      %dma_start3A_183 = tpu.memref_slice %arg17[%add3A_55, %dma_start3A_182] : memref<10000x144xf32, #tpu.memory_space<vmem_shared>> -> memref<48x144xf32, #tpu.memory_space<vmem_shared>>
      tpu.enqueue_dma source(%arg16 : memref<48x144xf32, #tpu.memory_space<vmem>>) target(%dma_start3A_183 : memref<48x144xf32, #tpu.memory_space<vmem_shared>>) target_semaphore(%run_scoped3A : memref<!tpu.dma_semaphore, #tpu.memory_space<semaphore_mem>>)
      %dma_wait3A = arith.constant 0 : i32
      %dma_wait3A_184 = tpu.memref_slice %arg17[%add3A_55, %dma_wait3A] : memref<10000x144xf32, #tpu.memory_space<vmem_shared>> -> memref<48x144xf32, #tpu.memory_space<vmem_shared>>
      %dma_wait3A_185 = arith.constant 0 : i32
      %dma_wait3A_186 = tpu.memref_slice %arg17[%add3A_55, %dma_wait3A_185] : memref<10000x144xf32, #tpu.memory_space<vmem_shared>> -> memref<48x144xf32, #tpu.memory_space<vmem_shared>>
      tpu.wait_dma2 semaphore(%run_scoped3A : memref<!tpu.dma_semaphore, #tpu.memory_space<semaphore_mem>>) src(%arg16 : memref<48x144xf32, #tpu.memory_space<vmem>>) dst(%dma_wait3A_186 : memref<48x144xf32, #tpu.memory_space<vmem_shared>>)
      tpu.yield
    }) : () -> ()
    %mul3A_56 = arith.constant 624 : i32
    %mul3A_57 = arith.muli %arg1, %mul3A_56 : i32
    %add3A_58 = arith.constant 576 : i32
    %add3A_59 = arith.addi %mul3A_57, %add3A_58 : i32
    "tpu.region"() ({
      %run_scoped3A = tpu.sem_alloc : memref<!tpu.dma_semaphore, #tpu.memory_space<semaphore_mem>>
      %dma_start3A = arith.constant 0 : i32
      %dma_start3A_181 = tpu.memref_slice %arg17[%add3A_59, %dma_start3A] : memref<10000x144xf32, #tpu.memory_space<vmem_shared>> -> memref<48x144xf32, #tpu.memory_space<vmem_shared>>
      %dma_start3A_182 = arith.constant 0 : i32
      %dma_start3A_183 = tpu.memref_slice %arg17[%add3A_59, %dma_start3A_182] : memref<10000x144xf32, #tpu.memory_space<vmem_shared>> -> memref<48x144xf32, #tpu.memory_space<vmem_shared>>
      tpu.enqueue_dma source(%arg16 : memref<48x144xf32, #tpu.memory_space<vmem>>) target(%dma_start3A_183 : memref<48x144xf32, #tpu.memory_space<vmem_shared>>) target_semaphore(%run_scoped3A : memref<!tpu.dma_semaphore, #tpu.memory_space<semaphore_mem>>)
      %dma_wait3A = arith.constant 0 : i32
      %dma_wait3A_184 = tpu.memref_slice %arg17[%add3A_59, %dma_wait3A] : memref<10000x144xf32, #tpu.memory_space<vmem_shared>> -> memref<48x144xf32, #tpu.memory_space<vmem_shared>>
      %dma_wait3A_185 = arith.constant 0 : i32
      %dma_wait3A_186 = tpu.memref_slice %arg17[%add3A_59, %dma_wait3A_185] : memref<10000x144xf32, #tpu.memory_space<vmem_shared>> -> memref<48x144xf32, #tpu.memory_space<vmem_shared>>
      tpu.wait_dma2 semaphore(%run_scoped3A : memref<!tpu.dma_semaphore, #tpu.memory_space<semaphore_mem>>) src(%arg16 : memref<48x144xf32, #tpu.memory_space<vmem>>) dst(%dma_wait3A_186 : memref<48x144xf32, #tpu.memory_space<vmem_shared>>)
      tpu.yield
    }) : () -> ()
    %eq3A = arith.constant 0 : i32
    %eq3A_60 = arith.cmpi eq, %arg1, %eq3A : i32
    %convert_element_type3A = arith.extui %eq3A_60 : i1 to i32
    %cond3A = arith.constant 0 : i32
    %cond3A_61 = arith.cmpi ne, %convert_element_type3A, %cond3A : i32
    scf.if %cond3A_61 {
      "tpu.region"() ({
        %run_scoped3A = tpu.sem_alloc : memref<!tpu.dma_semaphore, #tpu.memory_space<semaphore_mem>>
        %dma_start3A = arith.constant 0 : i32
        %dma_start3A_181 = arith.constant 0 : i32
        %dma_start3A_182 = tpu.memref_slice %arg16[%dma_start3A, %dma_start3A_181] : memref<48x144xf32, #tpu.memory_space<vmem>> -> memref<16x144xf32, #tpu.memory_space<vmem>>
        %dma_start3A_183 = arith.constant 9984 : i32
        %dma_start3A_184 = arith.constant 0 : i32
        %dma_start3A_185 = tpu.memref_slice %arg17[%dma_start3A_183, %dma_start3A_184] : memref<10000x144xf32, #tpu.memory_space<vmem_shared>> -> memref<16x144xf32, #tpu.memory_space<vmem_shared>>
        %dma_start3A_186 = arith.constant 9984 : i32
        %dma_start3A_187 = arith.constant 0 : i32
        %dma_start3A_188 = tpu.memref_slice %arg17[%dma_start3A_186, %dma_start3A_187] : memref<10000x144xf32, #tpu.memory_space<vmem_shared>> -> memref<16x144xf32, #tpu.memory_space<vmem_shared>>
        %dma_start3A_189 = arith.constant 0 : i32
        %dma_start3A_190 = arith.constant 0 : i32
        %dma_start3A_191 = tpu.memref_slice %arg16[%dma_start3A_189, %dma_start3A_190] : memref<48x144xf32, #tpu.memory_space<vmem>> -> memref<16x144xf32, #tpu.memory_space<vmem>>
        tpu.enqueue_dma source(%dma_start3A_191 : memref<16x144xf32, #tpu.memory_space<vmem>>) target(%dma_start3A_188 : memref<16x144xf32, #tpu.memory_space<vmem_shared>>) target_semaphore(%run_scoped3A : memref<!tpu.dma_semaphore, #tpu.memory_space<semaphore_mem>>)
        %dma_wait3A = arith.constant 0 : i32
        %dma_wait3A_192 = arith.constant 0 : i32
        %dma_wait3A_193 = tpu.memref_slice %arg16[%dma_wait3A, %dma_wait3A_192] : memref<48x144xf32, #tpu.memory_space<vmem>> -> memref<16x144xf32, #tpu.memory_space<vmem>>
        %dma_wait3A_194 = arith.constant 9984 : i32
        %dma_wait3A_195 = arith.constant 0 : i32
        %dma_wait3A_196 = tpu.memref_slice %arg17[%dma_wait3A_194, %dma_wait3A_195] : memref<10000x144xf32, #tpu.memory_space<vmem_shared>> -> memref<16x144xf32, #tpu.memory_space<vmem_shared>>
        %dma_wait3A_197 = arith.constant 9984 : i32
        %dma_wait3A_198 = arith.constant 0 : i32
        %dma_wait3A_199 = tpu.memref_slice %arg17[%dma_wait3A_197, %dma_wait3A_198] : memref<10000x144xf32, #tpu.memory_space<vmem_shared>> -> memref<16x144xf32, #tpu.memory_space<vmem_shared>>
        %dma_wait3A_200 = arith.constant 0 : i32
        %dma_wait3A_201 = arith.constant 0 : i32
        %dma_wait3A_202 = tpu.memref_slice %arg16[%dma_wait3A_200, %dma_wait3A_201] : memref<48x144xf32, #tpu.memory_space<vmem>> -> memref<16x144xf32, #tpu.memory_space<vmem>>
        tpu.wait_dma2 semaphore(%run_scoped3A : memref<!tpu.dma_semaphore, #tpu.memory_space<semaphore_mem>>) src(%dma_wait3A_202 : memref<16x144xf32, #tpu.memory_space<vmem>>) dst(%dma_wait3A_199 : memref<16x144xf32, #tpu.memory_space<vmem_shared>>)
        tpu.yield
      }) : () -> ()
    } else {
    }
    %barrier3A = arith.constant 0 : index
    tpu.barrier barrier_id(%barrier3A)
    %mul3A_62 = arith.constant 10000 : i32
    %mul3A_63 = arith.muli %add3A, %mul3A_62 : i32
    %scan3A_64 = arith.constant 0 : i32
    %scan3A_65 = arith.constant 0 : i32
    %scan3A_66 = arith.constant 125 : i32
    %scan3A_67 = arith.addi %scan3A_65, %scan3A_66 : i32
    %scan3A_68 = arith.constant 1 : i32
    %scan3A_69 = scf.for %scan3A_181 = %scan3A_65 to %scan3A_67 step %scan3A_68 iter_args(%scan3A_182 = %scan3A_64) -> (i32)  : i32 {
      %mul3A_183 = arith.constant 80 : i32
      %mul3A_184 = arith.muli %scan3A_181, %mul3A_183 : i32
      %add3A_185 = arith.addi %mul3A_63, %mul3A_184 : i32
      "tpu.region"() ({
        %run_scoped3A = tpu.sem_alloc : memref<!tpu.dma_semaphore, #tpu.memory_space<semaphore_mem>>
        %dma_start3A = tpu.memref_slice %arg5[%add3A_185] : memref<320000xi32, #tpu.memory_space<hbm>> -> memref<80xi32, #tpu.memory_space<hbm>>
        %dma_start3A_203 = tpu.memref_slice %arg5[%add3A_185] : memref<320000xi32, #tpu.memory_space<hbm>> -> memref<80xi32, #tpu.memory_space<hbm>>
        tpu.enqueue_dma source(%dma_start3A_203 : memref<80xi32, #tpu.memory_space<hbm>>) target(%arg13 : memref<80xi32, #tpu.memory_space<vmem>>) target_semaphore(%run_scoped3A : memref<!tpu.dma_semaphore, #tpu.memory_space<semaphore_mem>>)
        %dma_wait3A = tpu.memref_slice %arg5[%add3A_185] : memref<320000xi32, #tpu.memory_space<hbm>> -> memref<80xi32, #tpu.memory_space<hbm>>
        %dma_wait3A_204 = tpu.memref_slice %arg5[%add3A_185] : memref<320000xi32, #tpu.memory_space<hbm>> -> memref<80xi32, #tpu.memory_space<hbm>>
        tpu.wait_dma2 semaphore(%run_scoped3A : memref<!tpu.dma_semaphore, #tpu.memory_space<semaphore_mem>>) src(%dma_wait3A_204 : memref<80xi32, #tpu.memory_space<hbm>>) dst(%arg13 : memref<80xi32, #tpu.memory_space<vmem>>)
        tpu.yield
      }) : () -> ()
      "tpu.region"() ({
        %run_scoped3A = tpu.sem_alloc : memref<!tpu.dma_semaphore, #tpu.memory_space<semaphore_mem>>
        %dma_start3A = tpu.memref_slice %arg6[%add3A_185] : memref<320000xi32, #tpu.memory_space<hbm>> -> memref<80xi32, #tpu.memory_space<hbm>>
        %dma_start3A_203 = tpu.memref_slice %arg6[%add3A_185] : memref<320000xi32, #tpu.memory_space<hbm>> -> memref<80xi32, #tpu.memory_space<hbm>>
        tpu.enqueue_dma source(%dma_start3A_203 : memref<80xi32, #tpu.memory_space<hbm>>) target(%arg14 : memref<80xi32, #tpu.memory_space<vmem>>) target_semaphore(%run_scoped3A : memref<!tpu.dma_semaphore, #tpu.memory_space<semaphore_mem>>)
        %dma_wait3A = tpu.memref_slice %arg6[%add3A_185] : memref<320000xi32, #tpu.memory_space<hbm>> -> memref<80xi32, #tpu.memory_space<hbm>>
        %dma_wait3A_204 = tpu.memref_slice %arg6[%add3A_185] : memref<320000xi32, #tpu.memory_space<hbm>> -> memref<80xi32, #tpu.memory_space<hbm>>
        tpu.wait_dma2 semaphore(%run_scoped3A : memref<!tpu.dma_semaphore, #tpu.memory_space<semaphore_mem>>) src(%dma_wait3A_204 : memref<80xi32, #tpu.memory_space<hbm>>) dst(%arg14 : memref<80xi32, #tpu.memory_space<vmem>>)
        tpu.yield
      }) : () -> ()
      "tpu.region"() ({
        %run_scoped3A = tpu.sem_alloc : memref<!tpu.dma_semaphore, #tpu.memory_space<semaphore_mem>>
        %dma_start3A = arith.constant 0 : i32
        %dma_start3A_203 = tpu.memref_slice %arg3[%add3A_185, %dma_start3A] : memref<320000x16xf32, #tpu.memory_space<hbm>> -> memref<80x16xf32, #tpu.memory_space<hbm>>
        %dma_start3A_204 = arith.constant 0 : i32
        %dma_start3A_205 = tpu.memref_slice %arg3[%add3A_185, %dma_start3A_204] : memref<320000x16xf32, #tpu.memory_space<hbm>> -> memref<80x16xf32, #tpu.memory_space<hbm>>
        tpu.enqueue_dma source(%dma_start3A_205 : memref<80x16xf32, #tpu.memory_space<hbm>>) target(%arg11 : memref<80x16xf32, #tpu.memory_space<vmem>>) target_semaphore(%run_scoped3A : memref<!tpu.dma_semaphore, #tpu.memory_space<semaphore_mem>>)
        %dma_wait3A = arith.constant 0 : i32
        %dma_wait3A_206 = tpu.memref_slice %arg3[%add3A_185, %dma_wait3A] : memref<320000x16xf32, #tpu.memory_space<hbm>> -> memref<80x16xf32, #tpu.memory_space<hbm>>
        %dma_wait3A_207 = arith.constant 0 : i32
        %dma_wait3A_208 = tpu.memref_slice %arg3[%add3A_185, %dma_wait3A_207] : memref<320000x16xf32, #tpu.memory_space<hbm>> -> memref<80x16xf32, #tpu.memory_space<hbm>>
        tpu.wait_dma2 semaphore(%run_scoped3A : memref<!tpu.dma_semaphore, #tpu.memory_space<semaphore_mem>>) src(%dma_wait3A_208 : memref<80x16xf32, #tpu.memory_space<hbm>>) dst(%arg11 : memref<80x16xf32, #tpu.memory_space<vmem>>)
        tpu.yield
      }) : () -> ()
      "tpu.region"() ({
        %run_scoped3A = tpu.sem_alloc : memref<!tpu.dma_semaphore, #tpu.memory_space<semaphore_mem>>
        %dma_start3A = arith.constant 0 : i32
        %dma_start3A_203 = arith.constant 0 : i32
        %dma_start3A_204 = tpu.memref_slice %arg2[%dma_start3A, %dma_start3A_203] : memref<10000x128xf32, #tpu.memory_space<hbm>> -> memref<10000x128xf32, #tpu.memory_space<hbm>>
        tpu.enqueue_indirect_dma source(%dma_start3A_204 : memref<10000x128xf32, #tpu.memory_space<hbm>>) target(%arg9 : memref<80x128xf32, #tpu.memory_space<vmem>>) offsets(%arg14 : memref<80xi32, #tpu.memory_space<vmem>>) semaphore(%run_scoped3A : memref<!tpu.dma_semaphore, #tpu.memory_space<semaphore_mem>>)
        %dma_wait3A = arith.constant 0 : i32
        %dma_wait3A_205 = arith.constant 0 : i32
        %dma_wait3A_206 = tpu.memref_slice %arg2[%dma_wait3A, %dma_wait3A_205] : memref<10000x128xf32, #tpu.memory_space<hbm>> -> memref<10000x128xf32, #tpu.memory_space<hbm>>
        tpu.wait_indirect_dma semaphore(%run_scoped3A : memref<!tpu.dma_semaphore, #tpu.memory_space<semaphore_mem>>) src(%dma_wait3A_206 : memref<10000x128xf32, #tpu.memory_space<hbm>>) dst(%arg9 : memref<80x128xf32, #tpu.memory_space<vmem>>)
        tpu.yield
      }) : () -> ()
      "tpu.region"() ({
        %run_scoped3A = tpu.sem_alloc : memref<!tpu.dma_semaphore, #tpu.memory_space<semaphore_mem>>
        %dma_start3A = arith.constant 0 : i32
        %dma_start3A_203 = arith.constant 0 : i32
        %dma_start3A_204 = tpu.memref_slice %arg4[%dma_start3A, %dma_start3A_203] : memref<10000x16xf32, #tpu.memory_space<hbm>> -> memref<10000x16xf32, #tpu.memory_space<hbm>>
        tpu.enqueue_indirect_dma source(%dma_start3A_204 : memref<10000x16xf32, #tpu.memory_space<hbm>>) target(%arg12 : memref<80x16xf32, #tpu.memory_space<vmem>>) offsets(%arg13 : memref<80xi32, #tpu.memory_space<vmem>>) semaphore(%run_scoped3A : memref<!tpu.dma_semaphore, #tpu.memory_space<semaphore_mem>>)
        %dma_wait3A = arith.constant 0 : i32
        %dma_wait3A_205 = arith.constant 0 : i32
        %dma_wait3A_206 = tpu.memref_slice %arg4[%dma_wait3A, %dma_wait3A_205] : memref<10000x16xf32, #tpu.memory_space<hbm>> -> memref<10000x16xf32, #tpu.memory_space<hbm>>
        tpu.wait_indirect_dma semaphore(%run_scoped3A : memref<!tpu.dma_semaphore, #tpu.memory_space<semaphore_mem>>) src(%dma_wait3A_206 : memref<10000x16xf32, #tpu.memory_space<hbm>>) dst(%arg12 : memref<80x16xf32, #tpu.memory_space<vmem>>)
        tpu.yield
      }) : () -> ()
      %get3A = arith.constant 4 : i32
      %get3A_186 = arith.index_cast %get3A : i32 to index
      %get3A_187 = arith.constant 0 : index
      %get3A_188 = tpu.vector_load %arg15[%get3A_186, %get3A_187] {strides = array<i32>} : memref<16x16xf32, #tpu.memory_space<vmem>>, vector<1x16xf32>,
      %get3A_189 = vector.shape_cast %get3A_188 : vector<1x16xf32> to vector<16xf32>
      %get3A_190 = arith.constant 5 : i32
      %get3A_191 = arith.index_cast %get3A_190 : i32 to index
      %get3A_192 = arith.constant 0 : index
      %get3A_193 = tpu.vector_load %arg15[%get3A_191, %get3A_192] {strides = array<i32>} : memref<16x16xf32, #tpu.memory_space<vmem>>, vector<1x16xf32>,
      %get3A_194 = vector.shape_cast %get3A_193 : vector<1x16xf32> to vector<16xf32>
      %scan3A_195 = arith.constant 0 : i32
      %scan3A_196 = arith.constant 0 : i32
      %scan3A_197 = arith.constant 80 : i32
      %scan3A_198 = arith.addi %scan3A_196, %scan3A_197 : i32
      %scan3A_199 = arith.constant 1 : i32
      %scan3A_200 = scf.for %scan3A_203 = %scan3A_196 to %scan3A_198 step %scan3A_199 iter_args(%scan3A_204 = %scan3A_195) -> (i32)  : i32 {
        %get3A_205 = arith.index_cast %scan3A_203 : i32 to index
        %get3A_206 = arith.constant 0 : index
        %get3A_207 = tpu.vector_load %arg11[%get3A_205, %get3A_206] {strides = array<i32>} : memref<80x16xf32, #tpu.memory_space<vmem>>, vector<1x16xf32>,
        %get3A_208 = vector.shape_cast %get3A_207 : vector<1x16xf32> to vector<16xf32>
        %get3A_209 = arith.index_cast %scan3A_203 : i32 to index
        %get3A_210 = arith.constant 0 : index
        %get3A_211 = tpu.vector_load %arg12[%get3A_209, %get3A_210] {strides = array<i32>} : memref<80x16xf32, #tpu.memory_space<vmem>>, vector<1x16xf32>,
        %get3A_212 = vector.shape_cast %get3A_211 : vector<1x16xf32> to vector<16xf32>
        %mul3A_213 = arith.mulf %get3A_208, %get3A_212 : vector<16xf32>
        %mul3A_214 = arith.mulf %mul3A_213, %get3A_189 : vector<16xf32>
        %rev3A = arith.constant 15 : i32
        %rev3A_215 = vector.broadcast %rev3A : i32 to vector<16xi32>
        %rev3A_216 = tpu.iota {dimensions = array<i32: 0>} : vector<16xi32>
        %rev3A_217 = arith.subi %rev3A_215, %rev3A_216 : vector<16xi32>
        %rev3A_218 = tpu.dynamic_gather %mul3A_214[%rev3A_217] in [0] : vector<16xf32>, vector<16xi32> -> vector<16xf32>
        %add3A_219 = arith.addf %mul3A_214, %rev3A_218 : vector<16xf32>
        %slice3A = vector.extract_strided_slice %mul3A_214 {offsets = [0], sizes = [1], strides = [1]} : vector<16xf32> to vector<1xf32>
        %squeeze3A = vector.extract %slice3A[0] : f32 from vector<1xf32>
        %broadcast_in_dim3A_220 = vector.broadcast %squeeze3A : f32 to vector<16xf32>
        %add3A_221 = arith.addf %broadcast_in_dim3A_1, %broadcast_in_dim3A_220 : vector<16xf32>
        %slice3A_222 = vector.extract_strided_slice %mul3A_214 {offsets = [1], sizes = [1], strides = [1]} : vector<16xf32> to vector<1xf32>
        %squeeze3A_223 = vector.extract %slice3A_222[0] : f32 from vector<1xf32>
        %broadcast_in_dim3A_224 = vector.broadcast %squeeze3A_223 : f32 to vector<16xf32>
        %add3A_225 = arith.addf %add3A_221, %broadcast_in_dim3A_224 : vector<16xf32>
        %slice3A_226 = vector.extract_strided_slice %mul3A_214 {offsets = [2], sizes = [1], strides = [1]} : vector<16xf32> to vector<1xf32>
        %squeeze3A_227 = vector.extract %slice3A_226[0] : f32 from vector<1xf32>
        %broadcast_in_dim3A_228 = vector.broadcast %squeeze3A_227 : f32 to vector<16xf32>
        %add3A_229 = arith.addf %add3A_225, %broadcast_in_dim3A_228 : vector<16xf32>
        %slice3A_230 = vector.extract_strided_slice %mul3A_214 {offsets = [3], sizes = [1], strides = [1]} : vector<16xf32> to vector<1xf32>
        %squeeze3A_231 = vector.extract %slice3A_230[0] : f32 from vector<1xf32>
        %broadcast_in_dim3A_232 = vector.broadcast %squeeze3A_231 : f32 to vector<16xf32>
        %add3A_233 = arith.addf %add3A_229, %broadcast_in_dim3A_232 : vector<16xf32>
        %slice3A_234 = vector.extract_strided_slice %mul3A_214 {offsets = [4], sizes = [1], strides = [1]} : vector<16xf32> to vector<1xf32>
        %squeeze3A_235 = vector.extract %slice3A_234[0] : f32 from vector<1xf32>
        %broadcast_in_dim3A_236 = vector.broadcast %squeeze3A_235 : f32 to vector<16xf32>
        %add3A_237 = arith.addf %add3A_233, %broadcast_in_dim3A_236 : vector<16xf32>
        %slice3A_238 = vector.extract_strided_slice %mul3A_214 {offsets = [5], sizes = [1], strides = [1]} : vector<16xf32> to vector<1xf32>
        %squeeze3A_239 = vector.extract %slice3A_238[0] : f32 from vector<1xf32>
        %broadcast_in_dim3A_240 = vector.broadcast %squeeze3A_239 : f32 to vector<16xf32>
        %add3A_241 = arith.addf %add3A_237, %broadcast_in_dim3A_240 : vector<16xf32>
        %slice3A_242 = vector.extract_strided_slice %mul3A_214 {offsets = [6], sizes = [1], strides = [1]} : vector<16xf32> to vector<1xf32>
        %squeeze3A_243 = vector.extract %slice3A_242[0] : f32 from vector<1xf32>
        %broadcast_in_dim3A_244 = vector.broadcast %squeeze3A_243 : f32 to vector<16xf32>
        %add3A_245 = arith.addf %add3A_241, %broadcast_in_dim3A_244 : vector<16xf32>
        %slice3A_246 = vector.extract_strided_slice %mul3A_214 {offsets = [7], sizes = [1], strides = [1]} : vector<16xf32> to vector<1xf32>
        %squeeze3A_247 = vector.extract %slice3A_246[0] : f32 from vector<1xf32>
        %broadcast_in_dim3A_248 = vector.broadcast %squeeze3A_247 : f32 to vector<16xf32>
        %add3A_249 = arith.addf %add3A_245, %broadcast_in_dim3A_248 : vector<16xf32>
        %mul3A_250 = arith.constant 1.250000e-01 : f32
        %mul3A_251 = vector.broadcast %mul3A_250 : f32 to vector<16xf32>
        %mul3A_252 = arith.mulf %add3A_249, %mul3A_251 : vector<16xf32>
        %get3A_253 = arith.index_cast %scan3A_203 : i32 to index
        %get3A_254 = arith.constant 0 : index
        %get3A_255 = tpu.vector_load %arg9[%get3A_253, %get3A_254] {strides = array<i32>} : memref<80x128xf32, #tpu.memory_space<vmem>>, vector<1x16xf32>,
        %get3A_256 = vector.shape_cast %get3A_255 : vector<1x16xf32> to vector<16xf32>
        %mul3A_257 = arith.mulf %get3A_256, %add3A_219 : vector<16xf32>
        %swap3A = arith.index_cast %scan3A_203 : i32 to index
        %swap3A_258 = arith.constant 0 : index
        %swap3A_259 = tpu.vector_load %arg10[%swap3A, %swap3A_258] {strides = array<i32>} : memref<80x144xf32, #tpu.memory_space<vmem>>, vector<1x16xf32>,
        %swap3A_260 = vector.shape_cast %swap3A_259 : vector<1x16xf32> to vector<16xf32>
        %swap3A_261 = vector.shape_cast %mul3A_257 : vector<16xf32> to vector<1x16xf32>
        tpu.vector_store %arg10[%swap3A, %swap3A_258], %swap3A_261 {strides = array<i32>} : memref<80x144xf32, #tpu.memory_space<vmem>>, vector<1x16xf32>,
        %get3A_262 = arith.index_cast %scan3A_203 : i32 to index
        %get3A_263 = arith.constant 16 : index
        %get3A_264 = tpu.vector_load %arg9[%get3A_262, %get3A_263] {strides = array<i32>} : memref<80x128xf32, #tpu.memory_space<vmem>>, vector<1x16xf32>,
        %get3A_265 = vector.shape_cast %get3A_264 : vector<1x16xf32> to vector<16xf32>
        %mul3A_266 = arith.mulf %get3A_265, %add3A_219 : vector<16xf32>
        %swap3A_267 = arith.index_cast %scan3A_203 : i32 to index
        %swap3A_268 = arith.constant 16 : index
        %swap3A_269 = tpu.vector_load %arg10[%swap3A_267, %swap3A_268] {strides = array<i32>} : memref<80x144xf32, #tpu.memory_space<vmem>>, vector<1x16xf32>,
        %swap3A_270 = vector.shape_cast %swap3A_269 : vector<1x16xf32> to vector<16xf32>
        %swap3A_271 = vector.shape_cast %mul3A_266 : vector<16xf32> to vector<1x16xf32>
        tpu.vector_store %arg10[%swap3A_267, %swap3A_268], %swap3A_271 {strides = array<i32>} : memref<80x144xf32, #tpu.memory_space<vmem>>, vector<1x16xf32>,
        %get3A_272 = arith.index_cast %scan3A_203 : i32 to index
        %get3A_273 = arith.constant 32 : index
        %get3A_274 = tpu.vector_load %arg9[%get3A_272, %get3A_273] {strides = array<i32>} : memref<80x128xf32, #tpu.memory_space<vmem>>, vector<1x16xf32>,
        %get3A_275 = vector.shape_cast %get3A_274 : vector<1x16xf32> to vector<16xf32>
        %mul3A_276 = arith.mulf %get3A_275, %add3A_219 : vector<16xf32>
        %swap3A_277 = arith.index_cast %scan3A_203 : i32 to index
        %swap3A_278 = arith.constant 32 : index
        %swap3A_279 = tpu.vector_load %arg10[%swap3A_277, %swap3A_278] {strides = array<i32>} : memref<80x144xf32, #tpu.memory_space<vmem>>, vector<1x16xf32>,
        %swap3A_280 = vector.shape_cast %swap3A_279 : vector<1x16xf32> to vector<16xf32>
        %swap3A_281 = vector.shape_cast %mul3A_276 : vector<16xf32> to vector<1x16xf32>
        tpu.vector_store %arg10[%swap3A_277, %swap3A_278], %swap3A_281 {strides = array<i32>} : memref<80x144xf32, #tpu.memory_space<vmem>>, vector<1x16xf32>,
        %get3A_282 = arith.index_cast %scan3A_203 : i32 to index
        %get3A_283 = arith.constant 48 : index
        %get3A_284 = tpu.vector_load %arg9[%get3A_282, %get3A_283] {strides = array<i32>} : memref<80x128xf32, #tpu.memory_space<vmem>>, vector<1x16xf32>,
        %get3A_285 = vector.shape_cast %get3A_284 : vector<1x16xf32> to vector<16xf32>
        %mul3A_286 = arith.mulf %get3A_285, %add3A_219 : vector<16xf32>
        %swap3A_287 = arith.index_cast %scan3A_203 : i32 to index
        %swap3A_288 = arith.constant 48 : index
        %swap3A_289 = tpu.vector_load %arg10[%swap3A_287, %swap3A_288] {strides = array<i32>} : memref<80x144xf32, #tpu.memory_space<vmem>>, vector<1x16xf32>,
        %swap3A_290 = vector.shape_cast %swap3A_289 : vector<1x16xf32> to vector<16xf32>
        %swap3A_291 = vector.shape_cast %mul3A_286 : vector<16xf32> to vector<1x16xf32>
        tpu.vector_store %arg10[%swap3A_287, %swap3A_288], %swap3A_291 {strides = array<i32>} : memref<80x144xf32, #tpu.memory_space<vmem>>, vector<1x16xf32>,
        %get3A_292 = arith.index_cast %scan3A_203 : i32 to index
        %get3A_293 = arith.constant 64 : index
        %get3A_294 = tpu.vector_load %arg9[%get3A_292, %get3A_293] {strides = array<i32>} : memref<80x128xf32, #tpu.memory_space<vmem>>, vector<1x16xf32>,
        %get3A_295 = vector.shape_cast %get3A_294 : vector<1x16xf32> to vector<16xf32>
        %mul3A_296 = arith.mulf %get3A_295, %add3A_219 : vector<16xf32>
        %swap3A_297 = arith.index_cast %scan3A_203 : i32 to index
        %swap3A_298 = arith.constant 64 : index
        %swap3A_299 = tpu.vector_load %arg10[%swap3A_297, %swap3A_298] {strides = array<i32>} : memref<80x144xf32, #tpu.memory_space<vmem>>, vector<1x16xf32>,
        %swap3A_300 = vector.shape_cast %swap3A_299 : vector<1x16xf32> to vector<16xf32>
        %swap3A_301 = vector.shape_cast %mul3A_296 : vector<16xf32> to vector<1x16xf32>
        tpu.vector_store %arg10[%swap3A_297, %swap3A_298], %swap3A_301 {strides = array<i32>} : memref<80x144xf32, #tpu.memory_space<vmem>>, vector<1x16xf32>,
        %get3A_302 = arith.index_cast %scan3A_203 : i32 to index
        %get3A_303 = arith.constant 80 : index
        %get3A_304 = tpu.vector_load %arg9[%get3A_302, %get3A_303] {strides = array<i32>} : memref<80x128xf32, #tpu.memory_space<vmem>>, vector<1x16xf32>,
        %get3A_305 = vector.shape_cast %get3A_304 : vector<1x16xf32> to vector<16xf32>
        %mul3A_306 = arith.mulf %get3A_305, %add3A_219 : vector<16xf32>
        %swap3A_307 = arith.index_cast %scan3A_203 : i32 to index
        %swap3A_308 = arith.constant 80 : index
        %swap3A_309 = tpu.vector_load %arg10[%swap3A_307, %swap3A_308] {strides = array<i32>} : memref<80x144xf32, #tpu.memory_space<vmem>>, vector<1x16xf32>,
        %swap3A_310 = vector.shape_cast %swap3A_309 : vector<1x16xf32> to vector<16xf32>
        %swap3A_311 = vector.shape_cast %mul3A_306 : vector<16xf32> to vector<1x16xf32>
        tpu.vector_store %arg10[%swap3A_307, %swap3A_308], %swap3A_311 {strides = array<i32>} : memref<80x144xf32, #tpu.memory_space<vmem>>, vector<1x16xf32>,
        %get3A_312 = arith.index_cast %scan3A_203 : i32 to index
        %get3A_313 = arith.constant 96 : index
        %get3A_314 = tpu.vector_load %arg9[%get3A_312, %get3A_313] {strides = array<i32>} : memref<80x128xf32, #tpu.memory_space<vmem>>, vector<1x16xf32>,
        %get3A_315 = vector.shape_cast %get3A_314 : vector<1x16xf32> to vector<16xf32>
        %mul3A_316 = arith.mulf %get3A_315, %add3A_219 : vector<16xf32>
        %swap3A_317 = arith.index_cast %scan3A_203 : i32 to index
        %swap3A_318 = arith.constant 96 : index
        %swap3A_319 = tpu.vector_load %arg10[%swap3A_317, %swap3A_318] {strides = array<i32>} : memref<80x144xf32, #tpu.memory_space<vmem>>, vector<1x16xf32>,
        %swap3A_320 = vector.shape_cast %swap3A_319 : vector<1x16xf32> to vector<16xf32>
        %swap3A_321 = vector.shape_cast %mul3A_316 : vector<16xf32> to vector<1x16xf32>
        tpu.vector_store %arg10[%swap3A_317, %swap3A_318], %swap3A_321 {strides = array<i32>} : memref<80x144xf32, #tpu.memory_space<vmem>>, vector<1x16xf32>,
        %get3A_322 = arith.index_cast %scan3A_203 : i32 to index
        %get3A_323 = arith.constant 112 : index
        %get3A_324 = tpu.vector_load %arg9[%get3A_322, %get3A_323] {strides = array<i32>} : memref<80x128xf32, #tpu.memory_space<vmem>>, vector<1x16xf32>,
        %get3A_325 = vector.shape_cast %get3A_324 : vector<1x16xf32> to vector<16xf32>
        %mul3A_326 = arith.mulf %get3A_325, %add3A_219 : vector<16xf32>
        %swap3A_327 = arith.index_cast %scan3A_203 : i32 to index
        %swap3A_328 = arith.constant 112 : index
        %swap3A_329 = tpu.vector_load %arg10[%swap3A_327, %swap3A_328] {strides = array<i32>} : memref<80x144xf32, #tpu.memory_space<vmem>>, vector<1x16xf32>,
        %swap3A_330 = vector.shape_cast %swap3A_329 : vector<1x16xf32> to vector<16xf32>
        %swap3A_331 = vector.shape_cast %mul3A_326 : vector<16xf32> to vector<1x16xf32>
        tpu.vector_store %arg10[%swap3A_327, %swap3A_328], %swap3A_331 {strides = array<i32>} : memref<80x144xf32, #tpu.memory_space<vmem>>, vector<1x16xf32>,
        %mul3A_332 = arith.mulf %get3A_208, %mul3A_252 : vector<16xf32>
        %mul3A_333 = arith.mulf %mul3A_332, %get3A_194 : vector<16xf32>
        %swap3A_334 = arith.index_cast %scan3A_203 : i32 to index
        %swap3A_335 = arith.constant 128 : index
        %swap3A_336 = tpu.vector_load %arg10[%swap3A_334, %swap3A_335] {strides = array<i32>} : memref<80x144xf32, #tpu.memory_space<vmem>>, vector<1x16xf32>,
        %swap3A_337 = vector.shape_cast %swap3A_336 : vector<1x16xf32> to vector<16xf32>
        %swap3A_338 = vector.shape_cast %mul3A_333 : vector<16xf32> to vector<1x16xf32>
        tpu.vector_store %arg10[%swap3A_334, %swap3A_335], %swap3A_338 {strides = array<i32>} : memref<80x144xf32, #tpu.memory_space<vmem>>, vector<1x16xf32>,
        %scan3A_339 = arith.constant 0 : i32
        scf.yield %scan3A_339 : i32
      }
      %scan3A_201 = arith.constant 80 : i32
      "tpu.region"() ({
        %run_scoped3A = tpu.sem_alloc : memref<!tpu.dma_semaphore, #tpu.memory_space<semaphore_mem>>
        %dma_start3A = arith.constant 0 : i32
        %dma_start3A_203 = arith.constant 0 : i32
        %dma_start3A_204 = tpu.memref_slice %arg17[%dma_start3A, %dma_start3A_203] : memref<10000x144xf32, #tpu.memory_space<vmem_shared>> -> memref<10000x144xf32, #tpu.memory_space<vmem_shared>>
        tpu.enqueue_indirect_dma source(%arg10 : memref<80x144xf32, #tpu.memory_space<vmem>>) target(%dma_start3A_204 : memref<10000x144xf32, #tpu.memory_space<vmem_shared>>) offsets(%arg13 : memref<80xi32, #tpu.memory_space<vmem>>) semaphore(%run_scoped3A : memref<!tpu.dma_semaphore, #tpu.memory_space<semaphore_mem>>) {add = true}
        %dma_wait3A = arith.constant 0 : i32
        %dma_wait3A_205 = arith.constant 0 : i32
        %dma_wait3A_206 = tpu.memref_slice %arg17[%dma_wait3A, %dma_wait3A_205] : memref<10000x144xf32, #tpu.memory_space<vmem_shared>> -> memref<10000x144xf32, #tpu.memory_space<vmem_shared>>
        tpu.wait_indirect_dma semaphore(%run_scoped3A : memref<!tpu.dma_semaphore, #tpu.memory_space<semaphore_mem>>) src(%arg10 : memref<80x144xf32, #tpu.memory_space<vmem>>) dst(%dma_wait3A_206 : memref<10000x144xf32, #tpu.memory_space<vmem_shared>>)
        tpu.yield
      }) : () -> ()
      %scan3A_202 = arith.constant 0 : i32
      scf.yield %scan3A_202 : i32
    }
    %scan3A_70 = arith.constant 125 : i32
    %barrier3A_71 = arith.constant 0 : index
    tpu.barrier barrier_id(%barrier3A_71)
    %mul3A_72 = arith.constant 624 : i32
    %mul3A_73 = arith.muli %arg1, %mul3A_72 : i32
    %add3A_74 = arith.constant 0 : i32
    %add3A_75 = arith.addi %mul3A_73, %add3A_74 : i32
    "tpu.region"() ({
      %run_scoped3A = tpu.sem_alloc : memref<!tpu.dma_semaphore, #tpu.memory_space<semaphore_mem>>
      %dma_start3A = arith.constant 0 : i32
      %dma_start3A_181 = tpu.memref_slice %arg17[%add3A_75, %dma_start3A] : memref<10000x144xf32, #tpu.memory_space<vmem_shared>> -> memref<48x144xf32, #tpu.memory_space<vmem_shared>>
      %dma_start3A_182 = arith.constant 0 : i32
      %dma_start3A_183 = tpu.memref_slice %arg17[%add3A_75, %dma_start3A_182] : memref<10000x144xf32, #tpu.memory_space<vmem_shared>> -> memref<48x144xf32, #tpu.memory_space<vmem_shared>>
      tpu.enqueue_dma source(%dma_start3A_183 : memref<48x144xf32, #tpu.memory_space<vmem_shared>>) target(%arg16 : memref<48x144xf32, #tpu.memory_space<vmem>>) target_semaphore(%run_scoped3A : memref<!tpu.dma_semaphore, #tpu.memory_space<semaphore_mem>>)
      %dma_wait3A = arith.constant 0 : i32
      %dma_wait3A_184 = tpu.memref_slice %arg17[%add3A_75, %dma_wait3A] : memref<10000x144xf32, #tpu.memory_space<vmem_shared>> -> memref<48x144xf32, #tpu.memory_space<vmem_shared>>
      %dma_wait3A_185 = arith.constant 0 : i32
      %dma_wait3A_186 = tpu.memref_slice %arg17[%add3A_75, %dma_wait3A_185] : memref<10000x144xf32, #tpu.memory_space<vmem_shared>> -> memref<48x144xf32, #tpu.memory_space<vmem_shared>>
      tpu.wait_dma2 semaphore(%run_scoped3A : memref<!tpu.dma_semaphore, #tpu.memory_space<semaphore_mem>>) src(%dma_wait3A_186 : memref<48x144xf32, #tpu.memory_space<vmem_shared>>) dst(%arg16 : memref<48x144xf32, #tpu.memory_space<vmem>>)
      tpu.yield
    }) : () -> ()
    %mul3A_76 = arith.constant 624 : i32
    %mul3A_77 = arith.muli %arg1, %mul3A_76 : i32
    %add3A_78 = arith.constant 0 : i32
    %add3A_79 = arith.addi %mul3A_77, %add3A_78 : i32
    "tpu.region"() ({
      %run_scoped3A = tpu.sem_alloc : memref<!tpu.dma_semaphore, #tpu.memory_space<semaphore_mem>>
      %dma_start3A = arith.constant 0 : i32
      %dma_start3A_181 = tpu.memref_slice %arg8[%arg0, %add3A_79, %dma_start3A] : memref<2x10000x144xf32, #tpu.memory_space<hbm>> -> memref<1x48x144xf32, #tpu.memory_space<hbm>>
      %dma_start3A_182 = tpu.memref_squeeze %dma_start3A_181 : memref<1x48x144xf32, #tpu.memory_space<hbm>> -> memref<48x144xf32, #tpu.memory_space<hbm>>
      %dma_start3A_183 = arith.constant 0 : i32
      %dma_start3A_184 = tpu.memref_slice %arg8[%arg0, %add3A_79, %dma_start3A_183] : memref<2x10000x144xf32, #tpu.memory_space<hbm>> -> memref<1x48x144xf32, #tpu.memory_space<hbm>>
      %dma_start3A_185 = tpu.memref_squeeze %dma_start3A_184 : memref<1x48x144xf32, #tpu.memory_space<hbm>> -> memref<48x144xf32, #tpu.memory_space<hbm>>
      tpu.enqueue_dma source(%arg16 : memref<48x144xf32, #tpu.memory_space<vmem>>) target(%dma_start3A_185 : memref<48x144xf32, #tpu.memory_space<hbm>>) target_semaphore(%run_scoped3A : memref<!tpu.dma_semaphore, #tpu.memory_space<semaphore_mem>>)
      %dma_wait3A = arith.constant 0 : i32
      %dma_wait3A_186 = tpu.memref_slice %arg8[%arg0, %add3A_79, %dma_wait3A] : memref<2x10000x144xf32, #tpu.memory_space<hbm>> -> memref<1x48x144xf32, #tpu.memory_space<hbm>>
      %dma_wait3A_187 = tpu.memref_squeeze %dma_wait3A_186 : memref<1x48x144xf32, #tpu.memory_space<hbm>> -> memref<48x144xf32, #tpu.memory_space<hbm>>
      %dma_wait3A_188 = arith.constant 0 : i32
      %dma_wait3A_189 = tpu.memref_slice %arg8[%arg0, %add3A_79, %dma_wait3A_188] : memref<2x10000x144xf32, #tpu.memory_space<hbm>> -> memref<1x48x144xf32, #tpu.memory_space<hbm>>
      %dma_wait3A_190 = tpu.memref_squeeze %dma_wait3A_189 : memref<1x48x144xf32, #tpu.memory_space<hbm>> -> memref<48x144xf32, #tpu.memory_space<hbm>>
      tpu.wait_dma2 semaphore(%run_scoped3A : memref<!tpu.dma_semaphore, #tpu.memory_space<semaphore_mem>>) src(%arg16 : memref<48x144xf32, #tpu.memory_space<vmem>>) dst(%dma_wait3A_190 : memref<48x144xf32, #tpu.memory_space<hbm>>)
      tpu.yield
    }) : () -> ()
    %mul3A_80 = arith.constant 624 : i32
    %mul3A_81 = arith.muli %arg1, %mul3A_80 : i32
    %add3A_82 = arith.constant 48 : i32
    %add3A_83 = arith.addi %mul3A_81, %add3A_82 : i32
    "tpu.region"() ({
      %run_scoped3A = tpu.sem_alloc : memref<!tpu.dma_semaphore, #tpu.memory_space<semaphore_mem>>
      %dma_start3A = arith.constant 0 : i32
      %dma_start3A_181 = tpu.memref_slice %arg17[%add3A_83, %dma_start3A] : memref<10000x144xf32, #tpu.memory_space<vmem_shared>> -> memref<48x144xf32, #tpu.memory_space<vmem_shared>>
      %dma_start3A_182 = arith.constant 0 : i32
      %dma_start3A_183 = tpu.memref_slice %arg17[%add3A_83, %dma_start3A_182] : memref<10000x144xf32, #tpu.memory_space<vmem_shared>> -> memref<48x144xf32, #tpu.memory_space<vmem_shared>>
      tpu.enqueue_dma source(%dma_start3A_183 : memref<48x144xf32, #tpu.memory_space<vmem_shared>>) target(%arg16 : memref<48x144xf32, #tpu.memory_space<vmem>>) target_semaphore(%run_scoped3A : memref<!tpu.dma_semaphore, #tpu.memory_space<semaphore_mem>>)
      %dma_wait3A = arith.constant 0 : i32
      %dma_wait3A_184 = tpu.memref_slice %arg17[%add3A_83, %dma_wait3A] : memref<10000x144xf32, #tpu.memory_space<vmem_shared>> -> memref<48x144xf32, #tpu.memory_space<vmem_shared>>
      %dma_wait3A_185 = arith.constant 0 : i32
      %dma_wait3A_186 = tpu.memref_slice %arg17[%add3A_83, %dma_wait3A_185] : memref<10000x144xf32, #tpu.memory_space<vmem_shared>> -> memref<48x144xf32, #tpu.memory_space<vmem_shared>>
      tpu.wait_dma2 semaphore(%run_scoped3A : memref<!tpu.dma_semaphore, #tpu.memory_space<semaphore_mem>>) src(%dma_wait3A_186 : memref<48x144xf32, #tpu.memory_space<vmem_shared>>) dst(%arg16 : memref<48x144xf32, #tpu.memory_space<vmem>>)
      tpu.yield
    }) : () -> ()
    %mul3A_84 = arith.constant 624 : i32
    %mul3A_85 = arith.muli %arg1, %mul3A_84 : i32
    %add3A_86 = arith.constant 48 : i32
    %add3A_87 = arith.addi %mul3A_85, %add3A_86 : i32
    "tpu.region"() ({
      %run_scoped3A = tpu.sem_alloc : memref<!tpu.dma_semaphore, #tpu.memory_space<semaphore_mem>>
      %dma_start3A = arith.constant 0 : i32
      %dma_start3A_181 = tpu.memref_slice %arg8[%arg0, %add3A_87, %dma_start3A] : memref<2x10000x144xf32, #tpu.memory_space<hbm>> -> memref<1x48x144xf32, #tpu.memory_space<hbm>>
      %dma_start3A_182 = tpu.memref_squeeze %dma_start3A_181 : memref<1x48x144xf32, #tpu.memory_space<hbm>> -> memref<48x144xf32, #tpu.memory_space<hbm>>
      %dma_start3A_183 = arith.constant 0 : i32
      %dma_start3A_184 = tpu.memref_slice %arg8[%arg0, %add3A_87, %dma_start3A_183] : memref<2x10000x144xf32, #tpu.memory_space<hbm>> -> memref<1x48x144xf32, #tpu.memory_space<hbm>>
      %dma_start3A_185 = tpu.memref_squeeze %dma_start3A_184 : memref<1x48x144xf32, #tpu.memory_space<hbm>> -> memref<48x144xf32, #tpu.memory_space<hbm>>
      tpu.enqueue_dma source(%arg16 : memref<48x144xf32, #tpu.memory_space<vmem>>) target(%dma_start3A_185 : memref<48x144xf32, #tpu.memory_space<hbm>>) target_semaphore(%run_scoped3A : memref<!tpu.dma_semaphore, #tpu.memory_space<semaphore_mem>>)
      %dma_wait3A = arith.constant 0 : i32
      %dma_wait3A_186 = tpu.memref_slice %arg8[%arg0, %add3A_87, %dma_wait3A] : memref<2x10000x144xf32, #tpu.memory_space<hbm>> -> memref<1x48x144xf32, #tpu.memory_space<hbm>>
      %dma_wait3A_187 = tpu.memref_squeeze %dma_wait3A_186 : memref<1x48x144xf32, #tpu.memory_space<hbm>> -> memref<48x144xf32, #tpu.memory_space<hbm>>
      %dma_wait3A_188 = arith.constant 0 : i32
      %dma_wait3A_189 = tpu.memref_slice %arg8[%arg0, %add3A_87, %dma_wait3A_188] : memref<2x10000x144xf32, #tpu.memory_space<hbm>> -> memref<1x48x144xf32, #tpu.memory_space<hbm>>
      %dma_wait3A_190 = tpu.memref_squeeze %dma_wait3A_189 : memref<1x48x144xf32, #tpu.memory_space<hbm>> -> memref<48x144xf32, #tpu.memory_space<hbm>>
      tpu.wait_dma2 semaphore(%run_scoped3A : memref<!tpu.dma_semaphore, #tpu.memory_space<semaphore_mem>>) src(%arg16 : memref<48x144xf32, #tpu.memory_space<vmem>>) dst(%dma_wait3A_190 : memref<48x144xf32, #tpu.memory_space<hbm>>)
      tpu.yield
    }) : () -> ()
    %mul3A_88 = arith.constant 624 : i32
    %mul3A_89 = arith.muli %arg1, %mul3A_88 : i32
    %add3A_90 = arith.constant 96 : i32
    %add3A_91 = arith.addi %mul3A_89, %add3A_90 : i32
    "tpu.region"() ({
      %run_scoped3A = tpu.sem_alloc : memref<!tpu.dma_semaphore, #tpu.memory_space<semaphore_mem>>
      %dma_start3A = arith.constant 0 : i32
      %dma_start3A_181 = tpu.memref_slice %arg17[%add3A_91, %dma_start3A] : memref<10000x144xf32, #tpu.memory_space<vmem_shared>> -> memref<48x144xf32, #tpu.memory_space<vmem_shared>>
      %dma_start3A_182 = arith.constant 0 : i32
      %dma_start3A_183 = tpu.memref_slice %arg17[%add3A_91, %dma_start3A_182] : memref<10000x144xf32, #tpu.memory_space<vmem_shared>> -> memref<48x144xf32, #tpu.memory_space<vmem_shared>>
      tpu.enqueue_dma source(%dma_start3A_183 : memref<48x144xf32, #tpu.memory_space<vmem_shared>>) target(%arg16 : memref<48x144xf32, #tpu.memory_space<vmem>>) target_semaphore(%run_scoped3A : memref<!tpu.dma_semaphore, #tpu.memory_space<semaphore_mem>>)
      %dma_wait3A = arith.constant 0 : i32
      %dma_wait3A_184 = tpu.memref_slice %arg17[%add3A_91, %dma_wait3A] : memref<10000x144xf32, #tpu.memory_space<vmem_shared>> -> memref<48x144xf32, #tpu.memory_space<vmem_shared>>
      %dma_wait3A_185 = arith.constant 0 : i32
      %dma_wait3A_186 = tpu.memref_slice %arg17[%add3A_91, %dma_wait3A_185] : memref<10000x144xf32, #tpu.memory_space<vmem_shared>> -> memref<48x144xf32, #tpu.memory_space<vmem_shared>>
      tpu.wait_dma2 semaphore(%run_scoped3A : memref<!tpu.dma_semaphore, #tpu.memory_space<semaphore_mem>>) src(%dma_wait3A_186 : memref<48x144xf32, #tpu.memory_space<vmem_shared>>) dst(%arg16 : memref<48x144xf32, #tpu.memory_space<vmem>>)
      tpu.yield
    }) : () -> ()
    %mul3A_92 = arith.constant 624 : i32
    %mul3A_93 = arith.muli %arg1, %mul3A_92 : i32
    %add3A_94 = arith.constant 96 : i32
    %add3A_95 = arith.addi %mul3A_93, %add3A_94 : i32
    "tpu.region"() ({
      %run_scoped3A = tpu.sem_alloc : memref<!tpu.dma_semaphore, #tpu.memory_space<semaphore_mem>>
      %dma_start3A = arith.constant 0 : i32
      %dma_start3A_181 = tpu.memref_slice %arg8[%arg0, %add3A_95, %dma_start3A] : memref<2x10000x144xf32, #tpu.memory_space<hbm>> -> memref<1x48x144xf32, #tpu.memory_space<hbm>>
      %dma_start3A_182 = tpu.memref_squeeze %dma_start3A_181 : memref<1x48x144xf32, #tpu.memory_space<hbm>> -> memref<48x144xf32, #tpu.memory_space<hbm>>
      %dma_start3A_183 = arith.constant 0 : i32
      %dma_start3A_184 = tpu.memref_slice %arg8[%arg0, %add3A_95, %dma_start3A_183] : memref<2x10000x144xf32, #tpu.memory_space<hbm>> -> memref<1x48x144xf32, #tpu.memory_space<hbm>>
      %dma_start3A_185 = tpu.memref_squeeze %dma_start3A_184 : memref<1x48x144xf32, #tpu.memory_space<hbm>> -> memref<48x144xf32, #tpu.memory_space<hbm>>
      tpu.enqueue_dma source(%arg16 : memref<48x144xf32, #tpu.memory_space<vmem>>) target(%dma_start3A_185 : memref<48x144xf32, #tpu.memory_space<hbm>>) target_semaphore(%run_scoped3A : memref<!tpu.dma_semaphore, #tpu.memory_space<semaphore_mem>>)
      %dma_wait3A = arith.constant 0 : i32
      %dma_wait3A_186 = tpu.memref_slice %arg8[%arg0, %add3A_95, %dma_wait3A] : memref<2x10000x144xf32, #tpu.memory_space<hbm>> -> memref<1x48x144xf32, #tpu.memory_space<hbm>>
      %dma_wait3A_187 = tpu.memref_squeeze %dma_wait3A_186 : memref<1x48x144xf32, #tpu.memory_space<hbm>> -> memref<48x144xf32, #tpu.memory_space<hbm>>
      %dma_wait3A_188 = arith.constant 0 : i32
      %dma_wait3A_189 = tpu.memref_slice %arg8[%arg0, %add3A_95, %dma_wait3A_188] : memref<2x10000x144xf32, #tpu.memory_space<hbm>> -> memref<1x48x144xf32, #tpu.memory_space<hbm>>
      %dma_wait3A_190 = tpu.memref_squeeze %dma_wait3A_189 : memref<1x48x144xf32, #tpu.memory_space<hbm>> -> memref<48x144xf32, #tpu.memory_space<hbm>>
      tpu.wait_dma2 semaphore(%run_scoped3A : memref<!tpu.dma_semaphore, #tpu.memory_space<semaphore_mem>>) src(%arg16 : memref<48x144xf32, #tpu.memory_space<vmem>>) dst(%dma_wait3A_190 : memref<48x144xf32, #tpu.memory_space<hbm>>)
      tpu.yield
    }) : () -> ()
    %mul3A_96 = arith.constant 624 : i32
    %mul3A_97 = arith.muli %arg1, %mul3A_96 : i32
    %add3A_98 = arith.constant 144 : i32
    %add3A_99 = arith.addi %mul3A_97, %add3A_98 : i32
    "tpu.region"() ({
      %run_scoped3A = tpu.sem_alloc : memref<!tpu.dma_semaphore, #tpu.memory_space<semaphore_mem>>
      %dma_start3A = arith.constant 0 : i32
      %dma_start3A_181 = tpu.memref_slice %arg17[%add3A_99, %dma_start3A] : memref<10000x144xf32, #tpu.memory_space<vmem_shared>> -> memref<48x144xf32, #tpu.memory_space<vmem_shared>>
      %dma_start3A_182 = arith.constant 0 : i32
      %dma_start3A_183 = tpu.memref_slice %arg17[%add3A_99, %dma_start3A_182] : memref<10000x144xf32, #tpu.memory_space<vmem_shared>> -> memref<48x144xf32, #tpu.memory_space<vmem_shared>>
      tpu.enqueue_dma source(%dma_start3A_183 : memref<48x144xf32, #tpu.memory_space<vmem_shared>>) target(%arg16 : memref<48x144xf32, #tpu.memory_space<vmem>>) target_semaphore(%run_scoped3A : memref<!tpu.dma_semaphore, #tpu.memory_space<semaphore_mem>>)
      %dma_wait3A = arith.constant 0 : i32
      %dma_wait3A_184 = tpu.memref_slice %arg17[%add3A_99, %dma_wait3A] : memref<10000x144xf32, #tpu.memory_space<vmem_shared>> -> memref<48x144xf32, #tpu.memory_space<vmem_shared>>
      %dma_wait3A_185 = arith.constant 0 : i32
      %dma_wait3A_186 = tpu.memref_slice %arg17[%add3A_99, %dma_wait3A_185] : memref<10000x144xf32, #tpu.memory_space<vmem_shared>> -> memref<48x144xf32, #tpu.memory_space<vmem_shared>>
      tpu.wait_dma2 semaphore(%run_scoped3A : memref<!tpu.dma_semaphore, #tpu.memory_space<semaphore_mem>>) src(%dma_wait3A_186 : memref<48x144xf32, #tpu.memory_space<vmem_shared>>) dst(%arg16 : memref<48x144xf32, #tpu.memory_space<vmem>>)
      tpu.yield
    }) : () -> ()
    %mul3A_100 = arith.constant 624 : i32
    %mul3A_101 = arith.muli %arg1, %mul3A_100 : i32
    %add3A_102 = arith.constant 144 : i32
    %add3A_103 = arith.addi %mul3A_101, %add3A_102 : i32
    "tpu.region"() ({
      %run_scoped3A = tpu.sem_alloc : memref<!tpu.dma_semaphore, #tpu.memory_space<semaphore_mem>>
      %dma_start3A = arith.constant 0 : i32
      %dma_start3A_181 = tpu.memref_slice %arg8[%arg0, %add3A_103, %dma_start3A] : memref<2x10000x144xf32, #tpu.memory_space<hbm>> -> memref<1x48x144xf32, #tpu.memory_space<hbm>>
      %dma_start3A_182 = tpu.memref_squeeze %dma_start3A_181 : memref<1x48x144xf32, #tpu.memory_space<hbm>> -> memref<48x144xf32, #tpu.memory_space<hbm>>
      %dma_start3A_183 = arith.constant 0 : i32
      %dma_start3A_184 = tpu.memref_slice %arg8[%arg0, %add3A_103, %dma_start3A_183] : memref<2x10000x144xf32, #tpu.memory_space<hbm>> -> memref<1x48x144xf32, #tpu.memory_space<hbm>>
      %dma_start3A_185 = tpu.memref_squeeze %dma_start3A_184 : memref<1x48x144xf32, #tpu.memory_space<hbm>> -> memref<48x144xf32, #tpu.memory_space<hbm>>
      tpu.enqueue_dma source(%arg16 : memref<48x144xf32, #tpu.memory_space<vmem>>) target(%dma_start3A_185 : memref<48x144xf32, #tpu.memory_space<hbm>>) target_semaphore(%run_scoped3A : memref<!tpu.dma_semaphore, #tpu.memory_space<semaphore_mem>>)
      %dma_wait3A = arith.constant 0 : i32
      %dma_wait3A_186 = tpu.memref_slice %arg8[%arg0, %add3A_103, %dma_wait3A] : memref<2x10000x144xf32, #tpu.memory_space<hbm>> -> memref<1x48x144xf32, #tpu.memory_space<hbm>>
      %dma_wait3A_187 = tpu.memref_squeeze %dma_wait3A_186 : memref<1x48x144xf32, #tpu.memory_space<hbm>> -> memref<48x144xf32, #tpu.memory_space<hbm>>
      %dma_wait3A_188 = arith.constant 0 : i32
      %dma_wait3A_189 = tpu.memref_slice %arg8[%arg0, %add3A_103, %dma_wait3A_188] : memref<2x10000x144xf32, #tpu.memory_space<hbm>> -> memref<1x48x144xf32, #tpu.memory_space<hbm>>
      %dma_wait3A_190 = tpu.memref_squeeze %dma_wait3A_189 : memref<1x48x144xf32, #tpu.memory_space<hbm>> -> memref<48x144xf32, #tpu.memory_space<hbm>>
      tpu.wait_dma2 semaphore(%run_scoped3A : memref<!tpu.dma_semaphore, #tpu.memory_space<semaphore_mem>>) src(%arg16 : memref<48x144xf32, #tpu.memory_space<vmem>>) dst(%dma_wait3A_190 : memref<48x144xf32, #tpu.memory_space<hbm>>)
      tpu.yield
    }) : () -> ()
    %mul3A_104 = arith.constant 624 : i32
    %mul3A_105 = arith.muli %arg1, %mul3A_104 : i32
    %add3A_106 = arith.constant 192 : i32
    %add3A_107 = arith.addi %mul3A_105, %add3A_106 : i32
    "tpu.region"() ({
      %run_scoped3A = tpu.sem_alloc : memref<!tpu.dma_semaphore, #tpu.memory_space<semaphore_mem>>
      %dma_start3A = arith.constant 0 : i32
      %dma_start3A_181 = tpu.memref_slice %arg17[%add3A_107, %dma_start3A] : memref<10000x144xf32, #tpu.memory_space<vmem_shared>> -> memref<48x144xf32, #tpu.memory_space<vmem_shared>>
      %dma_start3A_182 = arith.constant 0 : i32
      %dma_start3A_183 = tpu.memref_slice %arg17[%add3A_107, %dma_start3A_182] : memref<10000x144xf32, #tpu.memory_space<vmem_shared>> -> memref<48x144xf32, #tpu.memory_space<vmem_shared>>
      tpu.enqueue_dma source(%dma_start3A_183 : memref<48x144xf32, #tpu.memory_space<vmem_shared>>) target(%arg16 : memref<48x144xf32, #tpu.memory_space<vmem>>) target_semaphore(%run_scoped3A : memref<!tpu.dma_semaphore, #tpu.memory_space<semaphore_mem>>)
      %dma_wait3A = arith.constant 0 : i32
      %dma_wait3A_184 = tpu.memref_slice %arg17[%add3A_107, %dma_wait3A] : memref<10000x144xf32, #tpu.memory_space<vmem_shared>> -> memref<48x144xf32, #tpu.memory_space<vmem_shared>>
      %dma_wait3A_185 = arith.constant 0 : i32
      %dma_wait3A_186 = tpu.memref_slice %arg17[%add3A_107, %dma_wait3A_185] : memref<10000x144xf32, #tpu.memory_space<vmem_shared>> -> memref<48x144xf32, #tpu.memory_space<vmem_shared>>
      tpu.wait_dma2 semaphore(%run_scoped3A : memref<!tpu.dma_semaphore, #tpu.memory_space<semaphore_mem>>) src(%dma_wait3A_186 : memref<48x144xf32, #tpu.memory_space<vmem_shared>>) dst(%arg16 : memref<48x144xf32, #tpu.memory_space<vmem>>)
      tpu.yield
    }) : () -> ()
    %mul3A_108 = arith.constant 624 : i32
    %mul3A_109 = arith.muli %arg1, %mul3A_108 : i32
    %add3A_110 = arith.constant 192 : i32
    %add3A_111 = arith.addi %mul3A_109, %add3A_110 : i32
    "tpu.region"() ({
      %run_scoped3A = tpu.sem_alloc : memref<!tpu.dma_semaphore, #tpu.memory_space<semaphore_mem>>
      %dma_start3A = arith.constant 0 : i32
      %dma_start3A_181 = tpu.memref_slice %arg8[%arg0, %add3A_111, %dma_start3A] : memref<2x10000x144xf32, #tpu.memory_space<hbm>> -> memref<1x48x144xf32, #tpu.memory_space<hbm>>
      %dma_start3A_182 = tpu.memref_squeeze %dma_start3A_181 : memref<1x48x144xf32, #tpu.memory_space<hbm>> -> memref<48x144xf32, #tpu.memory_space<hbm>>
      %dma_start3A_183 = arith.constant 0 : i32
      %dma_start3A_184 = tpu.memref_slice %arg8[%arg0, %add3A_111, %dma_start3A_183] : memref<2x10000x144xf32, #tpu.memory_space<hbm>> -> memref<1x48x144xf32, #tpu.memory_space<hbm>>
      %dma_start3A_185 = tpu.memref_squeeze %dma_start3A_184 : memref<1x48x144xf32, #tpu.memory_space<hbm>> -> memref<48x144xf32, #tpu.memory_space<hbm>>
      tpu.enqueue_dma source(%arg16 : memref<48x144xf32, #tpu.memory_space<vmem>>) target(%dma_start3A_185 : memref<48x144xf32, #tpu.memory_space<hbm>>) target_semaphore(%run_scoped3A : memref<!tpu.dma_semaphore, #tpu.memory_space<semaphore_mem>>)
      %dma_wait3A = arith.constant 0 : i32
      %dma_wait3A_186 = tpu.memref_slice %arg8[%arg0, %add3A_111, %dma_wait3A] : memref<2x10000x144xf32, #tpu.memory_space<hbm>> -> memref<1x48x144xf32, #tpu.memory_space<hbm>>
      %dma_wait3A_187 = tpu.memref_squeeze %dma_wait3A_186 : memref<1x48x144xf32, #tpu.memory_space<hbm>> -> memref<48x144xf32, #tpu.memory_space<hbm>>
      %dma_wait3A_188 = arith.constant 0 : i32
      %dma_wait3A_189 = tpu.memref_slice %arg8[%arg0, %add3A_111, %dma_wait3A_188] : memref<2x10000x144xf32, #tpu.memory_space<hbm>> -> memref<1x48x144xf32, #tpu.memory_space<hbm>>
      %dma_wait3A_190 = tpu.memref_squeeze %dma_wait3A_189 : memref<1x48x144xf32, #tpu.memory_space<hbm>> -> memref<48x144xf32, #tpu.memory_space<hbm>>
      tpu.wait_dma2 semaphore(%run_scoped3A : memref<!tpu.dma_semaphore, #tpu.memory_space<semaphore_mem>>) src(%arg16 : memref<48x144xf32, #tpu.memory_space<vmem>>) dst(%dma_wait3A_190 : memref<48x144xf32, #tpu.memory_space<hbm>>)
      tpu.yield
    }) : () -> ()
    %mul3A_112 = arith.constant 624 : i32
    %mul3A_113 = arith.muli %arg1, %mul3A_112 : i32
    %add3A_114 = arith.constant 240 : i32
    %add3A_115 = arith.addi %mul3A_113, %add3A_114 : i32
    "tpu.region"() ({
      %run_scoped3A = tpu.sem_alloc : memref<!tpu.dma_semaphore, #tpu.memory_space<semaphore_mem>>
      %dma_start3A = arith.constant 0 : i32
      %dma_start3A_181 = tpu.memref_slice %arg17[%add3A_115, %dma_start3A] : memref<10000x144xf32, #tpu.memory_space<vmem_shared>> -> memref<48x144xf32, #tpu.memory_space<vmem_shared>>
      %dma_start3A_182 = arith.constant 0 : i32
      %dma_start3A_183 = tpu.memref_slice %arg17[%add3A_115, %dma_start3A_182] : memref<10000x144xf32, #tpu.memory_space<vmem_shared>> -> memref<48x144xf32, #tpu.memory_space<vmem_shared>>
      tpu.enqueue_dma source(%dma_start3A_183 : memref<48x144xf32, #tpu.memory_space<vmem_shared>>) target(%arg16 : memref<48x144xf32, #tpu.memory_space<vmem>>) target_semaphore(%run_scoped3A : memref<!tpu.dma_semaphore, #tpu.memory_space<semaphore_mem>>)
      %dma_wait3A = arith.constant 0 : i32
      %dma_wait3A_184 = tpu.memref_slice %arg17[%add3A_115, %dma_wait3A] : memref<10000x144xf32, #tpu.memory_space<vmem_shared>> -> memref<48x144xf32, #tpu.memory_space<vmem_shared>>
      %dma_wait3A_185 = arith.constant 0 : i32
      %dma_wait3A_186 = tpu.memref_slice %arg17[%add3A_115, %dma_wait3A_185] : memref<10000x144xf32, #tpu.memory_space<vmem_shared>> -> memref<48x144xf32, #tpu.memory_space<vmem_shared>>
      tpu.wait_dma2 semaphore(%run_scoped3A : memref<!tpu.dma_semaphore, #tpu.memory_space<semaphore_mem>>) src(%dma_wait3A_186 : memref<48x144xf32, #tpu.memory_space<vmem_shared>>) dst(%arg16 : memref<48x144xf32, #tpu.memory_space<vmem>>)
      tpu.yield
    }) : () -> ()
    %mul3A_116 = arith.constant 624 : i32
    %mul3A_117 = arith.muli %arg1, %mul3A_116 : i32
    %add3A_118 = arith.constant 240 : i32
    %add3A_119 = arith.addi %mul3A_117, %add3A_118 : i32
    "tpu.region"() ({
      %run_scoped3A = tpu.sem_alloc : memref<!tpu.dma_semaphore, #tpu.memory_space<semaphore_mem>>
      %dma_start3A = arith.constant 0 : i32
      %dma_start3A_181 = tpu.memref_slice %arg8[%arg0, %add3A_119, %dma_start3A] : memref<2x10000x144xf32, #tpu.memory_space<hbm>> -> memref<1x48x144xf32, #tpu.memory_space<hbm>>
      %dma_start3A_182 = tpu.memref_squeeze %dma_start3A_181 : memref<1x48x144xf32, #tpu.memory_space<hbm>> -> memref<48x144xf32, #tpu.memory_space<hbm>>
      %dma_start3A_183 = arith.constant 0 : i32
      %dma_start3A_184 = tpu.memref_slice %arg8[%arg0, %add3A_119, %dma_start3A_183] : memref<2x10000x144xf32, #tpu.memory_space<hbm>> -> memref<1x48x144xf32, #tpu.memory_space<hbm>>
      %dma_start3A_185 = tpu.memref_squeeze %dma_start3A_184 : memref<1x48x144xf32, #tpu.memory_space<hbm>> -> memref<48x144xf32, #tpu.memory_space<hbm>>
      tpu.enqueue_dma source(%arg16 : memref<48x144xf32, #tpu.memory_space<vmem>>) target(%dma_start3A_185 : memref<48x144xf32, #tpu.memory_space<hbm>>) target_semaphore(%run_scoped3A : memref<!tpu.dma_semaphore, #tpu.memory_space<semaphore_mem>>)
      %dma_wait3A = arith.constant 0 : i32
      %dma_wait3A_186 = tpu.memref_slice %arg8[%arg0, %add3A_119, %dma_wait3A] : memref<2x10000x144xf32, #tpu.memory_space<hbm>> -> memref<1x48x144xf32, #tpu.memory_space<hbm>>
      %dma_wait3A_187 = tpu.memref_squeeze %dma_wait3A_186 : memref<1x48x144xf32, #tpu.memory_space<hbm>> -> memref<48x144xf32, #tpu.memory_space<hbm>>
      %dma_wait3A_188 = arith.constant 0 : i32
      %dma_wait3A_189 = tpu.memref_slice %arg8[%arg0, %add3A_119, %dma_wait3A_188] : memref<2x10000x144xf32, #tpu.memory_space<hbm>> -> memref<1x48x144xf32, #tpu.memory_space<hbm>>
      %dma_wait3A_190 = tpu.memref_squeeze %dma_wait3A_189 : memref<1x48x144xf32, #tpu.memory_space<hbm>> -> memref<48x144xf32, #tpu.memory_space<hbm>>
      tpu.wait_dma2 semaphore(%run_scoped3A : memref<!tpu.dma_semaphore, #tpu.memory_space<semaphore_mem>>) src(%arg16 : memref<48x144xf32, #tpu.memory_space<vmem>>) dst(%dma_wait3A_190 : memref<48x144xf32, #tpu.memory_space<hbm>>)
      tpu.yield
    }) : () -> ()
    %mul3A_120 = arith.constant 624 : i32
    %mul3A_121 = arith.muli %arg1, %mul3A_120 : i32
    %add3A_122 = arith.constant 288 : i32
    %add3A_123 = arith.addi %mul3A_121, %add3A_122 : i32
    "tpu.region"() ({
      %run_scoped3A = tpu.sem_alloc : memref<!tpu.dma_semaphore, #tpu.memory_space<semaphore_mem>>
      %dma_start3A = arith.constant 0 : i32
      %dma_start3A_181 = tpu.memref_slice %arg17[%add3A_123, %dma_start3A] : memref<10000x144xf32, #tpu.memory_space<vmem_shared>> -> memref<48x144xf32, #tpu.memory_space<vmem_shared>>
      %dma_start3A_182 = arith.constant 0 : i32
      %dma_start3A_183 = tpu.memref_slice %arg17[%add3A_123, %dma_start3A_182] : memref<10000x144xf32, #tpu.memory_space<vmem_shared>> -> memref<48x144xf32, #tpu.memory_space<vmem_shared>>
      tpu.enqueue_dma source(%dma_start3A_183 : memref<48x144xf32, #tpu.memory_space<vmem_shared>>) target(%arg16 : memref<48x144xf32, #tpu.memory_space<vmem>>) target_semaphore(%run_scoped3A : memref<!tpu.dma_semaphore, #tpu.memory_space<semaphore_mem>>)
      %dma_wait3A = arith.constant 0 : i32
      %dma_wait3A_184 = tpu.memref_slice %arg17[%add3A_123, %dma_wait3A] : memref<10000x144xf32, #tpu.memory_space<vmem_shared>> -> memref<48x144xf32, #tpu.memory_space<vmem_shared>>
      %dma_wait3A_185 = arith.constant 0 : i32
      %dma_wait3A_186 = tpu.memref_slice %arg17[%add3A_123, %dma_wait3A_185] : memref<10000x144xf32, #tpu.memory_space<vmem_shared>> -> memref<48x144xf32, #tpu.memory_space<vmem_shared>>
      tpu.wait_dma2 semaphore(%run_scoped3A : memref<!tpu.dma_semaphore, #tpu.memory_space<semaphore_mem>>) src(%dma_wait3A_186 : memref<48x144xf32, #tpu.memory_space<vmem_shared>>) dst(%arg16 : memref<48x144xf32, #tpu.memory_space<vmem>>)
      tpu.yield
    }) : () -> ()
    %mul3A_124 = arith.constant 624 : i32
    %mul3A_125 = arith.muli %arg1, %mul3A_124 : i32
    %add3A_126 = arith.constant 288 : i32
    %add3A_127 = arith.addi %mul3A_125, %add3A_126 : i32
    "tpu.region"() ({
      %run_scoped3A = tpu.sem_alloc : memref<!tpu.dma_semaphore, #tpu.memory_space<semaphore_mem>>
      %dma_start3A = arith.constant 0 : i32
      %dma_start3A_181 = tpu.memref_slice %arg8[%arg0, %add3A_127, %dma_start3A] : memref<2x10000x144xf32, #tpu.memory_space<hbm>> -> memref<1x48x144xf32, #tpu.memory_space<hbm>>
      %dma_start3A_182 = tpu.memref_squeeze %dma_start3A_181 : memref<1x48x144xf32, #tpu.memory_space<hbm>> -> memref<48x144xf32, #tpu.memory_space<hbm>>
      %dma_start3A_183 = arith.constant 0 : i32
      %dma_start3A_184 = tpu.memref_slice %arg8[%arg0, %add3A_127, %dma_start3A_183] : memref<2x10000x144xf32, #tpu.memory_space<hbm>> -> memref<1x48x144xf32, #tpu.memory_space<hbm>>
      %dma_start3A_185 = tpu.memref_squeeze %dma_start3A_184 : memref<1x48x144xf32, #tpu.memory_space<hbm>> -> memref<48x144xf32, #tpu.memory_space<hbm>>
      tpu.enqueue_dma source(%arg16 : memref<48x144xf32, #tpu.memory_space<vmem>>) target(%dma_start3A_185 : memref<48x144xf32, #tpu.memory_space<hbm>>) target_semaphore(%run_scoped3A : memref<!tpu.dma_semaphore, #tpu.memory_space<semaphore_mem>>)
      %dma_wait3A = arith.constant 0 : i32
      %dma_wait3A_186 = tpu.memref_slice %arg8[%arg0, %add3A_127, %dma_wait3A] : memref<2x10000x144xf32, #tpu.memory_space<hbm>> -> memref<1x48x144xf32, #tpu.memory_space<hbm>>
      %dma_wait3A_187 = tpu.memref_squeeze %dma_wait3A_186 : memref<1x48x144xf32, #tpu.memory_space<hbm>> -> memref<48x144xf32, #tpu.memory_space<hbm>>
      %dma_wait3A_188 = arith.constant 0 : i32
      %dma_wait3A_189 = tpu.memref_slice %arg8[%arg0, %add3A_127, %dma_wait3A_188] : memref<2x10000x144xf32, #tpu.memory_space<hbm>> -> memref<1x48x144xf32, #tpu.memory_space<hbm>>
      %dma_wait3A_190 = tpu.memref_squeeze %dma_wait3A_189 : memref<1x48x144xf32, #tpu.memory_space<hbm>> -> memref<48x144xf32, #tpu.memory_space<hbm>>
      tpu.wait_dma2 semaphore(%run_scoped3A : memref<!tpu.dma_semaphore, #tpu.memory_space<semaphore_mem>>) src(%arg16 : memref<48x144xf32, #tpu.memory_space<vmem>>) dst(%dma_wait3A_190 : memref<48x144xf32, #tpu.memory_space<hbm>>)
      tpu.yield
    }) : () -> ()
    %mul3A_128 = arith.constant 624 : i32
    %mul3A_129 = arith.muli %arg1, %mul3A_128 : i32
    %add3A_130 = arith.constant 336 : i32
    %add3A_131 = arith.addi %mul3A_129, %add3A_130 : i32
    "tpu.region"() ({
      %run_scoped3A = tpu.sem_alloc : memref<!tpu.dma_semaphore, #tpu.memory_space<semaphore_mem>>
      %dma_start3A = arith.constant 0 : i32
      %dma_start3A_181 = tpu.memref_slice %arg17[%add3A_131, %dma_start3A] : memref<10000x144xf32, #tpu.memory_space<vmem_shared>> -> memref<48x144xf32, #tpu.memory_space<vmem_shared>>
      %dma_start3A_182 = arith.constant 0 : i32
      %dma_start3A_183 = tpu.memref_slice %arg17[%add3A_131, %dma_start3A_182] : memref<10000x144xf32, #tpu.memory_space<vmem_shared>> -> memref<48x144xf32, #tpu.memory_space<vmem_shared>>
      tpu.enqueue_dma source(%dma_start3A_183 : memref<48x144xf32, #tpu.memory_space<vmem_shared>>) target(%arg16 : memref<48x144xf32, #tpu.memory_space<vmem>>) target_semaphore(%run_scoped3A : memref<!tpu.dma_semaphore, #tpu.memory_space<semaphore_mem>>)
      %dma_wait3A = arith.constant 0 : i32
      %dma_wait3A_184 = tpu.memref_slice %arg17[%add3A_131, %dma_wait3A] : memref<10000x144xf32, #tpu.memory_space<vmem_shared>> -> memref<48x144xf32, #tpu.memory_space<vmem_shared>>
      %dma_wait3A_185 = arith.constant 0 : i32
      %dma_wait3A_186 = tpu.memref_slice %arg17[%add3A_131, %dma_wait3A_185] : memref<10000x144xf32, #tpu.memory_space<vmem_shared>> -> memref<48x144xf32, #tpu.memory_space<vmem_shared>>
      tpu.wait_dma2 semaphore(%run_scoped3A : memref<!tpu.dma_semaphore, #tpu.memory_space<semaphore_mem>>) src(%dma_wait3A_186 : memref<48x144xf32, #tpu.memory_space<vmem_shared>>) dst(%arg16 : memref<48x144xf32, #tpu.memory_space<vmem>>)
      tpu.yield
    }) : () -> ()
    %mul3A_132 = arith.constant 624 : i32
    %mul3A_133 = arith.muli %arg1, %mul3A_132 : i32
    %add3A_134 = arith.constant 336 : i32
    %add3A_135 = arith.addi %mul3A_133, %add3A_134 : i32
    "tpu.region"() ({
      %run_scoped3A = tpu.sem_alloc : memref<!tpu.dma_semaphore, #tpu.memory_space<semaphore_mem>>
      %dma_start3A = arith.constant 0 : i32
      %dma_start3A_181 = tpu.memref_slice %arg8[%arg0, %add3A_135, %dma_start3A] : memref<2x10000x144xf32, #tpu.memory_space<hbm>> -> memref<1x48x144xf32, #tpu.memory_space<hbm>>
      %dma_start3A_182 = tpu.memref_squeeze %dma_start3A_181 : memref<1x48x144xf32, #tpu.memory_space<hbm>> -> memref<48x144xf32, #tpu.memory_space<hbm>>
      %dma_start3A_183 = arith.constant 0 : i32
      %dma_start3A_184 = tpu.memref_slice %arg8[%arg0, %add3A_135, %dma_start3A_183] : memref<2x10000x144xf32, #tpu.memory_space<hbm>> -> memref<1x48x144xf32, #tpu.memory_space<hbm>>
      %dma_start3A_185 = tpu.memref_squeeze %dma_start3A_184 : memref<1x48x144xf32, #tpu.memory_space<hbm>> -> memref<48x144xf32, #tpu.memory_space<hbm>>
      tpu.enqueue_dma source(%arg16 : memref<48x144xf32, #tpu.memory_space<vmem>>) target(%dma_start3A_185 : memref<48x144xf32, #tpu.memory_space<hbm>>) target_semaphore(%run_scoped3A : memref<!tpu.dma_semaphore, #tpu.memory_space<semaphore_mem>>)
      %dma_wait3A = arith.constant 0 : i32
      %dma_wait3A_186 = tpu.memref_slice %arg8[%arg0, %add3A_135, %dma_wait3A] : memref<2x10000x144xf32, #tpu.memory_space<hbm>> -> memref<1x48x144xf32, #tpu.memory_space<hbm>>
      %dma_wait3A_187 = tpu.memref_squeeze %dma_wait3A_186 : memref<1x48x144xf32, #tpu.memory_space<hbm>> -> memref<48x144xf32, #tpu.memory_space<hbm>>
      %dma_wait3A_188 = arith.constant 0 : i32
      %dma_wait3A_189 = tpu.memref_slice %arg8[%arg0, %add3A_135, %dma_wait3A_188] : memref<2x10000x144xf32, #tpu.memory_space<hbm>> -> memref<1x48x144xf32, #tpu.memory_space<hbm>>
      %dma_wait3A_190 = tpu.memref_squeeze %dma_wait3A_189 : memref<1x48x144xf32, #tpu.memory_space<hbm>> -> memref<48x144xf32, #tpu.memory_space<hbm>>
      tpu.wait_dma2 semaphore(%run_scoped3A : memref<!tpu.dma_semaphore, #tpu.memory_space<semaphore_mem>>) src(%arg16 : memref<48x144xf32, #tpu.memory_space<vmem>>) dst(%dma_wait3A_190 : memref<48x144xf32, #tpu.memory_space<hbm>>)
      tpu.yield
    }) : () -> ()
    %mul3A_136 = arith.constant 624 : i32
    %mul3A_137 = arith.muli %arg1, %mul3A_136 : i32
    %add3A_138 = arith.constant 384 : i32
    %add3A_139 = arith.addi %mul3A_137, %add3A_138 : i32
    "tpu.region"() ({
      %run_scoped3A = tpu.sem_alloc : memref<!tpu.dma_semaphore, #tpu.memory_space<semaphore_mem>>
      %dma_start3A = arith.constant 0 : i32
      %dma_start3A_181 = tpu.memref_slice %arg17[%add3A_139, %dma_start3A] : memref<10000x144xf32, #tpu.memory_space<vmem_shared>> -> memref<48x144xf32, #tpu.memory_space<vmem_shared>>
      %dma_start3A_182 = arith.constant 0 : i32
      %dma_start3A_183 = tpu.memref_slice %arg17[%add3A_139, %dma_start3A_182] : memref<10000x144xf32, #tpu.memory_space<vmem_shared>> -> memref<48x144xf32, #tpu.memory_space<vmem_shared>>
      tpu.enqueue_dma source(%dma_start3A_183 : memref<48x144xf32, #tpu.memory_space<vmem_shared>>) target(%arg16 : memref<48x144xf32, #tpu.memory_space<vmem>>) target_semaphore(%run_scoped3A : memref<!tpu.dma_semaphore, #tpu.memory_space<semaphore_mem>>)
      %dma_wait3A = arith.constant 0 : i32
      %dma_wait3A_184 = tpu.memref_slice %arg17[%add3A_139, %dma_wait3A] : memref<10000x144xf32, #tpu.memory_space<vmem_shared>> -> memref<48x144xf32, #tpu.memory_space<vmem_shared>>
      %dma_wait3A_185 = arith.constant 0 : i32
      %dma_wait3A_186 = tpu.memref_slice %arg17[%add3A_139, %dma_wait3A_185] : memref<10000x144xf32, #tpu.memory_space<vmem_shared>> -> memref<48x144xf32, #tpu.memory_space<vmem_shared>>
      tpu.wait_dma2 semaphore(%run_scoped3A : memref<!tpu.dma_semaphore, #tpu.memory_space<semaphore_mem>>) src(%dma_wait3A_186 : memref<48x144xf32, #tpu.memory_space<vmem_shared>>) dst(%arg16 : memref<48x144xf32, #tpu.memory_space<vmem>>)
      tpu.yield
    }) : () -> ()
    %mul3A_140 = arith.constant 624 : i32
    %mul3A_141 = arith.muli %arg1, %mul3A_140 : i32
    %add3A_142 = arith.constant 384 : i32
    %add3A_143 = arith.addi %mul3A_141, %add3A_142 : i32
    "tpu.region"() ({
      %run_scoped3A = tpu.sem_alloc : memref<!tpu.dma_semaphore, #tpu.memory_space<semaphore_mem>>
      %dma_start3A = arith.constant 0 : i32
      %dma_start3A_181 = tpu.memref_slice %arg8[%arg0, %add3A_143, %dma_start3A] : memref<2x10000x144xf32, #tpu.memory_space<hbm>> -> memref<1x48x144xf32, #tpu.memory_space<hbm>>
      %dma_start3A_182 = tpu.memref_squeeze %dma_start3A_181 : memref<1x48x144xf32, #tpu.memory_space<hbm>> -> memref<48x144xf32, #tpu.memory_space<hbm>>
      %dma_start3A_183 = arith.constant 0 : i32
      %dma_start3A_184 = tpu.memref_slice %arg8[%arg0, %add3A_143, %dma_start3A_183] : memref<2x10000x144xf32, #tpu.memory_space<hbm>> -> memref<1x48x144xf32, #tpu.memory_space<hbm>>
      %dma_start3A_185 = tpu.memref_squeeze %dma_start3A_184 : memref<1x48x144xf32, #tpu.memory_space<hbm>> -> memref<48x144xf32, #tpu.memory_space<hbm>>
      tpu.enqueue_dma source(%arg16 : memref<48x144xf32, #tpu.memory_space<vmem>>) target(%dma_start3A_185 : memref<48x144xf32, #tpu.memory_space<hbm>>) target_semaphore(%run_scoped3A : memref<!tpu.dma_semaphore, #tpu.memory_space<semaphore_mem>>)
      %dma_wait3A = arith.constant 0 : i32
      %dma_wait3A_186 = tpu.memref_slice %arg8[%arg0, %add3A_143, %dma_wait3A] : memref<2x10000x144xf32, #tpu.memory_space<hbm>> -> memref<1x48x144xf32, #tpu.memory_space<hbm>>
      %dma_wait3A_187 = tpu.memref_squeeze %dma_wait3A_186 : memref<1x48x144xf32, #tpu.memory_space<hbm>> -> memref<48x144xf32, #tpu.memory_space<hbm>>
      %dma_wait3A_188 = arith.constant 0 : i32
      %dma_wait3A_189 = tpu.memref_slice %arg8[%arg0, %add3A_143, %dma_wait3A_188] : memref<2x10000x144xf32, #tpu.memory_space<hbm>> -> memref<1x48x144xf32, #tpu.memory_space<hbm>>
      %dma_wait3A_190 = tpu.memref_squeeze %dma_wait3A_189 : memref<1x48x144xf32, #tpu.memory_space<hbm>> -> memref<48x144xf32, #tpu.memory_space<hbm>>
      tpu.wait_dma2 semaphore(%run_scoped3A : memref<!tpu.dma_semaphore, #tpu.memory_space<semaphore_mem>>) src(%arg16 : memref<48x144xf32, #tpu.memory_space<vmem>>) dst(%dma_wait3A_190 : memref<48x144xf32, #tpu.memory_space<hbm>>)
      tpu.yield
    }) : () -> ()
    %mul3A_144 = arith.constant 624 : i32
    %mul3A_145 = arith.muli %arg1, %mul3A_144 : i32
    %add3A_146 = arith.constant 432 : i32
    %add3A_147 = arith.addi %mul3A_145, %add3A_146 : i32
    "tpu.region"() ({
      %run_scoped3A = tpu.sem_alloc : memref<!tpu.dma_semaphore, #tpu.memory_space<semaphore_mem>>
      %dma_start3A = arith.constant 0 : i32
      %dma_start3A_181 = tpu.memref_slice %arg17[%add3A_147, %dma_start3A] : memref<10000x144xf32, #tpu.memory_space<vmem_shared>> -> memref<48x144xf32, #tpu.memory_space<vmem_shared>>
      %dma_start3A_182 = arith.constant 0 : i32
      %dma_start3A_183 = tpu.memref_slice %arg17[%add3A_147, %dma_start3A_182] : memref<10000x144xf32, #tpu.memory_space<vmem_shared>> -> memref<48x144xf32, #tpu.memory_space<vmem_shared>>
      tpu.enqueue_dma source(%dma_start3A_183 : memref<48x144xf32, #tpu.memory_space<vmem_shared>>) target(%arg16 : memref<48x144xf32, #tpu.memory_space<vmem>>) target_semaphore(%run_scoped3A : memref<!tpu.dma_semaphore, #tpu.memory_space<semaphore_mem>>)
      %dma_wait3A = arith.constant 0 : i32
      %dma_wait3A_184 = tpu.memref_slice %arg17[%add3A_147, %dma_wait3A] : memref<10000x144xf32, #tpu.memory_space<vmem_shared>> -> memref<48x144xf32, #tpu.memory_space<vmem_shared>>
      %dma_wait3A_185 = arith.constant 0 : i32
      %dma_wait3A_186 = tpu.memref_slice %arg17[%add3A_147, %dma_wait3A_185] : memref<10000x144xf32, #tpu.memory_space<vmem_shared>> -> memref<48x144xf32, #tpu.memory_space<vmem_shared>>
      tpu.wait_dma2 semaphore(%run_scoped3A : memref<!tpu.dma_semaphore, #tpu.memory_space<semaphore_mem>>) src(%dma_wait3A_186 : memref<48x144xf32, #tpu.memory_space<vmem_shared>>) dst(%arg16 : memref<48x144xf32, #tpu.memory_space<vmem>>)
      tpu.yield
    }) : () -> ()
    %mul3A_148 = arith.constant 624 : i32
    %mul3A_149 = arith.muli %arg1, %mul3A_148 : i32
    %add3A_150 = arith.constant 432 : i32
    %add3A_151 = arith.addi %mul3A_149, %add3A_150 : i32
    "tpu.region"() ({
      %run_scoped3A = tpu.sem_alloc : memref<!tpu.dma_semaphore, #tpu.memory_space<semaphore_mem>>
      %dma_start3A = arith.constant 0 : i32
      %dma_start3A_181 = tpu.memref_slice %arg8[%arg0, %add3A_151, %dma_start3A] : memref<2x10000x144xf32, #tpu.memory_space<hbm>> -> memref<1x48x144xf32, #tpu.memory_space<hbm>>
      %dma_start3A_182 = tpu.memref_squeeze %dma_start3A_181 : memref<1x48x144xf32, #tpu.memory_space<hbm>> -> memref<48x144xf32, #tpu.memory_space<hbm>>
      %dma_start3A_183 = arith.constant 0 : i32
      %dma_start3A_184 = tpu.memref_slice %arg8[%arg0, %add3A_151, %dma_start3A_183] : memref<2x10000x144xf32, #tpu.memory_space<hbm>> -> memref<1x48x144xf32, #tpu.memory_space<hbm>>
      %dma_start3A_185 = tpu.memref_squeeze %dma_start3A_184 : memref<1x48x144xf32, #tpu.memory_space<hbm>> -> memref<48x144xf32, #tpu.memory_space<hbm>>
      tpu.enqueue_dma source(%arg16 : memref<48x144xf32, #tpu.memory_space<vmem>>) target(%dma_start3A_185 : memref<48x144xf32, #tpu.memory_space<hbm>>) target_semaphore(%run_scoped3A : memref<!tpu.dma_semaphore, #tpu.memory_space<semaphore_mem>>)
      %dma_wait3A = arith.constant 0 : i32
      %dma_wait3A_186 = tpu.memref_slice %arg8[%arg0, %add3A_151, %dma_wait3A] : memref<2x10000x144xf32, #tpu.memory_space<hbm>> -> memref<1x48x144xf32, #tpu.memory_space<hbm>>
      %dma_wait3A_187 = tpu.memref_squeeze %dma_wait3A_186 : memref<1x48x144xf32, #tpu.memory_space<hbm>> -> memref<48x144xf32, #tpu.memory_space<hbm>>
      %dma_wait3A_188 = arith.constant 0 : i32
      %dma_wait3A_189 = tpu.memref_slice %arg8[%arg0, %add3A_151, %dma_wait3A_188] : memref<2x10000x144xf32, #tpu.memory_space<hbm>> -> memref<1x48x144xf32, #tpu.memory_space<hbm>>
      %dma_wait3A_190 = tpu.memref_squeeze %dma_wait3A_189 : memref<1x48x144xf32, #tpu.memory_space<hbm>> -> memref<48x144xf32, #tpu.memory_space<hbm>>
      tpu.wait_dma2 semaphore(%run_scoped3A : memref<!tpu.dma_semaphore, #tpu.memory_space<semaphore_mem>>) src(%arg16 : memref<48x144xf32, #tpu.memory_space<vmem>>) dst(%dma_wait3A_190 : memref<48x144xf32, #tpu.memory_space<hbm>>)
      tpu.yield
    }) : () -> ()
    %mul3A_152 = arith.constant 624 : i32
    %mul3A_153 = arith.muli %arg1, %mul3A_152 : i32
    %add3A_154 = arith.constant 480 : i32
    %add3A_155 = arith.addi %mul3A_153, %add3A_154 : i32
    "tpu.region"() ({
      %run_scoped3A = tpu.sem_alloc : memref<!tpu.dma_semaphore, #tpu.memory_space<semaphore_mem>>
      %dma_start3A = arith.constant 0 : i32
      %dma_start3A_181 = tpu.memref_slice %arg17[%add3A_155, %dma_start3A] : memref<10000x144xf32, #tpu.memory_space<vmem_shared>> -> memref<48x144xf32, #tpu.memory_space<vmem_shared>>
      %dma_start3A_182 = arith.constant 0 : i32
      %dma_start3A_183 = tpu.memref_slice %arg17[%add3A_155, %dma_start3A_182] : memref<10000x144xf32, #tpu.memory_space<vmem_shared>> -> memref<48x144xf32, #tpu.memory_space<vmem_shared>>
      tpu.enqueue_dma source(%dma_start3A_183 : memref<48x144xf32, #tpu.memory_space<vmem_shared>>) target(%arg16 : memref<48x144xf32, #tpu.memory_space<vmem>>) target_semaphore(%run_scoped3A : memref<!tpu.dma_semaphore, #tpu.memory_space<semaphore_mem>>)
      %dma_wait3A = arith.constant 0 : i32
      %dma_wait3A_184 = tpu.memref_slice %arg17[%add3A_155, %dma_wait3A] : memref<10000x144xf32, #tpu.memory_space<vmem_shared>> -> memref<48x144xf32, #tpu.memory_space<vmem_shared>>
      %dma_wait3A_185 = arith.constant 0 : i32
      %dma_wait3A_186 = tpu.memref_slice %arg17[%add3A_155, %dma_wait3A_185] : memref<10000x144xf32, #tpu.memory_space<vmem_shared>> -> memref<48x144xf32, #tpu.memory_space<vmem_shared>>
      tpu.wait_dma2 semaphore(%run_scoped3A : memref<!tpu.dma_semaphore, #tpu.memory_space<semaphore_mem>>) src(%dma_wait3A_186 : memref<48x144xf32, #tpu.memory_space<vmem_shared>>) dst(%arg16 : memref<48x144xf32, #tpu.memory_space<vmem>>)
      tpu.yield
    }) : () -> ()
    %mul3A_156 = arith.constant 624 : i32
    %mul3A_157 = arith.muli %arg1, %mul3A_156 : i32
    %add3A_158 = arith.constant 480 : i32
    %add3A_159 = arith.addi %mul3A_157, %add3A_158 : i32
    "tpu.region"() ({
      %run_scoped3A = tpu.sem_alloc : memref<!tpu.dma_semaphore, #tpu.memory_space<semaphore_mem>>
      %dma_start3A = arith.constant 0 : i32
      %dma_start3A_181 = tpu.memref_slice %arg8[%arg0, %add3A_159, %dma_start3A] : memref<2x10000x144xf32, #tpu.memory_space<hbm>> -> memref<1x48x144xf32, #tpu.memory_space<hbm>>
      %dma_start3A_182 = tpu.memref_squeeze %dma_start3A_181 : memref<1x48x144xf32, #tpu.memory_space<hbm>> -> memref<48x144xf32, #tpu.memory_space<hbm>>
      %dma_start3A_183 = arith.constant 0 : i32
      %dma_start3A_184 = tpu.memref_slice %arg8[%arg0, %add3A_159, %dma_start3A_183] : memref<2x10000x144xf32, #tpu.memory_space<hbm>> -> memref<1x48x144xf32, #tpu.memory_space<hbm>>
      %dma_start3A_185 = tpu.memref_squeeze %dma_start3A_184 : memref<1x48x144xf32, #tpu.memory_space<hbm>> -> memref<48x144xf32, #tpu.memory_space<hbm>>
      tpu.enqueue_dma source(%arg16 : memref<48x144xf32, #tpu.memory_space<vmem>>) target(%dma_start3A_185 : memref<48x144xf32, #tpu.memory_space<hbm>>) target_semaphore(%run_scoped3A : memref<!tpu.dma_semaphore, #tpu.memory_space<semaphore_mem>>)
      %dma_wait3A = arith.constant 0 : i32
      %dma_wait3A_186 = tpu.memref_slice %arg8[%arg0, %add3A_159, %dma_wait3A] : memref<2x10000x144xf32, #tpu.memory_space<hbm>> -> memref<1x48x144xf32, #tpu.memory_space<hbm>>
      %dma_wait3A_187 = tpu.memref_squeeze %dma_wait3A_186 : memref<1x48x144xf32, #tpu.memory_space<hbm>> -> memref<48x144xf32, #tpu.memory_space<hbm>>
      %dma_wait3A_188 = arith.constant 0 : i32
      %dma_wait3A_189 = tpu.memref_slice %arg8[%arg0, %add3A_159, %dma_wait3A_188] : memref<2x10000x144xf32, #tpu.memory_space<hbm>> -> memref<1x48x144xf32, #tpu.memory_space<hbm>>
      %dma_wait3A_190 = tpu.memref_squeeze %dma_wait3A_189 : memref<1x48x144xf32, #tpu.memory_space<hbm>> -> memref<48x144xf32, #tpu.memory_space<hbm>>
      tpu.wait_dma2 semaphore(%run_scoped3A : memref<!tpu.dma_semaphore, #tpu.memory_space<semaphore_mem>>) src(%arg16 : memref<48x144xf32, #tpu.memory_space<vmem>>) dst(%dma_wait3A_190 : memref<48x144xf32, #tpu.memory_space<hbm>>)
      tpu.yield
    }) : () -> ()
    %mul3A_160 = arith.constant 624 : i32
    %mul3A_161 = arith.muli %arg1, %mul3A_160 : i32
    %add3A_162 = arith.constant 528 : i32
    %add3A_163 = arith.addi %mul3A_161, %add3A_162 : i32
    "tpu.region"() ({
      %run_scoped3A = tpu.sem_alloc : memref<!tpu.dma_semaphore, #tpu.memory_space<semaphore_mem>>
      %dma_start3A = arith.constant 0 : i32
      %dma_start3A_181 = tpu.memref_slice %arg17[%add3A_163, %dma_start3A] : memref<10000x144xf32, #tpu.memory_space<vmem_shared>> -> memref<48x144xf32, #tpu.memory_space<vmem_shared>>
      %dma_start3A_182 = arith.constant 0 : i32
      %dma_start3A_183 = tpu.memref_slice %arg17[%add3A_163, %dma_start3A_182] : memref<10000x144xf32, #tpu.memory_space<vmem_shared>> -> memref<48x144xf32, #tpu.memory_space<vmem_shared>>
      tpu.enqueue_dma source(%dma_start3A_183 : memref<48x144xf32, #tpu.memory_space<vmem_shared>>) target(%arg16 : memref<48x144xf32, #tpu.memory_space<vmem>>) target_semaphore(%run_scoped3A : memref<!tpu.dma_semaphore, #tpu.memory_space<semaphore_mem>>)
      %dma_wait3A = arith.constant 0 : i32
      %dma_wait3A_184 = tpu.memref_slice %arg17[%add3A_163, %dma_wait3A] : memref<10000x144xf32, #tpu.memory_space<vmem_shared>> -> memref<48x144xf32, #tpu.memory_space<vmem_shared>>
      %dma_wait3A_185 = arith.constant 0 : i32
      %dma_wait3A_186 = tpu.memref_slice %arg17[%add3A_163, %dma_wait3A_185] : memref<10000x144xf32, #tpu.memory_space<vmem_shared>> -> memref<48x144xf32, #tpu.memory_space<vmem_shared>>
      tpu.wait_dma2 semaphore(%run_scoped3A : memref<!tpu.dma_semaphore, #tpu.memory_space<semaphore_mem>>) src(%dma_wait3A_186 : memref<48x144xf32, #tpu.memory_space<vmem_shared>>) dst(%arg16 : memref<48x144xf32, #tpu.memory_space<vmem>>)
      tpu.yield
    }) : () -> ()
    %mul3A_164 = arith.constant 624 : i32
    %mul3A_165 = arith.muli %arg1, %mul3A_164 : i32
    %add3A_166 = arith.constant 528 : i32
    %add3A_167 = arith.addi %mul3A_165, %add3A_166 : i32
    "tpu.region"() ({
      %run_scoped3A = tpu.sem_alloc : memref<!tpu.dma_semaphore, #tpu.memory_space<semaphore_mem>>
      %dma_start3A = arith.constant 0 : i32
      %dma_start3A_181 = tpu.memref_slice %arg8[%arg0, %add3A_167, %dma_start3A] : memref<2x10000x144xf32, #tpu.memory_space<hbm>> -> memref<1x48x144xf32, #tpu.memory_space<hbm>>
      %dma_start3A_182 = tpu.memref_squeeze %dma_start3A_181 : memref<1x48x144xf32, #tpu.memory_space<hbm>> -> memref<48x144xf32, #tpu.memory_space<hbm>>
      %dma_start3A_183 = arith.constant 0 : i32
      %dma_start3A_184 = tpu.memref_slice %arg8[%arg0, %add3A_167, %dma_start3A_183] : memref<2x10000x144xf32, #tpu.memory_space<hbm>> -> memref<1x48x144xf32, #tpu.memory_space<hbm>>
      %dma_start3A_185 = tpu.memref_squeeze %dma_start3A_184 : memref<1x48x144xf32, #tpu.memory_space<hbm>> -> memref<48x144xf32, #tpu.memory_space<hbm>>
      tpu.enqueue_dma source(%arg16 : memref<48x144xf32, #tpu.memory_space<vmem>>) target(%dma_start3A_185 : memref<48x144xf32, #tpu.memory_space<hbm>>) target_semaphore(%run_scoped3A : memref<!tpu.dma_semaphore, #tpu.memory_space<semaphore_mem>>)
      %dma_wait3A = arith.constant 0 : i32
      %dma_wait3A_186 = tpu.memref_slice %arg8[%arg0, %add3A_167, %dma_wait3A] : memref<2x10000x144xf32, #tpu.memory_space<hbm>> -> memref<1x48x144xf32, #tpu.memory_space<hbm>>
      %dma_wait3A_187 = tpu.memref_squeeze %dma_wait3A_186 : memref<1x48x144xf32, #tpu.memory_space<hbm>> -> memref<48x144xf32, #tpu.memory_space<hbm>>
      %dma_wait3A_188 = arith.constant 0 : i32
      %dma_wait3A_189 = tpu.memref_slice %arg8[%arg0, %add3A_167, %dma_wait3A_188] : memref<2x10000x144xf32, #tpu.memory_space<hbm>> -> memref<1x48x144xf32, #tpu.memory_space<hbm>>
      %dma_wait3A_190 = tpu.memref_squeeze %dma_wait3A_189 : memref<1x48x144xf32, #tpu.memory_space<hbm>> -> memref<48x144xf32, #tpu.memory_space<hbm>>
      tpu.wait_dma2 semaphore(%run_scoped3A : memref<!tpu.dma_semaphore, #tpu.memory_space<semaphore_mem>>) src(%arg16 : memref<48x144xf32, #tpu.memory_space<vmem>>) dst(%dma_wait3A_190 : memref<48x144xf32, #tpu.memory_space<hbm>>)
      tpu.yield
    }) : () -> ()
    %mul3A_168 = arith.constant 624 : i32
    %mul3A_169 = arith.muli %arg1, %mul3A_168 : i32
    %add3A_170 = arith.constant 576 : i32
    %add3A_171 = arith.addi %mul3A_169, %add3A_170 : i32
    "tpu.region"() ({
      %run_scoped3A = tpu.sem_alloc : memref<!tpu.dma_semaphore, #tpu.memory_space<semaphore_mem>>
      %dma_start3A = arith.constant 0 : i32
      %dma_start3A_181 = tpu.memref_slice %arg17[%add3A_171, %dma_start3A] : memref<10000x144xf32, #tpu.memory_space<vmem_shared>> -> memref<48x144xf32, #tpu.memory_space<vmem_shared>>
      %dma_start3A_182 = arith.constant 0 : i32
      %dma_start3A_183 = tpu.memref_slice %arg17[%add3A_171, %dma_start3A_182] : memref<10000x144xf32, #tpu.memory_space<vmem_shared>> -> memref<48x144xf32, #tpu.memory_space<vmem_shared>>
      tpu.enqueue_dma source(%dma_start3A_183 : memref<48x144xf32, #tpu.memory_space<vmem_shared>>) target(%arg16 : memref<48x144xf32, #tpu.memory_space<vmem>>) target_semaphore(%run_scoped3A : memref<!tpu.dma_semaphore, #tpu.memory_space<semaphore_mem>>)
      %dma_wait3A = arith.constant 0 : i32
      %dma_wait3A_184 = tpu.memref_slice %arg17[%add3A_171, %dma_wait3A] : memref<10000x144xf32, #tpu.memory_space<vmem_shared>> -> memref<48x144xf32, #tpu.memory_space<vmem_shared>>
      %dma_wait3A_185 = arith.constant 0 : i32
      %dma_wait3A_186 = tpu.memref_slice %arg17[%add3A_171, %dma_wait3A_185] : memref<10000x144xf32, #tpu.memory_space<vmem_shared>> -> memref<48x144xf32, #tpu.memory_space<vmem_shared>>
      tpu.wait_dma2 semaphore(%run_scoped3A : memref<!tpu.dma_semaphore, #tpu.memory_space<semaphore_mem>>) src(%dma_wait3A_186 : memref<48x144xf32, #tpu.memory_space<vmem_shared>>) dst(%arg16 : memref<48x144xf32, #tpu.memory_space<vmem>>)
      tpu.yield
    }) : () -> ()
    %mul3A_172 = arith.constant 624 : i32
    %mul3A_173 = arith.muli %arg1, %mul3A_172 : i32
    %add3A_174 = arith.constant 576 : i32
    %add3A_175 = arith.addi %mul3A_173, %add3A_174 : i32
    "tpu.region"() ({
      %run_scoped3A = tpu.sem_alloc : memref<!tpu.dma_semaphore, #tpu.memory_space<semaphore_mem>>
      %dma_start3A = arith.constant 0 : i32
      %dma_start3A_181 = tpu.memref_slice %arg8[%arg0, %add3A_175, %dma_start3A] : memref<2x10000x144xf32, #tpu.memory_space<hbm>> -> memref<1x48x144xf32, #tpu.memory_space<hbm>>
      %dma_start3A_182 = tpu.memref_squeeze %dma_start3A_181 : memref<1x48x144xf32, #tpu.memory_space<hbm>> -> memref<48x144xf32, #tpu.memory_space<hbm>>
      %dma_start3A_183 = arith.constant 0 : i32
      %dma_start3A_184 = tpu.memref_slice %arg8[%arg0, %add3A_175, %dma_start3A_183] : memref<2x10000x144xf32, #tpu.memory_space<hbm>> -> memref<1x48x144xf32, #tpu.memory_space<hbm>>
      %dma_start3A_185 = tpu.memref_squeeze %dma_start3A_184 : memref<1x48x144xf32, #tpu.memory_space<hbm>> -> memref<48x144xf32, #tpu.memory_space<hbm>>
      tpu.enqueue_dma source(%arg16 : memref<48x144xf32, #tpu.memory_space<vmem>>) target(%dma_start3A_185 : memref<48x144xf32, #tpu.memory_space<hbm>>) target_semaphore(%run_scoped3A : memref<!tpu.dma_semaphore, #tpu.memory_space<semaphore_mem>>)
      %dma_wait3A = arith.constant 0 : i32
      %dma_wait3A_186 = tpu.memref_slice %arg8[%arg0, %add3A_175, %dma_wait3A] : memref<2x10000x144xf32, #tpu.memory_space<hbm>> -> memref<1x48x144xf32, #tpu.memory_space<hbm>>
      %dma_wait3A_187 = tpu.memref_squeeze %dma_wait3A_186 : memref<1x48x144xf32, #tpu.memory_space<hbm>> -> memref<48x144xf32, #tpu.memory_space<hbm>>
      %dma_wait3A_188 = arith.constant 0 : i32
      %dma_wait3A_189 = tpu.memref_slice %arg8[%arg0, %add3A_175, %dma_wait3A_188] : memref<2x10000x144xf32, #tpu.memory_space<hbm>> -> memref<1x48x144xf32, #tpu.memory_space<hbm>>
      %dma_wait3A_190 = tpu.memref_squeeze %dma_wait3A_189 : memref<1x48x144xf32, #tpu.memory_space<hbm>> -> memref<48x144xf32, #tpu.memory_space<hbm>>
      tpu.wait_dma2 semaphore(%run_scoped3A : memref<!tpu.dma_semaphore, #tpu.memory_space<semaphore_mem>>) src(%arg16 : memref<48x144xf32, #tpu.memory_space<vmem>>) dst(%dma_wait3A_190 : memref<48x144xf32, #tpu.memory_space<hbm>>)
      tpu.yield
    }) : () -> ()
    %eq3A_176 = arith.constant 0 : i32
    %eq3A_177 = arith.cmpi eq, %arg1, %eq3A_176 : i32
    %convert_element_type3A_178 = arith.extui %eq3A_177 : i1 to i32
    %cond3A_179 = arith.constant 0 : i32
    %cond3A_180 = arith.cmpi ne, %convert_element_type3A_178, %cond3A_179 : i32
    scf.if %cond3A_180 {
      "tpu.region"() ({
        %run_scoped3A = tpu.sem_alloc : memref<!tpu.dma_semaphore, #tpu.memory_space<semaphore_mem>>
        %dma_start3A = arith.constant 0 : i32
        %dma_start3A_181 = arith.constant 0 : i32
        %dma_start3A_182 = tpu.memref_slice %arg16[%dma_start3A, %dma_start3A_181] : memref<48x144xf32, #tpu.memory_space<vmem>> -> memref<16x144xf32, #tpu.memory_space<vmem>>
        %dma_start3A_183 = arith.constant 9984 : i32
        %dma_start3A_184 = arith.constant 0 : i32
        %dma_start3A_185 = tpu.memref_slice %arg17[%dma_start3A_183, %dma_start3A_184] : memref<10000x144xf32, #tpu.memory_space<vmem_shared>> -> memref<16x144xf32, #tpu.memory_space<vmem_shared>>
        %dma_start3A_186 = arith.constant 0 : i32
        %dma_start3A_187 = arith.constant 0 : i32
        %dma_start3A_188 = tpu.memref_slice %arg16[%dma_start3A_186, %dma_start3A_187] : memref<48x144xf32, #tpu.memory_space<vmem>> -> memref<16x144xf32, #tpu.memory_space<vmem>>
        %dma_start3A_189 = arith.constant 9984 : i32
        %dma_start3A_190 = arith.constant 0 : i32
        %dma_start3A_191 = tpu.memref_slice %arg17[%dma_start3A_189, %dma_start3A_190] : memref<10000x144xf32, #tpu.memory_space<vmem_shared>> -> memref<16x144xf32, #tpu.memory_space<vmem_shared>>
        tpu.enqueue_dma source(%dma_start3A_191 : memref<16x144xf32, #tpu.memory_space<vmem_shared>>) target(%dma_start3A_188 : memref<16x144xf32, #tpu.memory_space<vmem>>) target_semaphore(%run_scoped3A : memref<!tpu.dma_semaphore, #tpu.memory_space<semaphore_mem>>)
        %dma_wait3A = arith.constant 0 : i32
        %dma_wait3A_192 = arith.constant 0 : i32
        %dma_wait3A_193 = tpu.memref_slice %arg16[%dma_wait3A, %dma_wait3A_192] : memref<48x144xf32, #tpu.memory_space<vmem>> -> memref<16x144xf32, #tpu.memory_space<vmem>>
        %dma_wait3A_194 = arith.constant 9984 : i32
        %dma_wait3A_195 = arith.constant 0 : i32
        %dma_wait3A_196 = tpu.memref_slice %arg17[%dma_wait3A_194, %dma_wait3A_195] : memref<10000x144xf32, #tpu.memory_space<vmem_shared>> -> memref<16x144xf32, #tpu.memory_space<vmem_shared>>
        %dma_wait3A_197 = arith.constant 0 : i32
        %dma_wait3A_198 = arith.constant 0 : i32
        %dma_wait3A_199 = tpu.memref_slice %arg16[%dma_wait3A_197, %dma_wait3A_198] : memref<48x144xf32, #tpu.memory_space<vmem>> -> memref<16x144xf32, #tpu.memory_space<vmem>>
        %dma_wait3A_200 = arith.constant 9984 : i32
        %dma_wait3A_201 = arith.constant 0 : i32
        %dma_wait3A_202 = tpu.memref_slice %arg17[%dma_wait3A_200, %dma_wait3A_201] : memref<10000x144xf32, #tpu.memory_space<vmem_shared>> -> memref<16x144xf32, #tpu.memory_space<vmem_shared>>
        tpu.wait_dma2 semaphore(%run_scoped3A : memref<!tpu.dma_semaphore, #tpu.memory_space<semaphore_mem>>) src(%dma_wait3A_202 : memref<16x144xf32, #tpu.memory_space<vmem_shared>>) dst(%dma_wait3A_199 : memref<16x144xf32, #tpu.memory_space<vmem>>)
        tpu.yield
      }) : () -> ()
      "tpu.region"() ({
        %run_scoped3A = tpu.sem_alloc : memref<!tpu.dma_semaphore, #tpu.memory_space<semaphore_mem>>
        %dma_start3A = arith.constant 0 : i32
        %dma_start3A_181 = arith.constant 0 : i32
        %dma_start3A_182 = tpu.memref_slice %arg16[%dma_start3A, %dma_start3A_181] : memref<48x144xf32, #tpu.memory_space<vmem>> -> memref<16x144xf32, #tpu.memory_space<vmem>>
        %dma_start3A_183 = arith.constant 9984 : i32
        %dma_start3A_184 = arith.constant 0 : i32
        %dma_start3A_185 = tpu.memref_slice %arg8[%arg0, %dma_start3A_183, %dma_start3A_184] : memref<2x10000x144xf32, #tpu.memory_space<hbm>> -> memref<1x16x144xf32, #tpu.memory_space<hbm>>
        %dma_start3A_186 = tpu.memref_squeeze %dma_start3A_185 : memref<1x16x144xf32, #tpu.memory_space<hbm>> -> memref<16x144xf32, #tpu.memory_space<hbm>>
        %dma_start3A_187 = arith.constant 9984 : i32
        %dma_start3A_188 = arith.constant 0 : i32
        %dma_start3A_189 = tpu.memref_slice %arg8[%arg0, %dma_start3A_187, %dma_start3A_188] : memref<2x10000x144xf32, #tpu.memory_space<hbm>> -> memref<1x16x144xf32, #tpu.memory_space<hbm>>
        %dma_start3A_190 = tpu.memref_squeeze %dma_start3A_189 : memref<1x16x144xf32, #tpu.memory_space<hbm>> -> memref<16x144xf32, #tpu.memory_space<hbm>>
        %dma_start3A_191 = arith.constant 0 : i32
        %dma_start3A_192 = arith.constant 0 : i32
        %dma_start3A_193 = tpu.memref_slice %arg16[%dma_start3A_191, %dma_start3A_192] : memref<48x144xf32, #tpu.memory_space<vmem>> -> memref<16x144xf32, #tpu.memory_space<vmem>>
        tpu.enqueue_dma source(%dma_start3A_193 : memref<16x144xf32, #tpu.memory_space<vmem>>) target(%dma_start3A_190 : memref<16x144xf32, #tpu.memory_space<hbm>>) target_semaphore(%run_scoped3A : memref<!tpu.dma_semaphore, #tpu.memory_space<semaphore_mem>>)
        %dma_wait3A = arith.constant 0 : i32
        %dma_wait3A_194 = arith.constant 0 : i32
        %dma_wait3A_195 = tpu.memref_slice %arg16[%dma_wait3A, %dma_wait3A_194] : memref<48x144xf32, #tpu.memory_space<vmem>> -> memref<16x144xf32, #tpu.memory_space<vmem>>
        %dma_wait3A_196 = arith.constant 9984 : i32
        %dma_wait3A_197 = arith.constant 0 : i32
        %dma_wait3A_198 = tpu.memref_slice %arg8[%arg0, %dma_wait3A_196, %dma_wait3A_197] : memref<2x10000x144xf32, #tpu.memory_space<hbm>> -> memref<1x16x144xf32, #tpu.memory_space<hbm>>
        %dma_wait3A_199 = tpu.memref_squeeze %dma_wait3A_198 : memref<1x16x144xf32, #tpu.memory_space<hbm>> -> memref<16x144xf32, #tpu.memory_space<hbm>>
        %dma_wait3A_200 = arith.constant 9984 : i32
        %dma_wait3A_201 = arith.constant 0 : i32
        %dma_wait3A_202 = tpu.memref_slice %arg8[%arg0, %dma_wait3A_200, %dma_wait3A_201] : memref<2x10000x144xf32, #tpu.memory_space<hbm>> -> memref<1x16x144xf32, #tpu.memory_space<hbm>>
        %dma_wait3A_203 = tpu.memref_squeeze %dma_wait3A_202 : memref<1x16x144xf32, #tpu.memory_space<hbm>> -> memref<16x144xf32, #tpu.memory_space<hbm>>
        %dma_wait3A_204 = arith.constant 0 : i32
        %dma_wait3A_205 = arith.constant 0 : i32
        %dma_wait3A_206 = tpu.memref_slice %arg16[%dma_wait3A_204, %dma_wait3A_205] : memref<48x144xf32, #tpu.memory_space<vmem>> -> memref<16x144xf32, #tpu.memory_space<vmem>>
        tpu.wait_dma2 semaphore(%run_scoped3A : memref<!tpu.dma_semaphore, #tpu.memory_space<semaphore_mem>>) src(%dma_wait3A_206 : memref<16x144xf32, #tpu.memory_space<vmem>>) dst(%dma_wait3A_203 : memref<16x144xf32, #tpu.memory_space<hbm>>)
        tpu.yield
      }) : () -> ()
    } else {
    }
    return
  }
}

#map = affine_map<(d0, d1) -> (0, 0)>
#map1 = affine_map<(d0, d1) -> (0)>
#map2 = affine_map<(d0, d1) -> (0, 0, 0)>
module attributes {stable_mosaic.version = 14 : i64} {
  func.func @kern(%arg0: i32, %arg1: i32, %arg2: memref<10000x128xf32, #tpu.memory_space<hbm>>, %arg3: memref<10000x128xf32, #tpu.memory_space<hbm>>, %arg4: memref<10000x16xf32, #tpu.memory_space<hbm>>, %arg5: memref<320000x16xf32, #tpu.memory_space<hbm>>, %arg6: memref<320000xi32, #tpu.memory_space<hbm>>, %arg7: memref<320000xi32, #tpu.memory_space<hbm>>, %arg8: memref<16x16xf32, #tpu.memory_space<hbm>>, %arg9: memref<320000x16xf32, #tpu.memory_space<hbm>>, %arg10: memref<2x10000x16xf32, #tpu.memory_space<hbm>>, %arg11: memref<80x128xf32, #tpu.memory_space<vmem>>, %arg12: memref<80x128xf32, #tpu.memory_space<vmem>>, %arg13: memref<80x16xf32, #tpu.memory_space<vmem>>, %arg14: memref<80x16xf32, #tpu.memory_space<vmem>>, %arg15: memref<80x16xf32, #tpu.memory_space<vmem>>, %arg16: memref<80x16xf32, #tpu.memory_space<vmem>>, %arg17: memref<80xi32, #tpu.memory_space<vmem>>, %arg18: memref<80xi32, #tpu.memory_space<vmem>>, %arg19: memref<16x16xf32, #tpu.memory_space<vmem>>, %arg20: memref<624x16xf32, #tpu.memory_space<vmem>>, %arg21: memref<10000x16xf32, #tpu.memory_space<vmem_shared>>) attributes {dimension_semantics = [#tpu.dimension_semantics<core_parallel>, #tpu.dimension_semantics<subcore_parallel>], iteration_bounds = array<i64: 2, 16>, scalar_prefetch = 0 : i64, scratch_operands = 11 : i64, tpu.core_type = #tpu.core_type<sc_vector_subcore>, window_params = [{transform_indices = #map}, {transform_indices = #map}, {transform_indices = #map}, {transform_indices = #map}, {transform_indices = #map1}, {transform_indices = #map1}, {transform_indices = #map}, {transform_indices = #map}, {transform_indices = #map2}]} {
    %mul3A = arith.constant 16 : i32
    %mul3A_0 = arith.muli %arg0, %mul3A : i32
    %add3A = arith.addi %mul3A_0, %arg1 : i32
    "tpu.region"() ({
      %run_scoped3A = tpu.sem_alloc : memref<!tpu.dma_semaphore, #tpu.memory_space<semaphore_mem>>
      tpu.enqueue_dma source(%arg8 : memref<16x16xf32, #tpu.memory_space<hbm>>) target(%arg19 : memref<16x16xf32, #tpu.memory_space<vmem>>) target_semaphore(%run_scoped3A : memref<!tpu.dma_semaphore, #tpu.memory_space<semaphore_mem>>)
      tpu.wait_dma2 semaphore(%run_scoped3A : memref<!tpu.dma_semaphore, #tpu.memory_space<semaphore_mem>>) src(%arg8 : memref<16x16xf32, #tpu.memory_space<hbm>>) dst(%arg19 : memref<16x16xf32, #tpu.memory_space<vmem>>)
      tpu.yield
    }) : () -> ()
    %broadcast_in_dim3A = arith.constant 0.000000e+00 : f32
    %broadcast_in_dim3A_1 = vector.broadcast %broadcast_in_dim3A : f32 to vector<16xf32>
    %scan3A = arith.constant 0 : i32
    %scan3A_2 = arith.constant 0 : i32
    %scan3A_3 = arith.constant 624 : i32
    %scan3A_4 = arith.addi %scan3A_2, %scan3A_3 : i32
    %scan3A_5 = arith.constant 1 : i32
    %scan3A_6 = scf.for %scan3A_31 = %scan3A_2 to %scan3A_4 step %scan3A_5 iter_args(%scan3A_32 = %scan3A) -> (i32)  : i32 {
      %swap3A = arith.index_cast %scan3A_31 : i32 to index
      %swap3A_33 = arith.constant 0 : index
      %swap3A_34 = tpu.vector_load %arg20[%swap3A, %swap3A_33] {strides = array<i32>} : memref<624x16xf32, #tpu.memory_space<vmem>>, vector<1x16xf32>,
      %swap3A_35 = vector.shape_cast %swap3A_34 : vector<1x16xf32> to vector<16xf32>
      %swap3A_36 = vector.shape_cast %broadcast_in_dim3A_1 : vector<16xf32> to vector<1x16xf32>
      tpu.vector_store %arg20[%swap3A, %swap3A_33], %swap3A_36 {strides = array<i32>} : memref<624x16xf32, #tpu.memory_space<vmem>>, vector<1x16xf32>,
      %scan3A_37 = arith.constant 0 : i32
      scf.yield %scan3A_37 : i32
    }
    %scan3A_7 = arith.constant 624 : i32
    %mul3A_8 = arith.constant 624 : i32
    %mul3A_9 = arith.muli %arg1, %mul3A_8 : i32
    "tpu.region"() ({
      %run_scoped3A = tpu.sem_alloc : memref<!tpu.dma_semaphore, #tpu.memory_space<semaphore_mem>>
      %dma_start3A = arith.constant 0 : i32
      %dma_start3A_31 = tpu.memref_slice %arg21[%mul3A_9, %dma_start3A] : memref<10000x16xf32, #tpu.memory_space<vmem_shared>> -> memref<624x16xf32, #tpu.memory_space<vmem_shared>>
      %dma_start3A_32 = arith.constant 0 : i32
      %dma_start3A_33 = tpu.memref_slice %arg21[%mul3A_9, %dma_start3A_32] : memref<10000x16xf32, #tpu.memory_space<vmem_shared>> -> memref<624x16xf32, #tpu.memory_space<vmem_shared>>
      tpu.enqueue_dma source(%arg20 : memref<624x16xf32, #tpu.memory_space<vmem>>) target(%dma_start3A_33 : memref<624x16xf32, #tpu.memory_space<vmem_shared>>) target_semaphore(%run_scoped3A : memref<!tpu.dma_semaphore, #tpu.memory_space<semaphore_mem>>)
      %dma_wait3A = arith.constant 0 : i32
      %dma_wait3A_34 = tpu.memref_slice %arg21[%mul3A_9, %dma_wait3A] : memref<10000x16xf32, #tpu.memory_space<vmem_shared>> -> memref<624x16xf32, #tpu.memory_space<vmem_shared>>
      %dma_wait3A_35 = arith.constant 0 : i32
      %dma_wait3A_36 = tpu.memref_slice %arg21[%mul3A_9, %dma_wait3A_35] : memref<10000x16xf32, #tpu.memory_space<vmem_shared>> -> memref<624x16xf32, #tpu.memory_space<vmem_shared>>
      tpu.wait_dma2 semaphore(%run_scoped3A : memref<!tpu.dma_semaphore, #tpu.memory_space<semaphore_mem>>) src(%arg20 : memref<624x16xf32, #tpu.memory_space<vmem>>) dst(%dma_wait3A_36 : memref<624x16xf32, #tpu.memory_space<vmem_shared>>)
      tpu.yield
    }) : () -> ()
    %eq3A = arith.constant 0 : i32
    %eq3A_10 = arith.cmpi eq, %arg1, %eq3A : i32
    %convert_element_type3A = arith.extui %eq3A_10 : i1 to i32
    %cond3A = arith.constant 0 : i32
    %cond3A_11 = arith.cmpi ne, %convert_element_type3A, %cond3A : i32
    scf.if %cond3A_11 {
      "tpu.region"() ({
        %run_scoped3A = tpu.sem_alloc : memref<!tpu.dma_semaphore, #tpu.memory_space<semaphore_mem>>
        %dma_start3A = arith.constant 0 : i32
        %dma_start3A_31 = arith.constant 0 : i32
        %dma_start3A_32 = tpu.memref_slice %arg20[%dma_start3A, %dma_start3A_31] : memref<624x16xf32, #tpu.memory_space<vmem>> -> memref<16x16xf32, #tpu.memory_space<vmem>>
        %dma_start3A_33 = arith.constant 9984 : i32
        %dma_start3A_34 = arith.constant 0 : i32
        %dma_start3A_35 = tpu.memref_slice %arg21[%dma_start3A_33, %dma_start3A_34] : memref<10000x16xf32, #tpu.memory_space<vmem_shared>> -> memref<16x16xf32, #tpu.memory_space<vmem_shared>>
        %dma_start3A_36 = arith.constant 9984 : i32
        %dma_start3A_37 = arith.constant 0 : i32
        %dma_start3A_38 = tpu.memref_slice %arg21[%dma_start3A_36, %dma_start3A_37] : memref<10000x16xf32, #tpu.memory_space<vmem_shared>> -> memref<16x16xf32, #tpu.memory_space<vmem_shared>>
        %dma_start3A_39 = arith.constant 0 : i32
        %dma_start3A_40 = arith.constant 0 : i32
        %dma_start3A_41 = tpu.memref_slice %arg20[%dma_start3A_39, %dma_start3A_40] : memref<624x16xf32, #tpu.memory_space<vmem>> -> memref<16x16xf32, #tpu.memory_space<vmem>>
        tpu.enqueue_dma source(%dma_start3A_41 : memref<16x16xf32, #tpu.memory_space<vmem>>) target(%dma_start3A_38 : memref<16x16xf32, #tpu.memory_space<vmem_shared>>) target_semaphore(%run_scoped3A : memref<!tpu.dma_semaphore, #tpu.memory_space<semaphore_mem>>)
        %dma_wait3A = arith.constant 0 : i32
        %dma_wait3A_42 = arith.constant 0 : i32
        %dma_wait3A_43 = tpu.memref_slice %arg20[%dma_wait3A, %dma_wait3A_42] : memref<624x16xf32, #tpu.memory_space<vmem>> -> memref<16x16xf32, #tpu.memory_space<vmem>>
        %dma_wait3A_44 = arith.constant 9984 : i32
        %dma_wait3A_45 = arith.constant 0 : i32
        %dma_wait3A_46 = tpu.memref_slice %arg21[%dma_wait3A_44, %dma_wait3A_45] : memref<10000x16xf32, #tpu.memory_space<vmem_shared>> -> memref<16x16xf32, #tpu.memory_space<vmem_shared>>
        %dma_wait3A_47 = arith.constant 9984 : i32
        %dma_wait3A_48 = arith.constant 0 : i32
        %dma_wait3A_49 = tpu.memref_slice %arg21[%dma_wait3A_47, %dma_wait3A_48] : memref<10000x16xf32, #tpu.memory_space<vmem_shared>> -> memref<16x16xf32, #tpu.memory_space<vmem_shared>>
        %dma_wait3A_50 = arith.constant 0 : i32
        %dma_wait3A_51 = arith.constant 0 : i32
        %dma_wait3A_52 = tpu.memref_slice %arg20[%dma_wait3A_50, %dma_wait3A_51] : memref<624x16xf32, #tpu.memory_space<vmem>> -> memref<16x16xf32, #tpu.memory_space<vmem>>
        tpu.wait_dma2 semaphore(%run_scoped3A : memref<!tpu.dma_semaphore, #tpu.memory_space<semaphore_mem>>) src(%dma_wait3A_52 : memref<16x16xf32, #tpu.memory_space<vmem>>) dst(%dma_wait3A_49 : memref<16x16xf32, #tpu.memory_space<vmem_shared>>)
        tpu.yield
      }) : () -> ()
    } else {
    }
    %barrier3A = arith.constant 0 : index
    tpu.barrier barrier_id(%barrier3A)
    %mul3A_12 = arith.constant 10000 : i32
    %mul3A_13 = arith.muli %add3A, %mul3A_12 : i32
    %scan3A_14 = arith.constant 0 : i32
    %scan3A_15 = arith.constant 0 : i32
    %scan3A_16 = arith.constant 125 : i32
    %scan3A_17 = arith.addi %scan3A_15, %scan3A_16 : i32
    %scan3A_18 = arith.constant 1 : i32
    %scan3A_19 = scf.for %scan3A_31 = %scan3A_15 to %scan3A_17 step %scan3A_18 iter_args(%scan3A_32 = %scan3A_14) -> (i32)  : i32 {
      %mul3A_33 = arith.constant 80 : i32
      %mul3A_34 = arith.muli %scan3A_31, %mul3A_33 : i32
      %add3A_35 = arith.addi %mul3A_13, %mul3A_34 : i32
      "tpu.region"() ({
        %run_scoped3A = tpu.sem_alloc : memref<!tpu.dma_semaphore, #tpu.memory_space<semaphore_mem>>
        %dma_start3A = tpu.memref_slice %arg6[%add3A_35] : memref<320000xi32, #tpu.memory_space<hbm>> -> memref<80xi32, #tpu.memory_space<hbm>>
        %dma_start3A_68 = tpu.memref_slice %arg6[%add3A_35] : memref<320000xi32, #tpu.memory_space<hbm>> -> memref<80xi32, #tpu.memory_space<hbm>>
        tpu.enqueue_dma source(%dma_start3A_68 : memref<80xi32, #tpu.memory_space<hbm>>) target(%arg17 : memref<80xi32, #tpu.memory_space<vmem>>) target_semaphore(%run_scoped3A : memref<!tpu.dma_semaphore, #tpu.memory_space<semaphore_mem>>)
        %dma_wait3A = tpu.memref_slice %arg6[%add3A_35] : memref<320000xi32, #tpu.memory_space<hbm>> -> memref<80xi32, #tpu.memory_space<hbm>>
        %dma_wait3A_69 = tpu.memref_slice %arg6[%add3A_35] : memref<320000xi32, #tpu.memory_space<hbm>> -> memref<80xi32, #tpu.memory_space<hbm>>
        tpu.wait_dma2 semaphore(%run_scoped3A : memref<!tpu.dma_semaphore, #tpu.memory_space<semaphore_mem>>) src(%dma_wait3A_69 : memref<80xi32, #tpu.memory_space<hbm>>) dst(%arg17 : memref<80xi32, #tpu.memory_space<vmem>>)
        tpu.yield
      }) : () -> ()
      "tpu.region"() ({
        %run_scoped3A = tpu.sem_alloc : memref<!tpu.dma_semaphore, #tpu.memory_space<semaphore_mem>>
        %dma_start3A = tpu.memref_slice %arg7[%add3A_35] : memref<320000xi32, #tpu.memory_space<hbm>> -> memref<80xi32, #tpu.memory_space<hbm>>
        %dma_start3A_68 = tpu.memref_slice %arg7[%add3A_35] : memref<320000xi32, #tpu.memory_space<hbm>> -> memref<80xi32, #tpu.memory_space<hbm>>
        tpu.enqueue_dma source(%dma_start3A_68 : memref<80xi32, #tpu.memory_space<hbm>>) target(%arg18 : memref<80xi32, #tpu.memory_space<vmem>>) target_semaphore(%run_scoped3A : memref<!tpu.dma_semaphore, #tpu.memory_space<semaphore_mem>>)
        %dma_wait3A = tpu.memref_slice %arg7[%add3A_35] : memref<320000xi32, #tpu.memory_space<hbm>> -> memref<80xi32, #tpu.memory_space<hbm>>
        %dma_wait3A_69 = tpu.memref_slice %arg7[%add3A_35] : memref<320000xi32, #tpu.memory_space<hbm>> -> memref<80xi32, #tpu.memory_space<hbm>>
        tpu.wait_dma2 semaphore(%run_scoped3A : memref<!tpu.dma_semaphore, #tpu.memory_space<semaphore_mem>>) src(%dma_wait3A_69 : memref<80xi32, #tpu.memory_space<hbm>>) dst(%arg18 : memref<80xi32, #tpu.memory_space<vmem>>)
        tpu.yield
      }) : () -> ()
      "tpu.region"() ({
        %run_scoped3A = tpu.sem_alloc : memref<!tpu.dma_semaphore, #tpu.memory_space<semaphore_mem>>
        %dma_start3A = arith.constant 0 : i32
        %dma_start3A_68 = tpu.memref_slice %arg5[%add3A_35, %dma_start3A] : memref<320000x16xf32, #tpu.memory_space<hbm>> -> memref<80x16xf32, #tpu.memory_space<hbm>>
        %dma_start3A_69 = arith.constant 0 : i32
        %dma_start3A_70 = tpu.memref_slice %arg5[%add3A_35, %dma_start3A_69] : memref<320000x16xf32, #tpu.memory_space<hbm>> -> memref<80x16xf32, #tpu.memory_space<hbm>>
        tpu.enqueue_dma source(%dma_start3A_70 : memref<80x16xf32, #tpu.memory_space<hbm>>) target(%arg15 : memref<80x16xf32, #tpu.memory_space<vmem>>) target_semaphore(%run_scoped3A : memref<!tpu.dma_semaphore, #tpu.memory_space<semaphore_mem>>)
        %dma_wait3A = arith.constant 0 : i32
        %dma_wait3A_71 = tpu.memref_slice %arg5[%add3A_35, %dma_wait3A] : memref<320000x16xf32, #tpu.memory_space<hbm>> -> memref<80x16xf32, #tpu.memory_space<hbm>>
        %dma_wait3A_72 = arith.constant 0 : i32
        %dma_wait3A_73 = tpu.memref_slice %arg5[%add3A_35, %dma_wait3A_72] : memref<320000x16xf32, #tpu.memory_space<hbm>> -> memref<80x16xf32, #tpu.memory_space<hbm>>
        tpu.wait_dma2 semaphore(%run_scoped3A : memref<!tpu.dma_semaphore, #tpu.memory_space<semaphore_mem>>) src(%dma_wait3A_73 : memref<80x16xf32, #tpu.memory_space<hbm>>) dst(%arg15 : memref<80x16xf32, #tpu.memory_space<vmem>>)
        tpu.yield
      }) : () -> ()
      "tpu.region"() ({
        %run_scoped3A = tpu.sem_alloc : memref<!tpu.dma_semaphore, #tpu.memory_space<semaphore_mem>>
        %dma_start3A = arith.constant 0 : i32
        %dma_start3A_68 = arith.constant 0 : i32
        %dma_start3A_69 = tpu.memref_slice %arg2[%dma_start3A, %dma_start3A_68] : memref<10000x128xf32, #tpu.memory_space<hbm>> -> memref<10000x128xf32, #tpu.memory_space<hbm>>
        tpu.enqueue_indirect_dma source(%dma_start3A_69 : memref<10000x128xf32, #tpu.memory_space<hbm>>) target(%arg11 : memref<80x128xf32, #tpu.memory_space<vmem>>) offsets(%arg17 : memref<80xi32, #tpu.memory_space<vmem>>) semaphore(%run_scoped3A : memref<!tpu.dma_semaphore, #tpu.memory_space<semaphore_mem>>)
        %dma_wait3A = arith.constant 0 : i32
        %dma_wait3A_70 = arith.constant 0 : i32
        %dma_wait3A_71 = tpu.memref_slice %arg2[%dma_wait3A, %dma_wait3A_70] : memref<10000x128xf32, #tpu.memory_space<hbm>> -> memref<10000x128xf32, #tpu.memory_space<hbm>>
        tpu.wait_indirect_dma semaphore(%run_scoped3A : memref<!tpu.dma_semaphore, #tpu.memory_space<semaphore_mem>>) src(%dma_wait3A_71 : memref<10000x128xf32, #tpu.memory_space<hbm>>) dst(%arg11 : memref<80x128xf32, #tpu.memory_space<vmem>>)
        tpu.yield
      }) : () -> ()
      "tpu.region"() ({
        %run_scoped3A = tpu.sem_alloc : memref<!tpu.dma_semaphore, #tpu.memory_space<semaphore_mem>>
        %dma_start3A = arith.constant 0 : i32
        %dma_start3A_68 = arith.constant 0 : i32
        %dma_start3A_69 = tpu.memref_slice %arg3[%dma_start3A, %dma_start3A_68] : memref<10000x128xf32, #tpu.memory_space<hbm>> -> memref<10000x128xf32, #tpu.memory_space<hbm>>
        tpu.enqueue_indirect_dma source(%dma_start3A_69 : memref<10000x128xf32, #tpu.memory_space<hbm>>) target(%arg12 : memref<80x128xf32, #tpu.memory_space<vmem>>) offsets(%arg18 : memref<80xi32, #tpu.memory_space<vmem>>) semaphore(%run_scoped3A : memref<!tpu.dma_semaphore, #tpu.memory_space<semaphore_mem>>)
        %dma_wait3A = arith.constant 0 : i32
        %dma_wait3A_70 = arith.constant 0 : i32
        %dma_wait3A_71 = tpu.memref_slice %arg3[%dma_wait3A, %dma_wait3A_70] : memref<10000x128xf32, #tpu.memory_space<hbm>> -> memref<10000x128xf32, #tpu.memory_space<hbm>>
        tpu.wait_indirect_dma semaphore(%run_scoped3A : memref<!tpu.dma_semaphore, #tpu.memory_space<semaphore_mem>>) src(%dma_wait3A_71 : memref<10000x128xf32, #tpu.memory_space<hbm>>) dst(%arg12 : memref<80x128xf32, #tpu.memory_space<vmem>>)
        tpu.yield
      }) : () -> ()
      "tpu.region"() ({
        %run_scoped3A = tpu.sem_alloc : memref<!tpu.dma_semaphore, #tpu.memory_space<semaphore_mem>>
        %dma_start3A = arith.constant 0 : i32
        %dma_start3A_68 = arith.constant 0 : i32
        %dma_start3A_69 = tpu.memref_slice %arg4[%dma_start3A, %dma_start3A_68] : memref<10000x16xf32, #tpu.memory_space<hbm>> -> memref<10000x16xf32, #tpu.memory_space<hbm>>
        tpu.enqueue_indirect_dma source(%dma_start3A_69 : memref<10000x16xf32, #tpu.memory_space<hbm>>) target(%arg13 : memref<80x16xf32, #tpu.memory_space<vmem>>) offsets(%arg17 : memref<80xi32, #tpu.memory_space<vmem>>) semaphore(%run_scoped3A : memref<!tpu.dma_semaphore, #tpu.memory_space<semaphore_mem>>)
        %dma_wait3A = arith.constant 0 : i32
        %dma_wait3A_70 = arith.constant 0 : i32
        %dma_wait3A_71 = tpu.memref_slice %arg4[%dma_wait3A, %dma_wait3A_70] : memref<10000x16xf32, #tpu.memory_space<hbm>> -> memref<10000x16xf32, #tpu.memory_space<hbm>>
        tpu.wait_indirect_dma semaphore(%run_scoped3A : memref<!tpu.dma_semaphore, #tpu.memory_space<semaphore_mem>>) src(%dma_wait3A_71 : memref<10000x16xf32, #tpu.memory_space<hbm>>) dst(%arg13 : memref<80x16xf32, #tpu.memory_space<vmem>>)
        tpu.yield
      }) : () -> ()
      "tpu.region"() ({
        %run_scoped3A = tpu.sem_alloc : memref<!tpu.dma_semaphore, #tpu.memory_space<semaphore_mem>>
        %dma_start3A = arith.constant 0 : i32
        %dma_start3A_68 = arith.constant 0 : i32
        %dma_start3A_69 = tpu.memref_slice %arg4[%dma_start3A, %dma_start3A_68] : memref<10000x16xf32, #tpu.memory_space<hbm>> -> memref<10000x16xf32, #tpu.memory_space<hbm>>
        tpu.enqueue_indirect_dma source(%dma_start3A_69 : memref<10000x16xf32, #tpu.memory_space<hbm>>) target(%arg14 : memref<80x16xf32, #tpu.memory_space<vmem>>) offsets(%arg18 : memref<80xi32, #tpu.memory_space<vmem>>) semaphore(%run_scoped3A : memref<!tpu.dma_semaphore, #tpu.memory_space<semaphore_mem>>)
        %dma_wait3A = arith.constant 0 : i32
        %dma_wait3A_70 = arith.constant 0 : i32
        %dma_wait3A_71 = tpu.memref_slice %arg4[%dma_wait3A, %dma_wait3A_70] : memref<10000x16xf32, #tpu.memory_space<hbm>> -> memref<10000x16xf32, #tpu.memory_space<hbm>>
        tpu.wait_indirect_dma semaphore(%run_scoped3A : memref<!tpu.dma_semaphore, #tpu.memory_space<semaphore_mem>>) src(%dma_wait3A_71 : memref<10000x16xf32, #tpu.memory_space<hbm>>) dst(%arg14 : memref<80x16xf32, #tpu.memory_space<vmem>>)
        tpu.yield
      }) : () -> ()
      %get3A = arith.constant 4 : i32
      %get3A_36 = arith.index_cast %get3A : i32 to index
      %get3A_37 = arith.constant 0 : index
      %get3A_38 = tpu.vector_load %arg19[%get3A_36, %get3A_37] {strides = array<i32>} : memref<16x16xf32, #tpu.memory_space<vmem>>, vector<1x16xf32>,
      %get3A_39 = vector.shape_cast %get3A_38 : vector<1x16xf32> to vector<16xf32>
      %get3A_40 = arith.constant 0 : i32
      %get3A_41 = arith.index_cast %get3A_40 : i32 to index
      %get3A_42 = arith.constant 0 : index
      %get3A_43 = tpu.vector_load %arg19[%get3A_41, %get3A_42] {strides = array<i32>} : memref<16x16xf32, #tpu.memory_space<vmem>>, vector<1x16xf32>,
      %get3A_44 = vector.shape_cast %get3A_43 : vector<1x16xf32> to vector<16xf32>
      %get3A_45 = arith.constant 1 : i32
      %get3A_46 = arith.index_cast %get3A_45 : i32 to index
      %get3A_47 = arith.constant 0 : index
      %get3A_48 = tpu.vector_load %arg19[%get3A_46, %get3A_47] {strides = array<i32>} : memref<16x16xf32, #tpu.memory_space<vmem>>, vector<1x16xf32>,
      %get3A_49 = vector.shape_cast %get3A_48 : vector<1x16xf32> to vector<16xf32>
      %get3A_50 = arith.constant 2 : i32
      %get3A_51 = arith.index_cast %get3A_50 : i32 to index
      %get3A_52 = arith.constant 0 : index
      %get3A_53 = tpu.vector_load %arg19[%get3A_51, %get3A_52] {strides = array<i32>} : memref<16x16xf32, #tpu.memory_space<vmem>>, vector<1x16xf32>,
      %get3A_54 = vector.shape_cast %get3A_53 : vector<1x16xf32> to vector<16xf32>
      %get3A_55 = arith.constant 3 : i32
      %get3A_56 = arith.index_cast %get3A_55 : i32 to index
      %get3A_57 = arith.constant 0 : index
      %get3A_58 = tpu.vector_load %arg19[%get3A_56, %get3A_57] {strides = array<i32>} : memref<16x16xf32, #tpu.memory_space<vmem>>, vector<1x16xf32>,
      %get3A_59 = vector.shape_cast %get3A_58 : vector<1x16xf32> to vector<16xf32>
      %scan3A_60 = arith.constant 0 : i32
      %scan3A_61 = arith.constant 0 : i32
      %scan3A_62 = arith.constant 80 : i32
      %scan3A_63 = arith.addi %scan3A_61, %scan3A_62 : i32
      %scan3A_64 = arith.constant 1 : i32
      %scan3A_65 = scf.for %scan3A_68 = %scan3A_61 to %scan3A_63 step %scan3A_64 iter_args(%scan3A_69 = %scan3A_60) -> (i32)  : i32 {
        %get3A_70 = arith.index_cast %scan3A_68 : i32 to index
        %get3A_71 = arith.constant 0 : index
        %get3A_72 = tpu.vector_load %arg11[%get3A_70, %get3A_71] {strides = array<i32>} : memref<80x128xf32, #tpu.memory_space<vmem>>, vector<1x16xf32>,
        %get3A_73 = vector.shape_cast %get3A_72 : vector<1x16xf32> to vector<16xf32>
        %get3A_74 = arith.index_cast %scan3A_68 : i32 to index
        %get3A_75 = arith.constant 0 : index
        %get3A_76 = tpu.vector_load %arg12[%get3A_74, %get3A_75] {strides = array<i32>} : memref<80x128xf32, #tpu.memory_space<vmem>>, vector<1x16xf32>,
        %get3A_77 = vector.shape_cast %get3A_76 : vector<1x16xf32> to vector<16xf32>
        %mul3A_78 = arith.mulf %get3A_73, %get3A_77 : vector<16xf32>
        %get3A_79 = arith.index_cast %scan3A_68 : i32 to index
        %get3A_80 = arith.constant 16 : index
        %get3A_81 = tpu.vector_load %arg11[%get3A_79, %get3A_80] {strides = array<i32>} : memref<80x128xf32, #tpu.memory_space<vmem>>, vector<1x16xf32>,
        %get3A_82 = vector.shape_cast %get3A_81 : vector<1x16xf32> to vector<16xf32>
        %get3A_83 = arith.index_cast %scan3A_68 : i32 to index
        %get3A_84 = arith.constant 16 : index
        %get3A_85 = tpu.vector_load %arg12[%get3A_83, %get3A_84] {strides = array<i32>} : memref<80x128xf32, #tpu.memory_space<vmem>>, vector<1x16xf32>,
        %get3A_86 = vector.shape_cast %get3A_85 : vector<1x16xf32> to vector<16xf32>
        %mul3A_87 = arith.mulf %get3A_82, %get3A_86 : vector<16xf32>
        %add3A_88 = arith.addf %mul3A_78, %mul3A_87 : vector<16xf32>
        %get3A_89 = arith.index_cast %scan3A_68 : i32 to index
        %get3A_90 = arith.constant 32 : index
        %get3A_91 = tpu.vector_load %arg11[%get3A_89, %get3A_90] {strides = array<i32>} : memref<80x128xf32, #tpu.memory_space<vmem>>, vector<1x16xf32>,
        %get3A_92 = vector.shape_cast %get3A_91 : vector<1x16xf32> to vector<16xf32>
        %get3A_93 = arith.index_cast %scan3A_68 : i32 to index
        %get3A_94 = arith.constant 32 : index
        %get3A_95 = tpu.vector_load %arg12[%get3A_93, %get3A_94] {strides = array<i32>} : memref<80x128xf32, #tpu.memory_space<vmem>>, vector<1x16xf32>,
        %get3A_96 = vector.shape_cast %get3A_95 : vector<1x16xf32> to vector<16xf32>
        %mul3A_97 = arith.mulf %get3A_92, %get3A_96 : vector<16xf32>
        %add3A_98 = arith.addf %add3A_88, %mul3A_97 : vector<16xf32>
        %get3A_99 = arith.index_cast %scan3A_68 : i32 to index
        %get3A_100 = arith.constant 48 : index
        %get3A_101 = tpu.vector_load %arg11[%get3A_99, %get3A_100] {strides = array<i32>} : memref<80x128xf32, #tpu.memory_space<vmem>>, vector<1x16xf32>,
        %get3A_102 = vector.shape_cast %get3A_101 : vector<1x16xf32> to vector<16xf32>
        %get3A_103 = arith.index_cast %scan3A_68 : i32 to index
        %get3A_104 = arith.constant 48 : index
        %get3A_105 = tpu.vector_load %arg12[%get3A_103, %get3A_104] {strides = array<i32>} : memref<80x128xf32, #tpu.memory_space<vmem>>, vector<1x16xf32>,
        %get3A_106 = vector.shape_cast %get3A_105 : vector<1x16xf32> to vector<16xf32>
        %mul3A_107 = arith.mulf %get3A_102, %get3A_106 : vector<16xf32>
        %add3A_108 = arith.addf %add3A_98, %mul3A_107 : vector<16xf32>
        %get3A_109 = arith.index_cast %scan3A_68 : i32 to index
        %get3A_110 = arith.constant 64 : index
        %get3A_111 = tpu.vector_load %arg11[%get3A_109, %get3A_110] {strides = array<i32>} : memref<80x128xf32, #tpu.memory_space<vmem>>, vector<1x16xf32>,
        %get3A_112 = vector.shape_cast %get3A_111 : vector<1x16xf32> to vector<16xf32>
        %get3A_113 = arith.index_cast %scan3A_68 : i32 to index
        %get3A_114 = arith.constant 64 : index
        %get3A_115 = tpu.vector_load %arg12[%get3A_113, %get3A_114] {strides = array<i32>} : memref<80x128xf32, #tpu.memory_space<vmem>>, vector<1x16xf32>,
        %get3A_116 = vector.shape_cast %get3A_115 : vector<1x16xf32> to vector<16xf32>
        %mul3A_117 = arith.mulf %get3A_112, %get3A_116 : vector<16xf32>
        %add3A_118 = arith.addf %add3A_108, %mul3A_117 : vector<16xf32>
        %get3A_119 = arith.index_cast %scan3A_68 : i32 to index
        %get3A_120 = arith.constant 80 : index
        %get3A_121 = tpu.vector_load %arg11[%get3A_119, %get3A_120] {strides = array<i32>} : memref<80x128xf32, #tpu.memory_space<vmem>>, vector<1x16xf32>,
        %get3A_122 = vector.shape_cast %get3A_121 : vector<1x16xf32> to vector<16xf32>
        %get3A_123 = arith.index_cast %scan3A_68 : i32 to index
        %get3A_124 = arith.constant 80 : index
        %get3A_125 = tpu.vector_load %arg12[%get3A_123, %get3A_124] {strides = array<i32>} : memref<80x128xf32, #tpu.memory_space<vmem>>, vector<1x16xf32>,
        %get3A_126 = vector.shape_cast %get3A_125 : vector<1x16xf32> to vector<16xf32>
        %mul3A_127 = arith.mulf %get3A_122, %get3A_126 : vector<16xf32>
        %add3A_128 = arith.addf %add3A_118, %mul3A_127 : vector<16xf32>
        %get3A_129 = arith.index_cast %scan3A_68 : i32 to index
        %get3A_130 = arith.constant 96 : index
        %get3A_131 = tpu.vector_load %arg11[%get3A_129, %get3A_130] {strides = array<i32>} : memref<80x128xf32, #tpu.memory_space<vmem>>, vector<1x16xf32>,
        %get3A_132 = vector.shape_cast %get3A_131 : vector<1x16xf32> to vector<16xf32>
        %get3A_133 = arith.index_cast %scan3A_68 : i32 to index
        %get3A_134 = arith.constant 96 : index
        %get3A_135 = tpu.vector_load %arg12[%get3A_133, %get3A_134] {strides = array<i32>} : memref<80x128xf32, #tpu.memory_space<vmem>>, vector<1x16xf32>,
        %get3A_136 = vector.shape_cast %get3A_135 : vector<1x16xf32> to vector<16xf32>
        %mul3A_137 = arith.mulf %get3A_132, %get3A_136 : vector<16xf32>
        %add3A_138 = arith.addf %add3A_128, %mul3A_137 : vector<16xf32>
        %get3A_139 = arith.index_cast %scan3A_68 : i32 to index
        %get3A_140 = arith.constant 112 : index
        %get3A_141 = tpu.vector_load %arg11[%get3A_139, %get3A_140] {strides = array<i32>} : memref<80x128xf32, #tpu.memory_space<vmem>>, vector<1x16xf32>,
        %get3A_142 = vector.shape_cast %get3A_141 : vector<1x16xf32> to vector<16xf32>
        %get3A_143 = arith.index_cast %scan3A_68 : i32 to index
        %get3A_144 = arith.constant 112 : index
        %get3A_145 = tpu.vector_load %arg12[%get3A_143, %get3A_144] {strides = array<i32>} : memref<80x128xf32, #tpu.memory_space<vmem>>, vector<1x16xf32>,
        %get3A_146 = vector.shape_cast %get3A_145 : vector<1x16xf32> to vector<16xf32>
        %mul3A_147 = arith.mulf %get3A_142, %get3A_146 : vector<16xf32>
        %add3A_148 = arith.addf %add3A_138, %mul3A_147 : vector<16xf32>
        %rev3A = arith.constant 15 : i32
        %rev3A_149 = vector.broadcast %rev3A : i32 to vector<16xi32>
        %rev3A_150 = tpu.iota {dimensions = array<i32: 0>} : vector<16xi32>
        %rev3A_151 = arith.subi %rev3A_149, %rev3A_150 : vector<16xi32>
        %rev3A_152 = tpu.dynamic_gather %add3A_148[%rev3A_151] in [0] : vector<16xf32>, vector<16xi32> -> vector<16xf32>
        %add3A_153 = arith.addf %add3A_148, %rev3A_152 : vector<16xf32>
        %mul3A_154 = arith.constant 2.500000e-01 : f32
        %mul3A_155 = vector.broadcast %mul3A_154 : f32 to vector<16xf32>
        %mul3A_156 = arith.mulf %add3A_153, %mul3A_155 : vector<16xf32>
        %get3A_157 = arith.index_cast %scan3A_68 : i32 to index
        %get3A_158 = arith.constant 0 : index
        %get3A_159 = tpu.vector_load %arg13[%get3A_157, %get3A_158] {strides = array<i32>} : memref<80x16xf32, #tpu.memory_space<vmem>>, vector<1x16xf32>,
        %get3A_160 = vector.shape_cast %get3A_159 : vector<1x16xf32> to vector<16xf32>
        %get3A_161 = arith.index_cast %scan3A_68 : i32 to index
        %get3A_162 = arith.constant 0 : index
        %get3A_163 = tpu.vector_load %arg14[%get3A_161, %get3A_162] {strides = array<i32>} : memref<80x16xf32, #tpu.memory_space<vmem>>, vector<1x16xf32>,
        %get3A_164 = vector.shape_cast %get3A_163 : vector<1x16xf32> to vector<16xf32>
        %sub3A = arith.subf %get3A_164, %get3A_160 : vector<16xf32>
        %slice3A = vector.extract_strided_slice %sub3A {offsets = [9], sizes = [1], strides = [1]} : vector<16xf32> to vector<1xf32>
        %squeeze3A = vector.extract %slice3A[0] : f32 from vector<1xf32>
        %broadcast_in_dim3A_165 = vector.broadcast %squeeze3A : f32 to vector<16xf32>
        %slice3A_166 = vector.extract_strided_slice %sub3A {offsets = [10], sizes = [1], strides = [1]} : vector<16xf32> to vector<1xf32>
        %squeeze3A_167 = vector.extract %slice3A_166[0] : f32 from vector<1xf32>
        %broadcast_in_dim3A_168 = vector.broadcast %squeeze3A_167 : f32 to vector<16xf32>
        %slice3A_169 = vector.extract_strided_slice %sub3A {offsets = [11], sizes = [1], strides = [1]} : vector<16xf32> to vector<1xf32>
        %squeeze3A_170 = vector.extract %slice3A_169[0] : f32 from vector<1xf32>
        %broadcast_in_dim3A_171 = vector.broadcast %squeeze3A_170 : f32 to vector<16xf32>
        %slice3A_172 = vector.extract_strided_slice %get3A_160 {offsets = [0], sizes = [1], strides = [1]} : vector<16xf32> to vector<1xf32>
        %squeeze3A_173 = vector.extract %slice3A_172[0] : f32 from vector<1xf32>
        %broadcast_in_dim3A_174 = vector.broadcast %squeeze3A_173 : f32 to vector<16xf32>
        %slice3A_175 = vector.extract_strided_slice %get3A_160 {offsets = [1], sizes = [1], strides = [1]} : vector<16xf32> to vector<1xf32>
        %squeeze3A_176 = vector.extract %slice3A_175[0] : f32 from vector<1xf32>
        %broadcast_in_dim3A_177 = vector.broadcast %squeeze3A_176 : f32 to vector<16xf32>
        %slice3A_178 = vector.extract_strided_slice %get3A_160 {offsets = [2], sizes = [1], strides = [1]} : vector<16xf32> to vector<1xf32>
        %squeeze3A_179 = vector.extract %slice3A_178[0] : f32 from vector<1xf32>
        %broadcast_in_dim3A_180 = vector.broadcast %squeeze3A_179 : f32 to vector<16xf32>
        %slice3A_181 = vector.extract_strided_slice %get3A_160 {offsets = [3], sizes = [1], strides = [1]} : vector<16xf32> to vector<1xf32>
        %squeeze3A_182 = vector.extract %slice3A_181[0] : f32 from vector<1xf32>
        %broadcast_in_dim3A_183 = vector.broadcast %squeeze3A_182 : f32 to vector<16xf32>
        %slice3A_184 = vector.extract_strided_slice %get3A_160 {offsets = [4], sizes = [1], strides = [1]} : vector<16xf32> to vector<1xf32>
        %squeeze3A_185 = vector.extract %slice3A_184[0] : f32 from vector<1xf32>
        %broadcast_in_dim3A_186 = vector.broadcast %squeeze3A_185 : f32 to vector<16xf32>
        %slice3A_187 = vector.extract_strided_slice %get3A_160 {offsets = [5], sizes = [1], strides = [1]} : vector<16xf32> to vector<1xf32>
        %squeeze3A_188 = vector.extract %slice3A_187[0] : f32 from vector<1xf32>
        %broadcast_in_dim3A_189 = vector.broadcast %squeeze3A_188 : f32 to vector<16xf32>
        %slice3A_190 = vector.extract_strided_slice %get3A_160 {offsets = [6], sizes = [1], strides = [1]} : vector<16xf32> to vector<1xf32>
        %squeeze3A_191 = vector.extract %slice3A_190[0] : f32 from vector<1xf32>
        %broadcast_in_dim3A_192 = vector.broadcast %squeeze3A_191 : f32 to vector<16xf32>
        %slice3A_193 = vector.extract_strided_slice %get3A_160 {offsets = [7], sizes = [1], strides = [1]} : vector<16xf32> to vector<1xf32>
        %squeeze3A_194 = vector.extract %slice3A_193[0] : f32 from vector<1xf32>
        %broadcast_in_dim3A_195 = vector.broadcast %squeeze3A_194 : f32 to vector<16xf32>
        %slice3A_196 = vector.extract_strided_slice %get3A_160 {offsets = [8], sizes = [1], strides = [1]} : vector<16xf32> to vector<1xf32>
        %squeeze3A_197 = vector.extract %slice3A_196[0] : f32 from vector<1xf32>
        %broadcast_in_dim3A_198 = vector.broadcast %squeeze3A_197 : f32 to vector<16xf32>
        %mul3A_199 = arith.mulf %broadcast_in_dim3A_174, %broadcast_in_dim3A_165 : vector<16xf32>
        %mul3A_200 = arith.mulf %broadcast_in_dim3A_183, %broadcast_in_dim3A_168 : vector<16xf32>
        %add3A_201 = arith.addf %mul3A_199, %mul3A_200 : vector<16xf32>
        %mul3A_202 = arith.mulf %broadcast_in_dim3A_192, %broadcast_in_dim3A_171 : vector<16xf32>
        %add3A_203 = arith.addf %add3A_201, %mul3A_202 : vector<16xf32>
        %mul3A_204 = arith.mulf %broadcast_in_dim3A_177, %broadcast_in_dim3A_165 : vector<16xf32>
        %mul3A_205 = arith.mulf %broadcast_in_dim3A_186, %broadcast_in_dim3A_168 : vector<16xf32>
        %add3A_206 = arith.addf %mul3A_204, %mul3A_205 : vector<16xf32>
        %mul3A_207 = arith.mulf %broadcast_in_dim3A_195, %broadcast_in_dim3A_171 : vector<16xf32>
        %add3A_208 = arith.addf %add3A_206, %mul3A_207 : vector<16xf32>
        %mul3A_209 = arith.mulf %broadcast_in_dim3A_180, %broadcast_in_dim3A_165 : vector<16xf32>
        %mul3A_210 = arith.mulf %broadcast_in_dim3A_189, %broadcast_in_dim3A_168 : vector<16xf32>
        %add3A_211 = arith.addf %mul3A_209, %mul3A_210 : vector<16xf32>
        %mul3A_212 = arith.mulf %broadcast_in_dim3A_198, %broadcast_in_dim3A_171 : vector<16xf32>
        %add3A_213 = arith.addf %add3A_211, %mul3A_212 : vector<16xf32>
        %mul3A_214 = arith.mulf %add3A_203, %add3A_203 : vector<16xf32>
        %mul3A_215 = arith.mulf %add3A_208, %add3A_208 : vector<16xf32>
        %add3A_216 = arith.addf %mul3A_214, %mul3A_215 : vector<16xf32>
        %mul3A_217 = arith.mulf %add3A_213, %add3A_213 : vector<16xf32>
        %add3A_218 = arith.addf %add3A_216, %mul3A_217 : vector<16xf32>
        %max3A = arith.constant 9.99999996E-13 : f32
        %max3A_219 = vector.broadcast %max3A : f32 to vector<16xf32>
        %max3A_220 = arith.maximumf %add3A_218, %max3A_219 : vector<16xf32>
        %bitcast_convert_type3A = tpu.bitcast %max3A_220 : vector<16xf32> -> vector<16xi32>
        %broadcast_in_dim3A_221 = arith.constant 1597463007 : i32
        %broadcast_in_dim3A_222 = vector.broadcast %broadcast_in_dim3A_221 : i32 to vector<16xi32>
        %shift_right_arithmetic3A = arith.constant 1 : i32
        %shift_right_arithmetic3A_223 = vector.broadcast %shift_right_arithmetic3A : i32 to vector<16xi32>
        %shift_right_arithmetic3A_224 = arith.shrsi %bitcast_convert_type3A, %shift_right_arithmetic3A_223 : vector<16xi32>
        %sub3A_225 = arith.subi %broadcast_in_dim3A_222, %shift_right_arithmetic3A_224 : vector<16xi32>
        %bitcast_convert_type3A_226 = tpu.bitcast %sub3A_225 : vector<16xi32> -> vector<16xf32>
        %mul3A_227 = arith.constant 5.000000e-01 : f32
        %mul3A_228 = vector.broadcast %mul3A_227 : f32 to vector<16xf32>
        %mul3A_229 = arith.mulf %mul3A_228, %max3A_220 : vector<16xf32>
        %mul3A_230 = arith.mulf %mul3A_229, %bitcast_convert_type3A_226 : vector<16xf32>
        %mul3A_231 = arith.mulf %mul3A_230, %bitcast_convert_type3A_226 : vector<16xf32>
        %sub3A_232 = arith.constant 1.500000e+00 : f32
        %sub3A_233 = vector.broadcast %sub3A_232 : f32 to vector<16xf32>
        %sub3A_234 = arith.subf %sub3A_233, %mul3A_231 : vector<16xf32>
        %mul3A_235 = arith.mulf %bitcast_convert_type3A_226, %sub3A_234 : vector<16xf32>
        %mul3A_236 = arith.constant 5.000000e-01 : f32
        %mul3A_237 = vector.broadcast %mul3A_236 : f32 to vector<16xf32>
        %mul3A_238 = arith.mulf %mul3A_237, %max3A_220 : vector<16xf32>
        %mul3A_239 = arith.mulf %mul3A_238, %mul3A_235 : vector<16xf32>
        %mul3A_240 = arith.mulf %mul3A_239, %mul3A_235 : vector<16xf32>
        %sub3A_241 = arith.constant 1.500000e+00 : f32
        %sub3A_242 = vector.broadcast %sub3A_241 : f32 to vector<16xf32>
        %sub3A_243 = arith.subf %sub3A_242, %mul3A_240 : vector<16xf32>
        %mul3A_244 = arith.mulf %mul3A_235, %sub3A_243 : vector<16xf32>
        %mul3A_245 = arith.constant 5.000000e-01 : f32
        %mul3A_246 = vector.broadcast %mul3A_245 : f32 to vector<16xf32>
        %mul3A_247 = arith.mulf %mul3A_246, %max3A_220 : vector<16xf32>
        %mul3A_248 = arith.mulf %mul3A_247, %mul3A_244 : vector<16xf32>
        %mul3A_249 = arith.mulf %mul3A_248, %mul3A_244 : vector<16xf32>
        %sub3A_250 = arith.constant 1.500000e+00 : f32
        %sub3A_251 = vector.broadcast %sub3A_250 : f32 to vector<16xf32>
        %sub3A_252 = arith.subf %sub3A_251, %mul3A_249 : vector<16xf32>
        %mul3A_253 = arith.mulf %mul3A_244, %sub3A_252 : vector<16xf32>
        %mul3A_254 = arith.mulf %max3A_220, %mul3A_253 : vector<16xf32>
        %max3A_255 = arith.constant 9.99999997E-7 : f32
        %max3A_256 = vector.broadcast %max3A_255 : f32 to vector<16xf32>
        %max3A_257 = arith.maximumf %mul3A_254, %max3A_256 : vector<16xf32>
        %div3A = arith.divf %add3A_203, %max3A_257 : vector<16xf32>
        %div3A_258 = arith.divf %add3A_208, %max3A_257 : vector<16xf32>
        %div3A_259 = arith.divf %add3A_213, %max3A_257 : vector<16xf32>
        %mul3A_260 = arith.mulf %get3A_49, %div3A : vector<16xf32>
        %mul3A_261 = arith.mulf %get3A_54, %div3A_258 : vector<16xf32>
        %add3A_262 = arith.addf %mul3A_260, %mul3A_261 : vector<16xf32>
        %mul3A_263 = arith.mulf %get3A_59, %div3A_259 : vector<16xf32>
        %add3A_264 = arith.addf %add3A_262, %mul3A_263 : vector<16xf32>
        %add3A_265 = arith.addf %add3A_264, %get3A_44 : vector<16xf32>
        %mul3A_266 = arith.constant 2.000000e+00 : f32
        %mul3A_267 = vector.broadcast %mul3A_266 : f32 to vector<16xf32>
        %mul3A_268 = arith.mulf %mul3A_267, %add3A_265 : vector<16xf32>
        %exp3A = math.exp %mul3A_268 : vector<16xf32>
        %add3A_269 = arith.constant 1.000000e+00 : f32
        %add3A_270 = vector.broadcast %add3A_269 : f32 to vector<16xf32>
        %add3A_271 = arith.addf %exp3A, %add3A_270 : vector<16xf32>
        %div3A_272 = arith.constant 2.000000e+00 : f32
        %div3A_273 = vector.broadcast %div3A_272 : f32 to vector<16xf32>
        %div3A_274 = arith.divf %div3A_273, %add3A_271 : vector<16xf32>
        %sub3A_275 = arith.constant 1.000000e+00 : f32
        %sub3A_276 = vector.broadcast %sub3A_275 : f32 to vector<16xf32>
        %sub3A_277 = arith.subf %sub3A_276, %div3A_274 : vector<16xf32>
        %mul3A_278 = arith.constant 1.000000e-01 : f32
        %mul3A_279 = vector.broadcast %mul3A_278 : f32 to vector<16xf32>
        %mul3A_280 = arith.mulf %mul3A_279, %sub3A_277 : vector<16xf32>
        %get3A_281 = arith.index_cast %scan3A_68 : i32 to index
        %get3A_282 = arith.constant 0 : index
        %get3A_283 = tpu.vector_load %arg15[%get3A_281, %get3A_282] {strides = array<i32>} : memref<80x16xf32, #tpu.memory_space<vmem>>, vector<1x16xf32>,
        %get3A_284 = vector.shape_cast %get3A_283 : vector<1x16xf32> to vector<16xf32>
        %add3A_285 = arith.addf %mul3A_156, %get3A_284 : vector<16xf32>
        %add3A_286 = arith.addf %add3A_285, %mul3A_280 : vector<16xf32>
        %exp3A_287 = math.exp %add3A_286 : vector<16xf32>
        %get3A_288 = arith.constant 6 : i32
        %get3A_289 = arith.index_cast %get3A_288 : i32 to index
        %get3A_290 = arith.constant 0 : index
        %get3A_291 = tpu.vector_load %arg19[%get3A_289, %get3A_290] {strides = array<i32>} : memref<16x16xf32, #tpu.memory_space<vmem>>, vector<1x16xf32>,
        %get3A_292 = vector.shape_cast %get3A_291 : vector<1x16xf32> to vector<16xf32>
        %mul3A_293 = arith.mulf %add3A_203, %get3A_292 : vector<16xf32>
        %add3A_294 = arith.addf %broadcast_in_dim3A_1, %mul3A_293 : vector<16xf32>
        %get3A_295 = arith.constant 9 : i32
        %get3A_296 = arith.index_cast %get3A_295 : i32 to index
        %get3A_297 = arith.constant 0 : index
        %get3A_298 = tpu.vector_load %arg19[%get3A_296, %get3A_297] {strides = array<i32>} : memref<16x16xf32, #tpu.memory_space<vmem>>, vector<1x16xf32>,
        %get3A_299 = vector.shape_cast %get3A_298 : vector<1x16xf32> to vector<16xf32>
        %mul3A_300 = arith.mulf %broadcast_in_dim3A_165, %get3A_299 : vector<16xf32>
        %add3A_301 = arith.addf %add3A_294, %mul3A_300 : vector<16xf32>
        %get3A_302 = arith.constant 7 : i32
        %get3A_303 = arith.index_cast %get3A_302 : i32 to index
        %get3A_304 = arith.constant 0 : index
        %get3A_305 = tpu.vector_load %arg19[%get3A_303, %get3A_304] {strides = array<i32>} : memref<16x16xf32, #tpu.memory_space<vmem>>, vector<1x16xf32>,
        %get3A_306 = vector.shape_cast %get3A_305 : vector<1x16xf32> to vector<16xf32>
        %mul3A_307 = arith.mulf %add3A_208, %get3A_306 : vector<16xf32>
        %add3A_308 = arith.addf %add3A_301, %mul3A_307 : vector<16xf32>
        %get3A_309 = arith.constant 10 : i32
        %get3A_310 = arith.index_cast %get3A_309 : i32 to index
        %get3A_311 = arith.constant 0 : index
        %get3A_312 = tpu.vector_load %arg19[%get3A_310, %get3A_311] {strides = array<i32>} : memref<16x16xf32, #tpu.memory_space<vmem>>, vector<1x16xf32>,
        %get3A_313 = vector.shape_cast %get3A_312 : vector<1x16xf32> to vector<16xf32>
        %mul3A_314 = arith.mulf %broadcast_in_dim3A_168, %get3A_313 : vector<16xf32>
        %add3A_315 = arith.addf %add3A_308, %mul3A_314 : vector<16xf32>
        %get3A_316 = arith.constant 8 : i32
        %get3A_317 = arith.index_cast %get3A_316 : i32 to index
        %get3A_318 = arith.constant 0 : index
        %get3A_319 = tpu.vector_load %arg19[%get3A_317, %get3A_318] {strides = array<i32>} : memref<16x16xf32, #tpu.memory_space<vmem>>, vector<1x16xf32>,
        %get3A_320 = vector.shape_cast %get3A_319 : vector<1x16xf32> to vector<16xf32>
        %mul3A_321 = arith.mulf %add3A_213, %get3A_320 : vector<16xf32>
        %add3A_322 = arith.addf %add3A_315, %mul3A_321 : vector<16xf32>
        %get3A_323 = arith.constant 11 : i32
        %get3A_324 = arith.index_cast %get3A_323 : i32 to index
        %get3A_325 = arith.constant 0 : index
        %get3A_326 = tpu.vector_load %arg19[%get3A_324, %get3A_325] {strides = array<i32>} : memref<16x16xf32, #tpu.memory_space<vmem>>, vector<1x16xf32>,
        %get3A_327 = vector.shape_cast %get3A_326 : vector<1x16xf32> to vector<16xf32>
        %mul3A_328 = arith.mulf %broadcast_in_dim3A_171, %get3A_327 : vector<16xf32>
        %add3A_329 = arith.addf %add3A_322, %mul3A_328 : vector<16xf32>
        %mul3A_330 = arith.mulf %exp3A_287, %get3A_39 : vector<16xf32>
        %add3A_331 = arith.addf %mul3A_330, %add3A_329 : vector<16xf32>
        %swap3A = arith.index_cast %scan3A_68 : i32 to index
        %swap3A_332 = arith.constant 0 : index
        %swap3A_333 = tpu.vector_load %arg16[%swap3A, %swap3A_332] {strides = array<i32>} : memref<80x16xf32, #tpu.memory_space<vmem>>, vector<1x16xf32>,
        %swap3A_334 = vector.shape_cast %swap3A_333 : vector<1x16xf32> to vector<16xf32>
        %swap3A_335 = vector.shape_cast %add3A_331 : vector<16xf32> to vector<1x16xf32>
        tpu.vector_store %arg16[%swap3A, %swap3A_332], %swap3A_335 {strides = array<i32>} : memref<80x16xf32, #tpu.memory_space<vmem>>, vector<1x16xf32>,
        %scan3A_336 = arith.constant 0 : i32
        scf.yield %scan3A_336 : i32
      }
      %scan3A_66 = arith.constant 80 : i32
      "tpu.region"() ({
        %run_scoped3A = tpu.sem_alloc : memref<!tpu.dma_semaphore, #tpu.memory_space<semaphore_mem>>
        %dma_start3A = arith.constant 0 : i32
        %dma_start3A_68 = tpu.memref_slice %arg9[%add3A_35, %dma_start3A] : memref<320000x16xf32, #tpu.memory_space<hbm>> -> memref<80x16xf32, #tpu.memory_space<hbm>>
        %dma_start3A_69 = arith.constant 0 : i32
        %dma_start3A_70 = tpu.memref_slice %arg9[%add3A_35, %dma_start3A_69] : memref<320000x16xf32, #tpu.memory_space<hbm>> -> memref<80x16xf32, #tpu.memory_space<hbm>>
        tpu.enqueue_dma source(%arg16 : memref<80x16xf32, #tpu.memory_space<vmem>>) target(%dma_start3A_70 : memref<80x16xf32, #tpu.memory_space<hbm>>) target_semaphore(%run_scoped3A : memref<!tpu.dma_semaphore, #tpu.memory_space<semaphore_mem>>)
        %dma_wait3A = arith.constant 0 : i32
        %dma_wait3A_71 = tpu.memref_slice %arg9[%add3A_35, %dma_wait3A] : memref<320000x16xf32, #tpu.memory_space<hbm>> -> memref<80x16xf32, #tpu.memory_space<hbm>>
        %dma_wait3A_72 = arith.constant 0 : i32
        %dma_wait3A_73 = tpu.memref_slice %arg9[%add3A_35, %dma_wait3A_72] : memref<320000x16xf32, #tpu.memory_space<hbm>> -> memref<80x16xf32, #tpu.memory_space<hbm>>
        tpu.wait_dma2 semaphore(%run_scoped3A : memref<!tpu.dma_semaphore, #tpu.memory_space<semaphore_mem>>) src(%arg16 : memref<80x16xf32, #tpu.memory_space<vmem>>) dst(%dma_wait3A_73 : memref<80x16xf32, #tpu.memory_space<hbm>>)
        tpu.yield
      }) : () -> ()
      "tpu.region"() ({
        %run_scoped3A = tpu.sem_alloc : memref<!tpu.dma_semaphore, #tpu.memory_space<semaphore_mem>>
        %dma_start3A = arith.constant 0 : i32
        %dma_start3A_68 = arith.constant 0 : i32
        %dma_start3A_69 = tpu.memref_slice %arg21[%dma_start3A, %dma_start3A_68] : memref<10000x16xf32, #tpu.memory_space<vmem_shared>> -> memref<10000x16xf32, #tpu.memory_space<vmem_shared>>
        tpu.enqueue_indirect_dma source(%arg16 : memref<80x16xf32, #tpu.memory_space<vmem>>) target(%dma_start3A_69 : memref<10000x16xf32, #tpu.memory_space<vmem_shared>>) offsets(%arg17 : memref<80xi32, #tpu.memory_space<vmem>>) semaphore(%run_scoped3A : memref<!tpu.dma_semaphore, #tpu.memory_space<semaphore_mem>>) {add = true}
        %dma_wait3A = arith.constant 0 : i32
        %dma_wait3A_70 = arith.constant 0 : i32
        %dma_wait3A_71 = tpu.memref_slice %arg21[%dma_wait3A, %dma_wait3A_70] : memref<10000x16xf32, #tpu.memory_space<vmem_shared>> -> memref<10000x16xf32, #tpu.memory_space<vmem_shared>>
        tpu.wait_indirect_dma semaphore(%run_scoped3A : memref<!tpu.dma_semaphore, #tpu.memory_space<semaphore_mem>>) src(%arg16 : memref<80x16xf32, #tpu.memory_space<vmem>>) dst(%dma_wait3A_71 : memref<10000x16xf32, #tpu.memory_space<vmem_shared>>)
        tpu.yield
      }) : () -> ()
      %scan3A_67 = arith.constant 0 : i32
      scf.yield %scan3A_67 : i32
    }
    %scan3A_20 = arith.constant 125 : i32
    %barrier3A_21 = arith.constant 0 : index
    tpu.barrier barrier_id(%barrier3A_21)
    %mul3A_22 = arith.constant 624 : i32
    %mul3A_23 = arith.muli %arg1, %mul3A_22 : i32
    "tpu.region"() ({
      %run_scoped3A = tpu.sem_alloc : memref<!tpu.dma_semaphore, #tpu.memory_space<semaphore_mem>>
      %dma_start3A = arith.constant 0 : i32
      %dma_start3A_31 = tpu.memref_slice %arg21[%mul3A_23, %dma_start3A] : memref<10000x16xf32, #tpu.memory_space<vmem_shared>> -> memref<624x16xf32, #tpu.memory_space<vmem_shared>>
      %dma_start3A_32 = arith.constant 0 : i32
      %dma_start3A_33 = tpu.memref_slice %arg21[%mul3A_23, %dma_start3A_32] : memref<10000x16xf32, #tpu.memory_space<vmem_shared>> -> memref<624x16xf32, #tpu.memory_space<vmem_shared>>
      tpu.enqueue_dma source(%dma_start3A_33 : memref<624x16xf32, #tpu.memory_space<vmem_shared>>) target(%arg20 : memref<624x16xf32, #tpu.memory_space<vmem>>) target_semaphore(%run_scoped3A : memref<!tpu.dma_semaphore, #tpu.memory_space<semaphore_mem>>)
      %dma_wait3A = arith.constant 0 : i32
      %dma_wait3A_34 = tpu.memref_slice %arg21[%mul3A_23, %dma_wait3A] : memref<10000x16xf32, #tpu.memory_space<vmem_shared>> -> memref<624x16xf32, #tpu.memory_space<vmem_shared>>
      %dma_wait3A_35 = arith.constant 0 : i32
      %dma_wait3A_36 = tpu.memref_slice %arg21[%mul3A_23, %dma_wait3A_35] : memref<10000x16xf32, #tpu.memory_space<vmem_shared>> -> memref<624x16xf32, #tpu.memory_space<vmem_shared>>
      tpu.wait_dma2 semaphore(%run_scoped3A : memref<!tpu.dma_semaphore, #tpu.memory_space<semaphore_mem>>) src(%dma_wait3A_36 : memref<624x16xf32, #tpu.memory_space<vmem_shared>>) dst(%arg20 : memref<624x16xf32, #tpu.memory_space<vmem>>)
      tpu.yield
    }) : () -> ()
    %mul3A_24 = arith.constant 624 : i32
    %mul3A_25 = arith.muli %arg1, %mul3A_24 : i32
    "tpu.region"() ({
      %run_scoped3A = tpu.sem_alloc : memref<!tpu.dma_semaphore, #tpu.memory_space<semaphore_mem>>
      %dma_start3A = arith.constant 0 : i32
      %dma_start3A_31 = tpu.memref_slice %arg10[%arg0, %mul3A_25, %dma_start3A] : memref<2x10000x16xf32, #tpu.memory_space<hbm>> -> memref<1x624x16xf32, #tpu.memory_space<hbm>>
      %dma_start3A_32 = tpu.memref_squeeze %dma_start3A_31 : memref<1x624x16xf32, #tpu.memory_space<hbm>> -> memref<624x16xf32, #tpu.memory_space<hbm>>
      %dma_start3A_33 = arith.constant 0 : i32
      %dma_start3A_34 = tpu.memref_slice %arg10[%arg0, %mul3A_25, %dma_start3A_33] : memref<2x10000x16xf32, #tpu.memory_space<hbm>> -> memref<1x624x16xf32, #tpu.memory_space<hbm>>
      %dma_start3A_35 = tpu.memref_squeeze %dma_start3A_34 : memref<1x624x16xf32, #tpu.memory_space<hbm>> -> memref<624x16xf32, #tpu.memory_space<hbm>>
      tpu.enqueue_dma source(%arg20 : memref<624x16xf32, #tpu.memory_space<vmem>>) target(%dma_start3A_35 : memref<624x16xf32, #tpu.memory_space<hbm>>) target_semaphore(%run_scoped3A : memref<!tpu.dma_semaphore, #tpu.memory_space<semaphore_mem>>)
      %dma_wait3A = arith.constant 0 : i32
      %dma_wait3A_36 = tpu.memref_slice %arg10[%arg0, %mul3A_25, %dma_wait3A] : memref<2x10000x16xf32, #tpu.memory_space<hbm>> -> memref<1x624x16xf32, #tpu.memory_space<hbm>>
      %dma_wait3A_37 = tpu.memref_squeeze %dma_wait3A_36 : memref<1x624x16xf32, #tpu.memory_space<hbm>> -> memref<624x16xf32, #tpu.memory_space<hbm>>
      %dma_wait3A_38 = arith.constant 0 : i32
      %dma_wait3A_39 = tpu.memref_slice %arg10[%arg0, %mul3A_25, %dma_wait3A_38] : memref<2x10000x16xf32, #tpu.memory_space<hbm>> -> memref<1x624x16xf32, #tpu.memory_space<hbm>>
      %dma_wait3A_40 = tpu.memref_squeeze %dma_wait3A_39 : memref<1x624x16xf32, #tpu.memory_space<hbm>> -> memref<624x16xf32, #tpu.memory_space<hbm>>
      tpu.wait_dma2 semaphore(%run_scoped3A : memref<!tpu.dma_semaphore, #tpu.memory_space<semaphore_mem>>) src(%arg20 : memref<624x16xf32, #tpu.memory_space<vmem>>) dst(%dma_wait3A_40 : memref<624x16xf32, #tpu.memory_space<hbm>>)
      tpu.yield
    }) : () -> ()
    %eq3A_26 = arith.constant 0 : i32
    %eq3A_27 = arith.cmpi eq, %arg1, %eq3A_26 : i32
    %convert_element_type3A_28 = arith.extui %eq3A_27 : i1 to i32
    %cond3A_29 = arith.constant 0 : i32
    %cond3A_30 = arith.cmpi ne, %convert_element_type3A_28, %cond3A_29 : i32
    scf.if %cond3A_30 {
      "tpu.region"() ({
        %run_scoped3A = tpu.sem_alloc : memref<!tpu.dma_semaphore, #tpu.memory_space<semaphore_mem>>
        %dma_start3A = arith.constant 0 : i32
        %dma_start3A_31 = arith.constant 0 : i32
        %dma_start3A_32 = tpu.memref_slice %arg20[%dma_start3A, %dma_start3A_31] : memref<624x16xf32, #tpu.memory_space<vmem>> -> memref<16x16xf32, #tpu.memory_space<vmem>>
        %dma_start3A_33 = arith.constant 9984 : i32
        %dma_start3A_34 = arith.constant 0 : i32
        %dma_start3A_35 = tpu.memref_slice %arg21[%dma_start3A_33, %dma_start3A_34] : memref<10000x16xf32, #tpu.memory_space<vmem_shared>> -> memref<16x16xf32, #tpu.memory_space<vmem_shared>>
        %dma_start3A_36 = arith.constant 0 : i32
        %dma_start3A_37 = arith.constant 0 : i32
        %dma_start3A_38 = tpu.memref_slice %arg20[%dma_start3A_36, %dma_start3A_37] : memref<624x16xf32, #tpu.memory_space<vmem>> -> memref<16x16xf32, #tpu.memory_space<vmem>>
        %dma_start3A_39 = arith.constant 9984 : i32
        %dma_start3A_40 = arith.constant 0 : i32
        %dma_start3A_41 = tpu.memref_slice %arg21[%dma_start3A_39, %dma_start3A_40] : memref<10000x16xf32, #tpu.memory_space<vmem_shared>> -> memref<16x16xf32, #tpu.memory_space<vmem_shared>>
        tpu.enqueue_dma source(%dma_start3A_41 : memref<16x16xf32, #tpu.memory_space<vmem_shared>>) target(%dma_start3A_38 : memref<16x16xf32, #tpu.memory_space<vmem>>) target_semaphore(%run_scoped3A : memref<!tpu.dma_semaphore, #tpu.memory_space<semaphore_mem>>)
        %dma_wait3A = arith.constant 0 : i32
        %dma_wait3A_42 = arith.constant 0 : i32
        %dma_wait3A_43 = tpu.memref_slice %arg20[%dma_wait3A, %dma_wait3A_42] : memref<624x16xf32, #tpu.memory_space<vmem>> -> memref<16x16xf32, #tpu.memory_space<vmem>>
        %dma_wait3A_44 = arith.constant 9984 : i32
        %dma_wait3A_45 = arith.constant 0 : i32
        %dma_wait3A_46 = tpu.memref_slice %arg21[%dma_wait3A_44, %dma_wait3A_45] : memref<10000x16xf32, #tpu.memory_space<vmem_shared>> -> memref<16x16xf32, #tpu.memory_space<vmem_shared>>
        %dma_wait3A_47 = arith.constant 0 : i32
        %dma_wait3A_48 = arith.constant 0 : i32
        %dma_wait3A_49 = tpu.memref_slice %arg20[%dma_wait3A_47, %dma_wait3A_48] : memref<624x16xf32, #tpu.memory_space<vmem>> -> memref<16x16xf32, #tpu.memory_space<vmem>>
        %dma_wait3A_50 = arith.constant 9984 : i32
        %dma_wait3A_51 = arith.constant 0 : i32
        %dma_wait3A_52 = tpu.memref_slice %arg21[%dma_wait3A_50, %dma_wait3A_51] : memref<10000x16xf32, #tpu.memory_space<vmem_shared>> -> memref<16x16xf32, #tpu.memory_space<vmem_shared>>
        tpu.wait_dma2 semaphore(%run_scoped3A : memref<!tpu.dma_semaphore, #tpu.memory_space<semaphore_mem>>) src(%dma_wait3A_52 : memref<16x16xf32, #tpu.memory_space<vmem_shared>>) dst(%dma_wait3A_49 : memref<16x16xf32, #tpu.memory_space<vmem>>)
        tpu.yield
      }) : () -> ()
      "tpu.region"() ({
        %run_scoped3A = tpu.sem_alloc : memref<!tpu.dma_semaphore, #tpu.memory_space<semaphore_mem>>
        %dma_start3A = arith.constant 0 : i32
        %dma_start3A_31 = arith.constant 0 : i32
        %dma_start3A_32 = tpu.memref_slice %arg20[%dma_start3A, %dma_start3A_31] : memref<624x16xf32, #tpu.memory_space<vmem>> -> memref<16x16xf32, #tpu.memory_space<vmem>>
        %dma_start3A_33 = arith.constant 9984 : i32
        %dma_start3A_34 = arith.constant 0 : i32
        %dma_start3A_35 = tpu.memref_slice %arg10[%arg0, %dma_start3A_33, %dma_start3A_34] : memref<2x10000x16xf32, #tpu.memory_space<hbm>> -> memref<1x16x16xf32, #tpu.memory_space<hbm>>
        %dma_start3A_36 = tpu.memref_squeeze %dma_start3A_35 : memref<1x16x16xf32, #tpu.memory_space<hbm>> -> memref<16x16xf32, #tpu.memory_space<hbm>>
        %dma_start3A_37 = arith.constant 9984 : i32
        %dma_start3A_38 = arith.constant 0 : i32
        %dma_start3A_39 = tpu.memref_slice %arg10[%arg0, %dma_start3A_37, %dma_start3A_38] : memref<2x10000x16xf32, #tpu.memory_space<hbm>> -> memref<1x16x16xf32, #tpu.memory_space<hbm>>
        %dma_start3A_40 = tpu.memref_squeeze %dma_start3A_39 : memref<1x16x16xf32, #tpu.memory_space<hbm>> -> memref<16x16xf32, #tpu.memory_space<hbm>>
        %dma_start3A_41 = arith.constant 0 : i32
        %dma_start3A_42 = arith.constant 0 : i32
        %dma_start3A_43 = tpu.memref_slice %arg20[%dma_start3A_41, %dma_start3A_42] : memref<624x16xf32, #tpu.memory_space<vmem>> -> memref<16x16xf32, #tpu.memory_space<vmem>>
        tpu.enqueue_dma source(%dma_start3A_43 : memref<16x16xf32, #tpu.memory_space<vmem>>) target(%dma_start3A_40 : memref<16x16xf32, #tpu.memory_space<hbm>>) target_semaphore(%run_scoped3A : memref<!tpu.dma_semaphore, #tpu.memory_space<semaphore_mem>>)
        %dma_wait3A = arith.constant 0 : i32
        %dma_wait3A_44 = arith.constant 0 : i32
        %dma_wait3A_45 = tpu.memref_slice %arg20[%dma_wait3A, %dma_wait3A_44] : memref<624x16xf32, #tpu.memory_space<vmem>> -> memref<16x16xf32, #tpu.memory_space<vmem>>
        %dma_wait3A_46 = arith.constant 9984 : i32
        %dma_wait3A_47 = arith.constant 0 : i32
        %dma_wait3A_48 = tpu.memref_slice %arg10[%arg0, %dma_wait3A_46, %dma_wait3A_47] : memref<2x10000x16xf32, #tpu.memory_space<hbm>> -> memref<1x16x16xf32, #tpu.memory_space<hbm>>
        %dma_wait3A_49 = tpu.memref_squeeze %dma_wait3A_48 : memref<1x16x16xf32, #tpu.memory_space<hbm>> -> memref<16x16xf32, #tpu.memory_space<hbm>>
        %dma_wait3A_50 = arith.constant 9984 : i32
        %dma_wait3A_51 = arith.constant 0 : i32
        %dma_wait3A_52 = tpu.memref_slice %arg10[%arg0, %dma_wait3A_50, %dma_wait3A_51] : memref<2x10000x16xf32, #tpu.memory_space<hbm>> -> memref<1x16x16xf32, #tpu.memory_space<hbm>>
        %dma_wait3A_53 = tpu.memref_squeeze %dma_wait3A_52 : memref<1x16x16xf32, #tpu.memory_space<hbm>> -> memref<16x16xf32, #tpu.memory_space<hbm>>
        %dma_wait3A_54 = arith.constant 0 : i32
        %dma_wait3A_55 = arith.constant 0 : i32
        %dma_wait3A_56 = tpu.memref_slice %arg20[%dma_wait3A_54, %dma_wait3A_55] : memref<624x16xf32, #tpu.memory_space<vmem>> -> memref<16x16xf32, #tpu.memory_space<vmem>>
        tpu.wait_dma2 semaphore(%run_scoped3A : memref<!tpu.dma_semaphore, #tpu.memory_space<semaphore_mem>>) src(%dma_wait3A_56 : memref<16x16xf32, #tpu.memory_space<vmem>>) dst(%dma_wait3A_53 : memref<16x16xf32, #tpu.memory_space<hbm>>)
        tpu.yield
      }) : () -> ()
    } else {
    }
    return
  }
}

module attributes {stable_mosaic.version = 14 : i64} {
  func.func @_qkv_body(%arg0: i32, %arg1: memref<400x128xf32, #tpu.memory_space<vmem>>, %arg2: memref<128x384xf32, #tpu.memory_space<vmem>>, %arg3: memref<1x384xf32, #tpu.memory_space<vmem>>, %arg4: memref<400x384xf32, #tpu.memory_space<vmem>>) attributes {dimension_semantics = [#tpu.dimension_semantics<arbitrary>], iteration_bounds = array<i64: 25>, scalar_prefetch = 0 : i64, scratch_operands = 0 : i64, tpu.core_type = #tpu.core_type<tc>, window_params = [{transform_indices = @transform_0, window_bounds = array<i64: 400, 128>}, {pipeline_mode = #tpu.pipeline_mode<synchronous>, transform_indices = @transform_1, window_bounds = array<i64: 128, 384>}, {pipeline_mode = #tpu.pipeline_mode<synchronous>, transform_indices = @transform_2, window_bounds = array<i64: 1, 384>}, {transform_indices = @transform_3, window_bounds = array<i64: 400, 384>}]} {
    %get3A = arith.constant 0 : index
    %get3A_0 = arith.constant 0 : index
    %get3A_1 = vector.load %arg1[%get3A, %get3A_0] : memref<400x128xf32, #tpu.memory_space<vmem>>, vector<400x128xf32>
    %get3A_2 = arith.constant 0 : index
    %get3A_3 = arith.constant 0 : index
    %get3A_4 = vector.load %arg2[%get3A_2, %get3A_3] : memref<128x384xf32, #tpu.memory_space<vmem>>, vector<128x384xf32>
    %dot_general3A = arith.constant dense<0.000000e+00> : vector<400x384xf32>
    %dot_general3A_5 = tpu.matmul %get3A_1, %get3A_4, %dot_general3A {dimension_numbers = #tpu.dot_dimension_numbers<[1], [0], [0], [1], [0, 0, 1, 1], [], []>, transpose_lhs_hint = false} : vector<400x128xf32>, vector<128x384xf32>, vector<400x384xf32> -> vector<400x384xf32>
    %get3A_6 = arith.constant 0 : index
    %get3A_7 = arith.constant 0 : index
    %get3A_8 = vector.load %arg3[%get3A_6, %get3A_7] : memref<1x384xf32, #tpu.memory_space<vmem>>, vector<1x384xf32>
    %add3A = vector.broadcast %get3A_8 : vector<1x384xf32> to vector<400x384xf32>
    %add3A_9 = arith.addf %dot_general3A_5, %add3A : vector<400x384xf32>
    %swap3A = arith.constant 0 : index
    %swap3A_10 = arith.constant 0 : index
    %swap3A_11 = vector.load %arg4[%swap3A, %swap3A_10] : memref<400x384xf32, #tpu.memory_space<vmem>>, vector<400x384xf32>
    tpu.vector_store %arg4[%swap3A, %swap3A_10], %add3A_9 {strides = array<i32>} : memref<400x384xf32, #tpu.memory_space<vmem>>, vector<400x384xf32>,
    return
  }
  func.func @transform_0(%arg0: i32) -> (i32, i32) {
    %c0_i32 = arith.constant 0 : i32
    %c0_i32_0 = arith.constant 0 : i32
    return %arg0, %c0_i32 : i32, i32
  }
  func.func @transform_1(%arg0: i32) -> (i32, i32) {
    %c0_i32 = arith.constant 0 : i32
    %c0_i32_0 = arith.constant 0 : i32
    %c0_i32_1 = arith.constant 0 : i32
    return %c0_i32, %c0_i32_0 : i32, i32
  }
  func.func @transform_2(%arg0: i32) -> (i32, i32) {
    %c0_i32 = arith.constant 0 : i32
    %c0_i32_0 = arith.constant 0 : i32
    %c0_i32_1 = arith.constant 0 : i32
    return %c0_i32, %c0_i32_0 : i32, i32
  }
  func.func @transform_3(%arg0: i32) -> (i32, i32) {
    %c0_i32 = arith.constant 0 : i32
    %c0_i32_0 = arith.constant 0 : i32
    return %arg0, %c0_i32 : i32, i32
  }
}

module attributes {stable_mosaic.version = 14 : i64} {
  func.func @_bias_body(%arg0: i32, %arg1: memref<6400x8xf32, #tpu.memory_space<vmem>>, %arg2: memref<8x16xf32, #tpu.memory_space<vmem>>, %arg3: memref<6400x16xf32, #tpu.memory_space<vmem>>) attributes {dimension_semantics = [#tpu.dimension_semantics<arbitrary>], iteration_bounds = array<i64: 50>, scalar_prefetch = 0 : i64, scratch_operands = 0 : i64, tpu.core_type = #tpu.core_type<tc>, window_params = [{transform_indices = @transform_0, window_bounds = array<i64: 6400, 8>}, {pipeline_mode = #tpu.pipeline_mode<synchronous>, transform_indices = @transform_1, window_bounds = array<i64: 8, 16>}, {transform_indices = @transform_2, window_bounds = array<i64: 6400, 16>}]} {
    %get3A = arith.constant 0 : index
    %get3A_0 = arith.constant 0 : index
    %get3A_1 = vector.load %arg1[%get3A, %get3A_0] : memref<6400x8xf32, #tpu.memory_space<vmem>>, vector<6400x8xf32>
    %slice3A = vector.extract_strided_slice %get3A_1 {offsets = [0, 0], sizes = [6400, 1], strides = [1, 1]} : vector<6400x8xf32> to vector<6400x1xf32>
    %slice3A_2 = vector.extract_strided_slice %get3A_1 {offsets = [0, 0], sizes = [6400, 1], strides = [1, 1]} : vector<6400x8xf32> to vector<6400x1xf32>
    %mul3A = arith.mulf %slice3A, %slice3A_2 : vector<6400x1xf32>
    %slice3A_3 = vector.extract_strided_slice %get3A_1 {offsets = [0, 1], sizes = [6400, 7], strides = [1, 1]} : vector<6400x8xf32> to vector<6400x7xf32>
    %concatenate3A = tpu.concatenate %mul3A, %slice3A_3 in 1 : vector<6400x1xf32>, vector<6400x7xf32> -> vector<6400x8xf32>
    %get3A_4 = arith.constant 0 : index
    %get3A_5 = arith.constant 0 : index
    %get3A_6 = vector.load %arg2[%get3A_4, %get3A_5] : memref<8x16xf32, #tpu.memory_space<vmem>>, vector<8x16xf32>
    %dot_general3A = arith.constant dense<0.000000e+00> : vector<6400x16xf32>
    %dot_general3A_7 = tpu.matmul %concatenate3A, %get3A_6, %dot_general3A {dimension_numbers = #tpu.dot_dimension_numbers<[1], [0], [0], [1], [0, 0, 1, 1], [], []>, transpose_lhs_hint = false} : vector<6400x8xf32>, vector<8x16xf32>, vector<6400x16xf32> -> vector<6400x16xf32>
    %swap3A = arith.constant 0 : index
    %swap3A_8 = arith.constant 0 : index
    %swap3A_9 = vector.load %arg3[%swap3A, %swap3A_8] : memref<6400x16xf32, #tpu.memory_space<vmem>>, vector<6400x16xf32>
    tpu.vector_store %arg3[%swap3A, %swap3A_8], %dot_general3A_7 {strides = array<i32>} : memref<6400x16xf32, #tpu.memory_space<vmem>>, vector<6400x16xf32>,
    return
  }
  func.func @transform_0(%arg0: i32) -> (i32, i32) {
    %c0_i32 = arith.constant 0 : i32
    %c0_i32_0 = arith.constant 0 : i32
    return %arg0, %c0_i32 : i32, i32
  }
  func.func @transform_1(%arg0: i32) -> (i32, i32) {
    %c0_i32 = arith.constant 0 : i32
    %c0_i32_0 = arith.constant 0 : i32
    %c0_i32_1 = arith.constant 0 : i32
    return %c0_i32, %c0_i32_0 : i32, i32
  }
  func.func @transform_2(%arg0: i32) -> (i32, i32) {
    %c0_i32 = arith.constant 0 : i32
    %c0_i32_0 = arith.constant 0 : i32
    return %arg0, %c0_i32 : i32, i32
  }
}

module attributes {stable_mosaic.version = 14 : i64} {
  func.func @_rsum_body(%arg0: i32, %arg1: memref<2x400x16xf32, #tpu.memory_space<vmem>>, %arg2: memref<400x16xf32, #tpu.memory_space<vmem>>) attributes {dimension_semantics = [#tpu.dimension_semantics<arbitrary>], iteration_bounds = array<i64: 25>, scalar_prefetch = 0 : i64, scratch_operands = 0 : i64, tpu.core_type = #tpu.core_type<tc>, window_params = [{transform_indices = @transform_0, window_bounds = array<i64: 2, 400, 16>}, {transform_indices = @transform_1, window_bounds = array<i64: 400, 16>}]} {
    %get3A = arith.constant 0 : index
    %get3A_0 = arith.constant 0 : index
    %get3A_1 = arith.constant 0 : index
    %get3A_2 = vector.load %arg1[%get3A, %get3A_0, %get3A_1] : memref<2x400x16xf32, #tpu.memory_space<vmem>>, vector<1x400x16xf32>
    %get3A_3 = vector.shape_cast %get3A_2 : vector<1x400x16xf32> to vector<400x16xf32>
    %get3A_4 = arith.constant 1 : index
    %get3A_5 = arith.constant 0 : index
    %get3A_6 = arith.constant 0 : index
    %get3A_7 = vector.load %arg1[%get3A_4, %get3A_5, %get3A_6] : memref<2x400x16xf32, #tpu.memory_space<vmem>>, vector<1x400x16xf32>
    %get3A_8 = vector.shape_cast %get3A_7 : vector<1x400x16xf32> to vector<400x16xf32>
    %add3A = arith.addf %get3A_3, %get3A_8 : vector<400x16xf32>
    %jit3A = arith.constant 9.99999971E-10 : f32
    %max3A = vector.broadcast %jit3A : f32 to vector<400x16xf32>
    %max3A_9 = arith.maximumf %max3A, %add3A : vector<400x16xf32>
    %div3A = arith.constant 1.000000e+00 : f32
    %div3A_10 = vector.broadcast %div3A : f32 to vector<400x16xf32>
    %div3A_11 = arith.divf %div3A_10, %max3A_9 : vector<400x16xf32>
    %swap3A = arith.constant 0 : index
    %swap3A_12 = arith.constant 0 : index
    %swap3A_13 = vector.load %arg2[%swap3A, %swap3A_12] : memref<400x16xf32, #tpu.memory_space<vmem>>, vector<400x16xf32>
    tpu.vector_store %arg2[%swap3A, %swap3A_12], %div3A_11 {strides = array<i32>} : memref<400x16xf32, #tpu.memory_space<vmem>>, vector<400x16xf32>,
    return
  }
  func.func @transform_0(%arg0: i32) -> (i32, i32, i32) {
    %c0_i32 = arith.constant 0 : i32
    %c0_i32_0 = arith.constant 0 : i32
    %c0_i32_1 = arith.constant 0 : i32
    return %c0_i32, %arg0, %c0_i32_0 : i32, i32, i32
  }
  func.func @transform_1(%arg0: i32) -> (i32, i32) {
    %c0_i32 = arith.constant 0 : i32
    %c0_i32_0 = arith.constant 0 : i32
    return %arg0, %c0_i32 : i32, i32
  }
}

module attributes {stable_mosaic.version = 14 : i64} {
  func.func @_final_body(%arg0: i32, %arg1: memref<400x128xf32, #tpu.memory_space<vmem>>, %arg2: memref<400x16xf32, #tpu.memory_space<vmem>>, %arg3: memref<2x400x144xf32, #tpu.memory_space<vmem>>, %arg4: memref<400x9xf32, #tpu.memory_space<vmem>>, %arg5: memref<128x128xf32, #tpu.memory_space<vmem>>, %arg6: memref<1x128xf32, #tpu.memory_space<vmem>>, %arg7: memref<128x128xf32, #tpu.memory_space<vmem>>, %arg8: memref<1x128xf32, #tpu.memory_space<vmem>>, %arg9: memref<128x1xf32, #tpu.memory_space<vmem>>, %arg10: memref<1x1xf32, #tpu.memory_space<vmem>>, %arg11: memref<400x128xf32, #tpu.memory_space<vmem>>, %arg12: memref<400x16xf32, #tpu.memory_space<vmem>>) attributes {dimension_semantics = [#tpu.dimension_semantics<arbitrary>], iteration_bounds = array<i64: 25>, scalar_prefetch = 0 : i64, scratch_operands = 0 : i64, tpu.core_type = #tpu.core_type<tc>, window_params = [{transform_indices = @transform_0, window_bounds = array<i64: 400, 128>}, {transform_indices = @transform_1, window_bounds = array<i64: 400, 16>}, {transform_indices = @transform_2, window_bounds = array<i64: 2, 400, 144>}, {transform_indices = @transform_3, window_bounds = array<i64: 400, 9>}, {pipeline_mode = #tpu.pipeline_mode<synchronous>, transform_indices = @transform_4, window_bounds = array<i64: 128, 128>}, {pipeline_mode = #tpu.pipeline_mode<synchronous>, transform_indices = @transform_5, window_bounds = array<i64: 1, 128>}, {pipeline_mode = #tpu.pipeline_mode<synchronous>, transform_indices = @transform_6, window_bounds = array<i64: 128, 128>}, {pipeline_mode = #tpu.pipeline_mode<synchronous>, transform_indices = @transform_7, window_bounds = array<i64: 1, 128>}, {pipeline_mode = #tpu.pipeline_mode<synchronous>, transform_indices = @transform_8, window_bounds = array<i64: 128, 1>}, {pipeline_mode = #tpu.pipeline_mode<synchronous>, transform_indices = @transform_9, window_bounds = array<i64: 1, 1>}, {transform_indices = @transform_10, window_bounds = array<i64: 400, 128>}, {transform_indices = @transform_11, window_bounds = array<i64: 400, 16>}]} {
    %get3A = arith.constant 0 : index
    %get3A_0 = arith.constant 0 : index
    %get3A_1 = arith.constant 0 : index
    %get3A_2 = vector.load %arg3[%get3A, %get3A_0, %get3A_1] : memref<2x400x144xf32, #tpu.memory_space<vmem>>, vector<1x400x144xf32>
    %get3A_3 = vector.shape_cast %get3A_2 : vector<1x400x144xf32> to vector<400x144xf32>
    %get3A_4 = arith.constant 1 : index
    %get3A_5 = arith.constant 0 : index
    %get3A_6 = arith.constant 0 : index
    %get3A_7 = vector.load %arg3[%get3A_4, %get3A_5, %get3A_6] : memref<2x400x144xf32, #tpu.memory_space<vmem>>, vector<1x400x144xf32>
    %get3A_8 = vector.shape_cast %get3A_7 : vector<1x400x144xf32> to vector<400x144xf32>
    %add3A = arith.addf %get3A_3, %get3A_8 : vector<400x144xf32>
    %slice3A = vector.extract_strided_slice %add3A {offsets = [0, 0], sizes = [400, 128], strides = [1, 1]} : vector<400x144xf32> to vector<400x128xf32>
    %get3A_9 = arith.constant 0 : index
    %get3A_10 = arith.constant 0 : index
    %get3A_11 = vector.load %arg1[%get3A_9, %get3A_10] : memref<400x128xf32, #tpu.memory_space<vmem>>, vector<400x128xf32>
    %get3A_12 = arith.constant 0 : index
    %get3A_13 = arith.constant 0 : index
    %get3A_14 = vector.load %arg5[%get3A_12, %get3A_13] : memref<128x128xf32, #tpu.memory_space<vmem>>, vector<128x128xf32>
    %dot_general3A = arith.constant dense<0.000000e+00> : vector<400x128xf32>
    %dot_general3A_15 = tpu.matmul %slice3A, %get3A_14, %dot_general3A {dimension_numbers = #tpu.dot_dimension_numbers<[1], [0], [0], [1], [0, 0, 1, 1], [], []>, transpose_lhs_hint = false} : vector<400x128xf32>, vector<128x128xf32>, vector<400x128xf32> -> vector<400x128xf32>
    %add3A_16 = arith.addf %get3A_11, %dot_general3A_15 : vector<400x128xf32>
    %get3A_17 = arith.constant 0 : index
    %get3A_18 = arith.constant 0 : index
    %get3A_19 = vector.load %arg6[%get3A_17, %get3A_18] : memref<1x128xf32, #tpu.memory_space<vmem>>, vector<1x128xf32>
    %add3A_20 = vector.broadcast %get3A_19 : vector<1x128xf32> to vector<400x128xf32>
    %add3A_21 = arith.addf %add3A_16, %add3A_20 : vector<400x128xf32>
    %get3A_22 = arith.constant 0 : index
    %get3A_23 = arith.constant 0 : index
    %get3A_24 = vector.load %arg7[%get3A_22, %get3A_23] : memref<128x128xf32, #tpu.memory_space<vmem>>, vector<128x128xf32>
    %dot_general3A_25 = arith.constant dense<0.000000e+00> : vector<400x128xf32>
    %dot_general3A_26 = tpu.matmul %add3A_21, %get3A_24, %dot_general3A_25 {dimension_numbers = #tpu.dot_dimension_numbers<[1], [0], [0], [1], [0, 0, 1, 1], [], []>, transpose_lhs_hint = false} : vector<400x128xf32>, vector<128x128xf32>, vector<400x128xf32> -> vector<400x128xf32>
    %get3A_27 = arith.constant 0 : index
    %get3A_28 = arith.constant 0 : index
    %get3A_29 = vector.load %arg8[%get3A_27, %get3A_28] : memref<1x128xf32, #tpu.memory_space<vmem>>, vector<1x128xf32>
    %add3A_30 = vector.broadcast %get3A_29 : vector<1x128xf32> to vector<400x128xf32>
    %add3A_31 = arith.addf %dot_general3A_26, %add3A_30 : vector<400x128xf32>
    %neg3A = arith.constant 0.000000e+00 : f32
    %neg3A_32 = vector.broadcast %neg3A : f32 to vector<400x128xf32>
    %neg3A_33 = arith.subf %neg3A_32, %add3A_31 : vector<400x128xf32>
    %exp3A = math.exp %neg3A_33 : vector<400x128xf32>
    %add3A_34 = arith.constant 1.000000e+00 : f32
    %add3A_35 = vector.broadcast %add3A_34 : f32 to vector<400x128xf32>
    %add3A_36 = arith.addf %add3A_35, %exp3A : vector<400x128xf32>
    %div3A = arith.constant 1.000000e+00 : f32
    %div3A_37 = vector.broadcast %div3A : f32 to vector<400x128xf32>
    %div3A_38 = arith.divf %div3A_37, %add3A_36 : vector<400x128xf32>
    %mul3A = arith.mulf %add3A_31, %div3A_38 : vector<400x128xf32>
    %get3A_39 = arith.constant 0 : index
    %get3A_40 = arith.constant 0 : index
    %get3A_41 = vector.load %arg9[%get3A_39, %get3A_40] : memref<128x1xf32, #tpu.memory_space<vmem>>, vector<128x1xf32>
    %dot_general3A_42 = arith.constant dense<0.000000e+00> : vector<400x1xf32>
    %dot_general3A_43 = tpu.matmul %mul3A, %get3A_41, %dot_general3A_42 {dimension_numbers = #tpu.dot_dimension_numbers<[1], [0], [0], [1], [0, 0, 1, 1], [], []>, transpose_lhs_hint = false} : vector<400x128xf32>, vector<128x1xf32>, vector<400x1xf32> -> vector<400x1xf32>
    %get3A_44 = arith.constant 0 : index
    %get3A_45 = arith.constant 0 : index
    %get3A_46 = vector.load %arg10[%get3A_44, %get3A_45] : memref<1x1xf32, #tpu.memory_space<vmem>>, vector<1x1xf32>
    %add3A_47 = vector.broadcast %get3A_46 : vector<1x1xf32> to vector<400x1xf32>
    %add3A_48 = arith.addf %dot_general3A_43, %add3A_47 : vector<400x1xf32>
    %tanh3A = math.tanh %add3A_48 : vector<400x1xf32>
    %get3A_49 = arith.constant 0 : index
    %get3A_50 = arith.constant 0 : index
    %get3A_51 = vector.load %arg4[%get3A_49, %get3A_50] : memref<400x9xf32, #tpu.memory_space<vmem>>, vector<400x9xf32>
    %get3A_52 = arith.constant 0 : index
    %get3A_53 = arith.constant 0 : index
    %get3A_54 = vector.load %arg2[%get3A_52, %get3A_53] : memref<400x16xf32, #tpu.memory_space<vmem>>, vector<400x16xf32>
    %slice3A_55 = vector.extract_strided_slice %get3A_51 {offsets = [0, 0], sizes = [400, 1], strides = [1, 1]} : vector<400x9xf32> to vector<400x1xf32>
    %slice3A_56 = vector.extract_strided_slice %add3A {offsets = [0, 136], sizes = [400, 1], strides = [1, 1]} : vector<400x144xf32> to vector<400x1xf32>
    %mul3A_57 = arith.mulf %slice3A_55, %slice3A_56 : vector<400x1xf32>
    %slice3A_58 = vector.extract_strided_slice %get3A_51 {offsets = [0, 1], sizes = [400, 1], strides = [1, 1]} : vector<400x9xf32> to vector<400x1xf32>
    %slice3A_59 = vector.extract_strided_slice %add3A {offsets = [0, 137], sizes = [400, 1], strides = [1, 1]} : vector<400x144xf32> to vector<400x1xf32>
    %mul3A_60 = arith.mulf %slice3A_58, %slice3A_59 : vector<400x1xf32>
    %add3A_61 = arith.addf %mul3A_57, %mul3A_60 : vector<400x1xf32>
    %slice3A_62 = vector.extract_strided_slice %get3A_51 {offsets = [0, 2], sizes = [400, 1], strides = [1, 1]} : vector<400x9xf32> to vector<400x1xf32>
    %slice3A_63 = vector.extract_strided_slice %add3A {offsets = [0, 138], sizes = [400, 1], strides = [1, 1]} : vector<400x144xf32> to vector<400x1xf32>
    %mul3A_64 = arith.mulf %slice3A_62, %slice3A_63 : vector<400x1xf32>
    %add3A_65 = arith.addf %add3A_61, %mul3A_64 : vector<400x1xf32>
    %mul3A_66 = arith.constant 5.000000e-01 : f32
    %mul3A_67 = vector.broadcast %mul3A_66 : f32 to vector<400x1xf32>
    %mul3A_68 = arith.mulf %mul3A_67, %add3A_65 : vector<400x1xf32>
    %slice3A_69 = vector.extract_strided_slice %add3A {offsets = [0, 139], sizes = [400, 1], strides = [1, 1]} : vector<400x144xf32> to vector<400x1xf32>
    %mul3A_70 = arith.constant 5.000000e-01 : f32
    %mul3A_71 = vector.broadcast %mul3A_70 : f32 to vector<400x1xf32>
    %mul3A_72 = arith.mulf %mul3A_71, %slice3A_69 : vector<400x1xf32>
    %add3A_73 = arith.addf %mul3A_68, %mul3A_72 : vector<400x1xf32>
    %slice3A_74 = vector.extract_strided_slice %get3A_54 {offsets = [0, 0], sizes = [400, 1], strides = [1, 1]} : vector<400x16xf32> to vector<400x1xf32>
    %mul3A_75 = arith.mulf %tanh3A, %add3A_73 : vector<400x1xf32>
    %add3A_76 = arith.addf %slice3A_74, %mul3A_75 : vector<400x1xf32>
    %slice3A_77 = vector.extract_strided_slice %get3A_51 {offsets = [0, 3], sizes = [400, 1], strides = [1, 1]} : vector<400x9xf32> to vector<400x1xf32>
    %slice3A_78 = vector.extract_strided_slice %add3A {offsets = [0, 136], sizes = [400, 1], strides = [1, 1]} : vector<400x144xf32> to vector<400x1xf32>
    %mul3A_79 = arith.mulf %slice3A_77, %slice3A_78 : vector<400x1xf32>
    %slice3A_80 = vector.extract_strided_slice %get3A_51 {offsets = [0, 4], sizes = [400, 1], strides = [1, 1]} : vector<400x9xf32> to vector<400x1xf32>
    %slice3A_81 = vector.extract_strided_slice %add3A {offsets = [0, 137], sizes = [400, 1], strides = [1, 1]} : vector<400x144xf32> to vector<400x1xf32>
    %mul3A_82 = arith.mulf %slice3A_80, %slice3A_81 : vector<400x1xf32>
    %add3A_83 = arith.addf %mul3A_79, %mul3A_82 : vector<400x1xf32>
    %slice3A_84 = vector.extract_strided_slice %get3A_51 {offsets = [0, 5], sizes = [400, 1], strides = [1, 1]} : vector<400x9xf32> to vector<400x1xf32>
    %slice3A_85 = vector.extract_strided_slice %add3A {offsets = [0, 138], sizes = [400, 1], strides = [1, 1]} : vector<400x144xf32> to vector<400x1xf32>
    %mul3A_86 = arith.mulf %slice3A_84, %slice3A_85 : vector<400x1xf32>
    %add3A_87 = arith.addf %add3A_83, %mul3A_86 : vector<400x1xf32>
    %mul3A_88 = arith.constant 5.000000e-01 : f32
    %mul3A_89 = vector.broadcast %mul3A_88 : f32 to vector<400x1xf32>
    %mul3A_90 = arith.mulf %mul3A_89, %add3A_87 : vector<400x1xf32>
    %slice3A_91 = vector.extract_strided_slice %add3A {offsets = [0, 140], sizes = [400, 1], strides = [1, 1]} : vector<400x144xf32> to vector<400x1xf32>
    %mul3A_92 = arith.constant 5.000000e-01 : f32
    %mul3A_93 = vector.broadcast %mul3A_92 : f32 to vector<400x1xf32>
    %mul3A_94 = arith.mulf %mul3A_93, %slice3A_91 : vector<400x1xf32>
    %add3A_95 = arith.addf %mul3A_90, %mul3A_94 : vector<400x1xf32>
    %slice3A_96 = vector.extract_strided_slice %get3A_54 {offsets = [0, 1], sizes = [400, 1], strides = [1, 1]} : vector<400x16xf32> to vector<400x1xf32>
    %mul3A_97 = arith.mulf %tanh3A, %add3A_95 : vector<400x1xf32>
    %add3A_98 = arith.addf %slice3A_96, %mul3A_97 : vector<400x1xf32>
    %slice3A_99 = vector.extract_strided_slice %get3A_51 {offsets = [0, 6], sizes = [400, 1], strides = [1, 1]} : vector<400x9xf32> to vector<400x1xf32>
    %slice3A_100 = vector.extract_strided_slice %add3A {offsets = [0, 136], sizes = [400, 1], strides = [1, 1]} : vector<400x144xf32> to vector<400x1xf32>
    %mul3A_101 = arith.mulf %slice3A_99, %slice3A_100 : vector<400x1xf32>
    %slice3A_102 = vector.extract_strided_slice %get3A_51 {offsets = [0, 7], sizes = [400, 1], strides = [1, 1]} : vector<400x9xf32> to vector<400x1xf32>
    %slice3A_103 = vector.extract_strided_slice %add3A {offsets = [0, 137], sizes = [400, 1], strides = [1, 1]} : vector<400x144xf32> to vector<400x1xf32>
    %mul3A_104 = arith.mulf %slice3A_102, %slice3A_103 : vector<400x1xf32>
    %add3A_105 = arith.addf %mul3A_101, %mul3A_104 : vector<400x1xf32>
    %slice3A_106 = vector.extract_strided_slice %get3A_51 {offsets = [0, 8], sizes = [400, 1], strides = [1, 1]} : vector<400x9xf32> to vector<400x1xf32>
    %slice3A_107 = vector.extract_strided_slice %add3A {offsets = [0, 138], sizes = [400, 1], strides = [1, 1]} : vector<400x144xf32> to vector<400x1xf32>
    %mul3A_108 = arith.mulf %slice3A_106, %slice3A_107 : vector<400x1xf32>
    %add3A_109 = arith.addf %add3A_105, %mul3A_108 : vector<400x1xf32>
    %mul3A_110 = arith.constant 5.000000e-01 : f32
    %mul3A_111 = vector.broadcast %mul3A_110 : f32 to vector<400x1xf32>
    %mul3A_112 = arith.mulf %mul3A_111, %add3A_109 : vector<400x1xf32>
    %slice3A_113 = vector.extract_strided_slice %add3A {offsets = [0, 141], sizes = [400, 1], strides = [1, 1]} : vector<400x144xf32> to vector<400x1xf32>
    %mul3A_114 = arith.constant 5.000000e-01 : f32
    %mul3A_115 = vector.broadcast %mul3A_114 : f32 to vector<400x1xf32>
    %mul3A_116 = arith.mulf %mul3A_115, %slice3A_113 : vector<400x1xf32>
    %add3A_117 = arith.addf %mul3A_112, %mul3A_116 : vector<400x1xf32>
    %slice3A_118 = vector.extract_strided_slice %get3A_54 {offsets = [0, 2], sizes = [400, 1], strides = [1, 1]} : vector<400x16xf32> to vector<400x1xf32>
    %mul3A_119 = arith.mulf %tanh3A, %add3A_117 : vector<400x1xf32>
    %add3A_120 = arith.addf %slice3A_118, %mul3A_119 : vector<400x1xf32>
    %slice3A_121 = vector.extract_strided_slice %get3A_54 {offsets = [0, 3], sizes = [400, 13], strides = [1, 1]} : vector<400x16xf32> to vector<400x13xf32>
    %swap3A = arith.constant 0 : index
    %swap3A_122 = arith.constant 0 : index
    %swap3A_123 = vector.load %arg11[%swap3A, %swap3A_122] : memref<400x128xf32, #tpu.memory_space<vmem>>, vector<400x128xf32>
    tpu.vector_store %arg11[%swap3A, %swap3A_122], %add3A_21 {strides = array<i32>} : memref<400x128xf32, #tpu.memory_space<vmem>>, vector<400x128xf32>,
    %concatenate3A = tpu.concatenate %add3A_76, %add3A_98, %add3A_120, %slice3A_121 in 1 : vector<400x1xf32>, vector<400x1xf32>, vector<400x1xf32>, vector<400x13xf32> -> vector<400x16xf32>
    %swap3A_124 = arith.constant 0 : index
    %swap3A_125 = arith.constant 0 : index
    %swap3A_126 = vector.load %arg12[%swap3A_124, %swap3A_125] : memref<400x16xf32, #tpu.memory_space<vmem>>, vector<400x16xf32>
    tpu.vector_store %arg12[%swap3A_124, %swap3A_125], %concatenate3A {strides = array<i32>} : memref<400x16xf32, #tpu.memory_space<vmem>>, vector<400x16xf32>,
    return
  }
  func.func @transform_0(%arg0: i32) -> (i32, i32) {
    %c0_i32 = arith.constant 0 : i32
    %c0_i32_0 = arith.constant 0 : i32
    return %arg0, %c0_i32 : i32, i32
  }
  func.func @transform_1(%arg0: i32) -> (i32, i32) {
    %c0_i32 = arith.constant 0 : i32
    %c0_i32_0 = arith.constant 0 : i32
    return %arg0, %c0_i32 : i32, i32
  }
  func.func @transform_2(%arg0: i32) -> (i32, i32, i32) {
    %c0_i32 = arith.constant 0 : i32
    %c0_i32_0 = arith.constant 0 : i32
    %c0_i32_1 = arith.constant 0 : i32
    return %c0_i32, %arg0, %c0_i32_0 : i32, i32, i32
  }
  func.func @transform_3(%arg0: i32) -> (i32, i32) {
    %c0_i32 = arith.constant 0 : i32
    %c0_i32_0 = arith.constant 0 : i32
    return %arg0, %c0_i32 : i32, i32
  }
  func.func @transform_4(%arg0: i32) -> (i32, i32) {
    %c0_i32 = arith.constant 0 : i32
    %c0_i32_0 = arith.constant 0 : i32
    %c0_i32_1 = arith.constant 0 : i32
    return %c0_i32, %c0_i32_0 : i32, i32
  }
  func.func @transform_5(%arg0: i32) -> (i32, i32) {
    %c0_i32 = arith.constant 0 : i32
    %c0_i32_0 = arith.constant 0 : i32
    %c0_i32_1 = arith.constant 0 : i32
    return %c0_i32, %c0_i32_0 : i32, i32
  }
  func.func @transform_6(%arg0: i32) -> (i32, i32) {
    %c0_i32 = arith.constant 0 : i32
    %c0_i32_0 = arith.constant 0 : i32
    %c0_i32_1 = arith.constant 0 : i32
    return %c0_i32, %c0_i32_0 : i32, i32
  }
  func.func @transform_7(%arg0: i32) -> (i32, i32) {
    %c0_i32 = arith.constant 0 : i32
    %c0_i32_0 = arith.constant 0 : i32
    %c0_i32_1 = arith.constant 0 : i32
    return %c0_i32, %c0_i32_0 : i32, i32
  }
  func.func @transform_8(%arg0: i32) -> (i32, i32) {
    %c0_i32 = arith.constant 0 : i32
    %c0_i32_0 = arith.constant 0 : i32
    %c0_i32_1 = arith.constant 0 : i32
    return %c0_i32, %c0_i32_0 : i32, i32
  }
  func.func @transform_9(%arg0: i32) -> (i32, i32) {
    %c0_i32 = arith.constant 0 : i32
    %c0_i32_0 = arith.constant 0 : i32
    %c0_i32_1 = arith.constant 0 : i32
    return %c0_i32, %c0_i32_0 : i32, i32
  }
  func.func @transform_10(%arg0: i32) -> (i32, i32) {
    %c0_i32 = arith.constant 0 : i32
    %c0_i32_0 = arith.constant 0 : i32
    return %arg0, %c0_i32 : i32, i32
  }
  func.func @transform_11(%arg0: i32) -> (i32, i32) {
    %c0_i32 = arith.constant 0 : i32
    %c0_i32_0 = arith.constant 0 : i32
    return %arg0, %c0_i32 : i32, i32
  }
}

</mosaic_0001>

<sc_bundles>
// kernel: kernel.11.cloned.1.call-start
scs
__scs_entry_jumppad:
0x0: {  	(pc) =	sbr.rel $0x88, $3  }
0x1: {  	(tag) =	ssettag $0x0;
	lr =	simm.s32 $0x1  }
0x2: {  	[smem:$0x3F7C] =	sst lr;
	_ =	strace $0xD0000000  }
0x3: {  	_ = 	snop  }
0x4: {  	_ = 	snop  }
0x5: {  	_ = 	snop  }
0x6: {  	_ = 	snop  }
0x7: {  	_ = 	snop  }
__scs_overlays_trampoline_lowered:
0x8: {  	[smem:$0x3F8B] =	sst s0  }
0x9: {  	[smem:$0x3F8C] =	sst s1  }
0xa: {  	[smem:$0x3F8D] =	sst s2  }
0xb: {  	[smem:$0x3F8E] =	sst s3  }
0xc: {  	[smem:$0x3F8F] =	sst s4  }
0xd: {  	[smem:$0x3F90] =	sst s5  }
0xe: {  	[smem:$0x3F91] =	sst s6  }
0xf: {  	[smem:$0x3F92] =	sst s7  }
0x10: {  	[smem:$0x3F93] =	sst s8  }
0x11: {  	[smem:$0x3F94] =	sst s9;
	s0 =	simm.s32 @!p0 $0x0  }
0x12: {  	s1 =	sld [smem:$0x3F7A];
	s0 =	simm.s32 @p0 $0x1  }
0x13: {  	[smem:$0x3F95] =	sst s0;
	s0 =	simm.s32 @!p1 $0x0  }
0x14: {  	s2 =	sld [smem:$0x3F79];
	s0 =	simm.s32 @p1 $0x1  }
0x15: {  	[smem:$0x3F96] =	sst s0;
	s0 =	simm.s32 @!p2 $0x0  }
0x16: {  	s3 =	sld [smem:$0x3FDB];
	s0 =	simm.s32 @p2 $0x1  }
0x17: {  	s4 =	simm.s32 $0x1BF5;
	[smem:$0x3F98] =	sst s0  }
0x18: {  	s0 =	sld [smem:$0x3F7B];
	_ =	swait.ge [sflag:s4], $0x0  }
0x19: {  	s7 =	sld [smem:$0x3F7C]  }
0x1a: {  	s8 =	sadd.s32 $0xFFFFE003, lr  }
0x1b: {  	s9 =	sadd.s32 $0xFFFFFEF7, lr;
	s5 =	simm.s32 $0xFFFFFFFF;
	p2 =	slt.u32 s8, $0xFFFFF086  }
0x1c: {  	p1 =	slt.u32 s9, $0xF7A;
	s5 =	simm.s32 @!p2 $0x0  }
0x1d: {  	s5 =	simm.s32 @p1 $0x1;
	p0 =	seq.s32 s7, s2  }
0x1e: {  	s7 =	smul.u32 @!p0 $0xF7A, s2;
	p2 =	seq.s32 @!p0 s5, $0x0  }
0x1f: {  	s9 =	smul.u32 $0xF7A, s1;
	s8 =	simm.s32 @!p0 $0x1BF5;
	p2 =	por !p2, p0  }
0x20: {  	[sflag:s8] =	ssyncset.s32 @!p0 $0xFFFFF086;
	s6 =	sadd.s32 @!p0 s3, s7;
	s7 =	simm.s32 @!p0 $0x108  }
0x21: {  	s3 =	sadd.s32 s3, s9;
	s6 =	sadd.s32 @!p0 $0x88, s6;
	s7 =	simm.s32 @p2 $0x1082  }
0x22: {  	[simem:s7], [sflag:s8] =	dma.local @!p0 [hbm:s6], $0xF7A  }
0x23: {  	s9 =	sor.u32 $0xD0000000, s2;
	s6 =	simm.s32 $0x108;
	_ =	swait.ge @!p0 [sflag:s8], $0x0  }
0x24: {  	s3 =	sadd.s32 $0x88, s3;
	s6 =	simm.s32 @!p1 $0x1082;
	[sflag:s4] =	ssyncset.s32 $0xFFFFF086  }
0x25: {  	[simem:s6], [sflag:s4] =	dma.local [hbm:s3], $0xF7A  }
0x26: {  	[smem:$0x3F7C] =	sst s1;
	(tag) =	ssettag s2;
	_ =	strace s9  }
0x27: {  	s1 =	sld [smem:$0x3F8C]  }
0x28: {  	s2 =	sld [smem:$0x3F8D]  }
0x29: {  	s4 =	sld [smem:$0x3F8F]  }
0x2a: {  	p0 =	seq.s32 s5, $0x0;
	s5 =	sld [smem:$0x3F90]  }
0x2b: {  	s6 =	sld [smem:$0x3F91]  }
0x2c: {  	s7 =	sld [smem:$0x3F92]  }
0x2d: {  	s3 =	simm.s32 $0x108;
	s8 =	sld [smem:$0x3F93]  }
0x2e: {  	s3 =	simm.s32 @!p0 $0x1082;
	s9 =	sld [smem:$0x3F94]  }
0x2f: {  	lr =	sadd.s32 s0, s3;
	s0 =	sld [smem:$0x3F8B]  }
0x30: {  	s3 =	sld [smem:$0x3F8E]  }
0x31: {  	[smem:$0x3F97] =	sst s10  }
0x32: {  	s10 =	sld [smem:$0x3F95];
	_ =	sdelay $0x3  }
0x33: {  	p0 =	seq.s32 s10, $0x1;
	s10 =	sld [smem:$0x3F97];
	_ =	sdelay $0x3  }
0x34: {  	[smem:$0x3F97] =	sst s10  }
0x35: {  	s10 =	sld [smem:$0x3F96];
	_ =	sdelay $0x3  }
0x36: {  	p1 =	seq.s32 s10, $0x1;
	s10 =	sld [smem:$0x3F97];
	_ =	sdelay $0x3  }
0x37: {  	[smem:$0x3F97] =	sst s10  }
0x38: {  	s10 =	sld [smem:$0x3F98]  }
0x39: {  	_ = 	snop;
	(pc) =	sbr.ind lr, $3  }
0x3a: {  	_ = 	snop  }
0x3b: {  	_ = 	snop  }
0x3c: {  	p2 =	seq.s32 s10, $0x1;
	s10 =	sld [smem:$0x3F97]  }
0x3d: {  	_ =	shalt  }
0x3e: {  	_ =	shalt  }
0x3f: {  	_ =	shalt  }
0x40: {  	_ =	shalt  }
0x41: {  	_ =	shalt  }
0x42: {  	_ =	shalt  }
0x43: {  	_ =	shalt  }
0x44: {  	_ =	shalt  }
0x45: {  	_ =	shalt  }
0x46: {  	_ =	shalt  }
0x47: {  	_ =	shalt  }
0x48: {  	_ =	shalt  }
0x49: {  	_ =	shalt  }
0x4a: {  	_ =	shalt  }
0x4b: {  	_ =	shalt  }
0x4c: {  	_ =	shalt  }
0x4d: {  	_ =	shalt  }
0x4e: {  	_ =	shalt  }
0x4f: {  	_ =	shalt  }
0x50: {  	_ =	shalt  }
0x51: {  	_ =	shalt  }
0x52: {  	_ =	shalt  }
0x53: {  	_ =	shalt  }
0x54: {  	_ =	shalt  }
0x55: {  	_ =	shalt  }
0x56: {  	_ =	shalt  }
0x57: {  	_ =	shalt  }
0x58: {  	_ =	shalt  }
0x59: {  	_ =	shalt  }
0x5a: {  	_ =	shalt  }
0x5b: {  	_ =	shalt  }
0x5c: {  	_ =	shalt  }
0x5d: {  	_ =	shalt  }
0x5e: {  	_ =	shalt  }
0x5f: {  	_ =	shalt  }
0x60: {  	_ =	shalt  }
0x61: {  	_ =	shalt  }
0x62: {  	_ =	shalt  }
0x63: {  	_ =	shalt  }
0x64: {  	_ =	shalt  }
0x65: {  	_ =	shalt  }
0x66: {  	_ =	shalt  }
0x67: {  	_ =	shalt  }
0x68: {  	_ =	shalt  }
0x69: {  	_ =	shalt  }
0x6a: {  	_ =	shalt  }
0x6b: {  	_ =	shalt  }
0x6c: {  	_ =	shalt  }
0x6d: {  	_ =	shalt  }
0x6e: {  	_ =	shalt  }
0x6f: {  	_ =	shalt  }
0x70: {  	_ =	shalt  }
0x71: {  	_ =	shalt  }
0x72: {  	_ =	shalt  }
0x73: {  	_ =	shalt  }
0x74: {  	_ =	shalt  }
0x75: {  	_ =	shalt  }
0x76: {  	_ =	shalt  }
0x77: {  	_ =	shalt  }
0x78: {  	_ =	shalt  }
0x79: {  	_ =	shalt  }
0x7a: {  	_ =	shalt  }
0x7b: {  	_ =	shalt  }
0x7c: {  	_ =	shalt  }
0x7d: {  	_ =	shalt  }
0x7e: {  	_ =	shalt  }
0x7f: {  	_ =	shalt  }
0x80: {  	_ =	shalt  }
0x81: {  	_ =	shalt  }
0x82: {  	_ =	shalt  }
0x83: {  	_ =	shalt  }
0x84: {  	_ =	shalt  }
0x85: {  	_ =	shalt  }
0x86: {  	_ =	shalt  }
0x87: {  	_ =	shalt  }
.Lfunc_end0:
.L_simem_size_0:
called_computation.1_lowered:
.L_overlay_start_0:
0x88: {  	s2 =	sld [smem:$0x3FD9]  }
0x89: {  	s3 =	sld [smem:$0x3FFE];
	_ =	sdelay $0x1  }
0x8a: {  	s1 =	srdreg.scid  }
0x8b: {  	s0 =	sand.u32 $0x1, s1  }
0x8c: {  	s14 =	sshll.u32 s0, $0xA;
	s2 =	sadd.s32 s3, s2  }
0x8d: {  	s2 =	sadd.s32 s2, s14  }
0x8e: {  	[smem:$0x3FA3] =	sst s2  }
0x8f: {  	_ = 	snop  }
0x90: {  	s2 =	sld [smem:$0x3FD0];
	_ =	sdelay $0x1  }
0x91: {  	s15 =	sld [smem:$0x3FC7]  }
0x92: {  	s5 =	simm.s32 $0xA;
	s6 =	simm.s32 $0x10;
	s4 =	sld [smem:$0x3FC6]  }
0x93: {  	[smem:s6], [sflag:s5] =	dma.local [hbm:s2], $0x1  }
0x94: {  	_ =	swait.eq [sflag:s5], $0x1  }
0x95: {  	[sflag:s5] =	ssyncset.done $0x0  }
0x96: {  	[sflag:s5] =	ssyncadd.s32 $0xFFFFFFFF  }
0x97: {  	s16 =	sld [smem:$0x10];
	(tm) =	ssettm $0x1  }
0x98: {  	s17 =	sld [smem:$0x3FFB];
	_ =	sdelay $0x3  }
0x99: {  	_ =	strace s17  }
0x9a: {  	s5 =	sld [smem:$0x3FFC];
	_ =	sdelay $0x3  }
0x9b: {  	_ =	strace s5  }
0x9c: {  	s5 =	sld [smem:$0x3FFD];
	_ =	sdelay $0x3  }
0x9d: {  	_ =	strace s5  }
0x9e: {  	_ =	strace $0x8FFFFFFF  }
0x9f: {  	s18 =	sld [smem:$0x3FDB];
	_ =	sdelay $0x1  }
0xa0: {  	s19 =	simm.s32 $_scs_section_size  }
0xa1: {  	s7 =	simm.s32 $_size__tile_overlayer_lowered;
	s8 =	simm.s32 $_tile_overlayer_lowered  }
0xa2: {  	s22 =	simm.s32 $0x1BFF;
	s21 =	sshll.u32 s8, $0x1;
	s5 =	sadd.s32 s19, s18  }
0xa3: {  	s9 =	simm.s32 $0x0;
	s20 =	sshll.u32 s7, $0x1;
	s7 =	sadd.s32 s21, s5  }
0xa4: {  	[timem:s9], [sflag:s22] =	dma.local [hbm:s7], s20  }
0xa5: {  	_ =	swait.ge [sflag:s22], s20  }
0xa6: {  	s6 =	ssub.s32 $0x0, s20;
	[sflag:s22] =	ssyncset.done $0x0  }
0xa7: {  	[sflag:s22] =	ssyncadd.s32 s6;
	_ =	sdelay $0x1  }
0xa8: {  	s23 =	simm.s32 $0x1B8B  }
0xa9: {  	_ =	swait.ge [sflag:s23], $0x1  }
0xaa: {  	[sflag:s23] =	ssyncset.done $0x0  }
0xab: {  	s25 =	simm.s32 $0x1B8E;
	s24 =	sld [smem:$0x3FFE];
	[sflag:s23] =	ssyncadd.s32 $0xFFFFFFFF  }
0xac: {  	s26 =	simm.s32 $execute0_lowered;
	[smem:$0x3FD2] =	sst s25  }
0xad: {  	s7 =	sshll.u32 s26, $0x1;
	_ =	strace $0x80000049;
	[dreg:$0x1] =	wrdreg $0xFFFFFFFF  }
0xae: {  	s28 =	simm.s32 $_size_execute0_lowered;
	s5 =	sadd.s32 s5, s7;
	[dreg:$0x0] =	wrdreg $0x0  }
0xaf: {  	s7 =	sshll.u32 s28, $0x1;
	[dreg:$0x2] =	wrdreg s5  }
0xb0: {  	[dreg:$0x3] =	wrdreg s7  }
0xb1: {  	[dreg:$0x4] =	wrdreg $0xC0  }
0xb2: {  	_ =	task [dreg:s9], $0x5FFFF  }
0xb3: {  	[dreg:$0x1] =	wrdreg $0xFFFFFFFF  }
0xb4: {  	[dreg:$0x0] =	wrdreg $0x60  }
0xb5: {  	[dreg:$0x2] =	wrdreg s16  }
0xb6: {  	[dreg:$0x3] =	wrdreg s24  }
0xb7: {  	[dreg:$0x4] =	wrdreg s15  }
0xb8: {  	[dreg:$0x5] =	wrdreg s4  }
0xb9: {  	[dreg:$0x6] =	wrdreg $0x7BA00  }
0xba: {  	[dreg:$0x7] =	wrdreg $0x9  }
0xbb: {  	_ =	task.clear_ibuf [dreg:s9], $0x8FFFF;
	_ =	strace $0x90000049  }
0xbc: {  	s29 =	simm.s32 $0x9;
	_ =	strace $0x8000004B  }
0xbd: {  	_ =	swait.ge [sflag:s29], $0x1  }
0xbe: {  	[sflag:s29] =	ssyncadd.s32 $0xFFFFFFFF  }
0xbf: {  	_ =	strace $0x9000004B  }
0xc0: {  	_ =	sfence  }
0xc1: {  	s30 =	sld [smem:$0x0];
	_ =	sdelay $0x2  }
0xc2: {  	s31 =	sshll.u32 s1, $0xD;
	s1 =	sshrl.u32 s1, $0x2  }
0xc3: {  	s3 =	sand.u32 $0x4000, s31;
	s1 =	sadd.s32 s1, s30  }
0xc4: {  	s0 =	sor.u32 s3, s0;
	s1 =	sshll.u32 s1, $0x11  }
0xc5: {  	s0 =	sor.u32 s1, s0  }
0xc6: {  	s0 =	sadd.s32 $0x8F2B, s0  }
0xc7: {  	[sflag:s0] =	ssyncadd.remote.s32 $0x1  }
0xc8: {  	_ =	sfence.sel $0xFFFF  }
0xc9: {  	[dreg:$0x0] =	wrdreg $0xFFFFFFFF;
	(pc) =	sbr.abs _section_cstart, $3  }
0xca: {  	[dreg:$0x1] =	wrdreg $0xFFFFFFFF  }
0xcb: {  	_ =	task.clear_ibuf [dreg:s9], $0x2FFFF;
	_ =	strace $0x9FFFFFFF  }
0xcc: {  	(tm) =	ssettm $0x7FFFFFFF  }
0xcd: {  	_ =	shalt  }
tec
execute0_lowered:
.L_overlay_start_1:
0x0: {  	(tag) =	ssettag $0x1  }
0x1: {  	s0 =	srdreg.scid  }
0x2: {  	s1 =	rddreg [dreg:$0x1];
	s3 =	stileid.u32;
	s4 =	sand.u32 $0x1, s0  }
0x3: {  	s0 =	simm.s32 $0x0;
	s2 =	smul.u32 $0x15F00, s3;
	s19 =	sadd.s32 $0xAE00, s1  }
0x4: {  	s5 =	ssub.s32 $0x2, s4;
	[smem:$0x7FF] =	sst s0;
	s18 =	smul.u32 $0x15F900, s4  }
0x5: {  	s4 =	sshll.u32 s4, $0x4;
	s6 =	sshrl.u32 s5, $0x1;
	s7 =	sadd.s32 $0x3600, s2  }
0x6: {  	s8 =	sadd.s32 $0x5100, s2;
	s9 =	sadd.s32 $0x6C00, s2;
	s10 =	sadd.s32 $0x8700, s2  }
0x7: {  	s11 =	sadd.s32 $0xA200, s2;
	s14 =	sadd.s32 $0xBD00, s2;
	s16 =	sadd.s32 $0xD800, s2  }
0x8: {  	s17 =	sadd.s32 $0xF300, s2;
	s21 =	sadd.s32 $0x10E00, s2;
	s4 =	sor.u32 s3, s4  }
0x9: {  	s5 =	ssub.s32 s5, s6;
	s6 =	sadd.s32 $0x1B00, s2;
	s12 =	sadd.s32 s2, s18  }
0xa: {  	s15 =	sadd.s32 s18, s7;
	s20 =	sadd.s32 s18, s8;
	s25 =	sadd.s32 s18, s10  }
0xb: {  	s26 =	sadd.s32 s18, s11;
	s29 =	sadd.s32 s18, s14;
	s13 =	sadd.s32 s18, s6  }
0xc: {  	s12 =	sshrl.u32 s12, $0x3;
	s22 =	sshrl.u32 s20, $0x3;
	s30 =	sshrl.u32 s26, $0x3  }
0xd: {  	s31 =	sshrl.u32 s29, $0x3;
	s13 =	sshrl.u32 s13, $0x3;
	s12 =	sadd.s32 s19, s12  }
0xe: {  	s20 =	sadd.s32 s18, s16;
	[dreg:$0x6] =	wrdreg s12;
	s13 =	sadd.s32 s19, s13  }
0xf: {  	s12 =	sshrl.u32 s15, $0x3;
	s15 =	sadd.s32 s18, s9;
	[dreg:$0x7] =	wrdreg s13  }
0x10: {  	s12 =	sadd.s32 s19, s12;
	s23 =	sshrl.u32 s15, $0x3;
	s13 =	rddreg [dreg:$0x2]  }
0x11: {  	s15 =	sadd.s32 s19, s31;
	s31 =	sshrl.u32 s18, $0x3;
	[dreg:$0x8] =	wrdreg s12  }
0x12: {  	s12 =	sadd.s32 s19, s22;
	s24 =	sadd.s32 s19, s23;
	[dreg:$0xd] =	wrdreg s15  }
0x13: {  	s22 =	sadd.s32 s18, s17;
	s23 =	sadd.s32 s18, s21;
	[dreg:$0x9] =	wrdreg s12  }
0x14: {  	[dreg:$0xa] =	wrdreg s24;
	s12 =	sshrl.u32 s25, $0x3;
	s24 =	sshrl.u32 s22, $0x3  }
0x15: {  	s25 =	sshrl.u32 s23, $0x3;
	s22 =	sadd.s32 $0x12900, s2;
	s12 =	sadd.s32 s19, s12  }
0x16: {  	s23 =	sadd.s32 $0x14400, s2;
	s26 =	sadd.s32 s19, s25;
	[dreg:$0xb] =	wrdreg s12  }
0x17: {  	s29 =	sadd.s32 s18, s22;
	s12 =	sadd.s32 s19, s30;
	[dreg:$0x10] =	wrdreg s26  }
0x18: {  	s30 =	sshrl.u32 s29, $0x3;
	[dreg:$0xc] =	wrdreg s12;
	s12 =	sshrl.u32 s20, $0x3  }
0x19: {  	s20 =	sadd.s32 s18, s23;
	s15 =	sadd.s32 s19, s30;
	s18 =	rddreg [dreg:$0x4]  }
0x1a: {  	p0 =	sne.s32 s3, $0x0;
	s4 =	smul.u32 $0x2710, s4;
	[dreg:$0x11] =	wrdreg s15  }
0x1b: {  	s5 =	smax.u32 s5, $0x1;
	s12 =	sadd.s32 s19, s12;
	s15 =	rddreg [dreg:$0x3]  }
0x1c: {  	s20 =	sshrl.u32 s20, $0x3;
	[dreg:$0xe] =	wrdreg s12;
	s12 =	sadd.s32 s19, s24  }
0x1d: {  	s25 =	sadd.s32 s2, s18;
	s20 =	sadd.s32 s19, s20;
	[dreg:$0xf] =	wrdreg s12  }
0x1e: {  	s24 =	sadd.s32 s19, s31;
	s19 =	sadd.s32 $0xFF400, s1;
	s12 =	rddreg [dreg:$0x0]  }
0x1f: {  	[dreg:$0x12] =	wrdreg s20;
	s20 =	sadd.s32 $0x5E00, s1;
	s1 =	sadd.s32 $0x5C00, s1  }
0x20: {  	s8 =	sadd.s32 s8, s18;
	_ =	strace $0x8000004A;
	[dreg:$0x13] =	wrdreg s1  }
0x21: {  	s26 =	sadd.s32 s6, s18;
	s9 =	sadd.s32 s9, s18;
	[dreg:$0x14] =	wrdreg s8  }
0x22: {  	s28 =	sadd.s32 s7, s18;
	s10 =	sadd.s32 s10, s18;
	[dreg:$0x15] =	wrdreg s9  }
0x23: {  	s11 =	sadd.s32 s11, s18;
	s29 =	sadd.s32 s14, s18;
	[dreg:$0x16] =	wrdreg s10  }
0x24: {  	s30 =	sadd.s32 s16, s18;
	s16 =	sadd.s32 s17, s18;
	[dreg:$0x17] =	wrdreg s11  }
0x25: {  	s2 =	sadd.s32 s22, s18;
	s3 =	sadd.s32 s23, s18;
	[dreg:$0x18] =	wrdreg s29  }
0x26: {  	s7 =	sadd.s32 $0x15F000, s18;
	s31 =	sadd.s32 $0x2BE00, s24;
	[dreg:$0x19] =	wrdreg s30  }
0x27: {  	v0 =	vlaneseq.u32;
	s14 =	simm.s32 $0x5500;
	s17 =	simm.s32 $0x50;
	[dreg:$0x1a] =	wrdreg s31  }
0x28: {  	v1 =	vmul.u32 $0xFFFFFFFF, v0;
	s6 =	simm.s32 $0x0;
	s1 =	sadd.s32 s21, s18;
	[dreg:$0x1b] =	wrdreg s5  }
0x29: {  	s8 =	simm.s32 $0x1;
	s9 =	simm.s32 $0x60A0;
	s10 =	simm.s32 $0x5F00  }
0x2a: {  	v0 =	vimm.f32 $0.0e+00;
	v1 =	vadd.s32 $0xF, v1;
	s11 =	simm.s32 $0x5F50;
	s21 =	simm.s32 $0x5A00;
	s5 =	simm.s32 $0x2800  }
.LBB2_1:
0x2b: {  	s22 =	rddreg [dreg:$0x13];
	s23 =	simm.s32 $0x5FA0  }
0x2c: {  	[tilespmem:s23], [sflag:$0x1] =	stream.linear.gather [hbm4b:s22+s0], $0x100, $0x38;
	[tilespmem:$0x1DB30] =	vst v63  }
0x2d: {  	_ =	swait.ge [sflag:s8], $0x100  }
0x2e: {  	[sflag:s8] =	ssyncset.done $0x0  }
0x2f: {  	s22 =	simm.s32 $0x0;
	s23 =	simm.s32 $0x240;
	[sflag:s8] =	ssyncadd.s32 $0xFFFFFF00  }
.LBB2_2:
0x30: {  	p1 =	sne.s32 s23, $0x69C0;
	[tilespmem:s22+$0x6120] =	vst v0  }
0x31: {  	[tilespmem:s22+$0x60A0] =	vst v0  }
0x32: {  	[tilespmem:s22+$0x60B0] =	vst v0  }
0x33: {  	[tilespmem:s22+$0x60C0] =	vst v0  }
.Ltmp0:
0x34: {  	[tilespmem:s22+$0x60D0] =	vst v0;
	(pc) =	sbr.rel @p1 .LBB2_2-.Ltmp0, $4  }
0x35: {  	[tilespmem:s22+$0x60E0] =	vst v0  }
0x36: {  	[tilespmem:s22+$0x60F0] =	vst v0  }
0x37: {  	[tilespmem:s22+$0x6100] =	vst v0  }
0x38: {  	[tilespmem:s22+$0x6110] =	vst v0;
	s22 =	sshra.s32 s23, $0x2;
	s23 =	sadd.s32 $0x240, s23  }
0x39: {  	[tilespmem:s22+$0x6120] =	vst v0  }
0x3a: {  	[tilespmem:s22+$0x60A0] =	vst v0  }
0x3b: {  	[tilespmem:s22+$0x60B0] =	vst v0  }
0x3c: {  	[tilespmem:s22+$0x60C0] =	vst v0  }
0x3d: {  	[tilespmem:s22+$0x60D0] =	vst v0  }
0x3e: {  	[tilespmem:s22+$0x60E0] =	vst v0  }
0x3f: {  	[tilespmem:s22+$0x60F0] =	vst v0  }
0x40: {  	[tilespmem:s22+$0x6100] =	vst v0  }
0x41: {  	[tilespmem:s22+$0x6110] =	vst v0  }
0x42: {  	[spmem:s25] =	stream.linear.scatter [tilespmem:s9], [sflag:$0x1], $0x1B00, $0x38;
	[tilespmem:$0x1DB30] =	vst v63  }
0x43: {  	_ =	swait.ge [sflag:s8], $0x1B00  }
0x44: {  	[sflag:s8] =	ssyncset.done $0x0  }
0x45: {  	[sflag:s8] =	ssyncadd.s32 $0xFFFFE500  }
0x46: {  	[spmem:s26] =	stream.linear.scatter [tilespmem:s9], [sflag:$0x1], $0x1B00, $0x38;
	[tilespmem:$0x1DB30] =	vst v63  }
0x47: {  	_ =	swait.ge [sflag:s8], $0x1B00  }
0x48: {  	[sflag:s8] =	ssyncset.done $0x0  }
0x49: {  	[sflag:s8] =	ssyncadd.s32 $0xFFFFE500  }
0x4a: {  	[spmem:s28] =	stream.linear.scatter [tilespmem:s9], [sflag:$0x1], $0x1B00, $0x38;
	[tilespmem:$0x1DB30] =	vst v63  }
0x4b: {  	_ =	swait.ge [sflag:s8], $0x1B00  }
0x4c: {  	[sflag:s8] =	ssyncset.done $0x0  }
0x4d: {  	s31 =	smov.u32 s28;
	s28 =	rddreg [dreg:$0x14];
	[sflag:s8] =	ssyncadd.s32 $0xFFFFE500  }
0x4e: {  	[spmem:s28] =	stream.linear.scatter [tilespmem:s9], [sflag:$0x1], $0x1B00, $0x38;
	[tilespmem:$0x1DB30] =	vst v63  }
0x4f: {  	_ =	swait.ge [sflag:s8], $0x1B00  }
0x50: {  	[sflag:s8] =	ssyncset.done $0x0  }
0x51: {  	s23 =	rddreg [dreg:$0x15];
	[sflag:s8] =	ssyncadd.s32 $0xFFFFE500  }
0x52: {  	[spmem:s23] =	stream.linear.scatter [tilespmem:s9], [sflag:$0x1], $0x1B00, $0x38;
	[tilespmem:$0x1DB30] =	vst v63  }
0x53: {  	_ =	swait.ge [sflag:s8], $0x1B00  }
0x54: {  	[sflag:s8] =	ssyncset.done $0x0  }
0x55: {  	s24 =	rddreg [dreg:$0x16];
	[sflag:s8] =	ssyncadd.s32 $0xFFFFE500  }
0x56: {  	[spmem:s24] =	stream.linear.scatter [tilespmem:s9], [sflag:$0x1], $0x1B00, $0x38;
	[tilespmem:$0x1DB30] =	vst v63  }
0x57: {  	_ =	swait.ge [sflag:s8], $0x1B00  }
0x58: {  	[sflag:s8] =	ssyncset.done $0x0  }
0x59: {  	s29 =	smov.u32 s25;
	s25 =	rddreg [dreg:$0x17];
	[sflag:s8] =	ssyncadd.s32 $0xFFFFE500  }
0x5a: {  	[spmem:s25] =	stream.linear.scatter [tilespmem:s9], [sflag:$0x1], $0x1B00, $0x38;
	[tilespmem:$0x1DB30] =	vst v63  }
0x5b: {  	_ =	swait.ge [sflag:s8], $0x1B00  }
0x5c: {  	[sflag:s8] =	ssyncset.done $0x0  }
0x5d: {  	s30 =	smov.u32 s26;
	s26 =	rddreg [dreg:$0x18];
	[sflag:s8] =	ssyncadd.s32 $0xFFFFE500  }
0x5e: {  	[spmem:s26] =	stream.linear.scatter [tilespmem:s9], [sflag:$0x1], $0x1B00, $0x38;
	[tilespmem:$0x1DB30] =	vst v63  }
0x5f: {  	_ =	swait.ge [sflag:s8], $0x1B00  }
0x60: {  	[sflag:s8] =	ssyncset.done $0x0  }
0x61: {  	s28 =	rddreg [dreg:$0x19];
	[sflag:s8] =	ssyncadd.s32 $0xFFFFE500  }
0x62: {  	[spmem:s28] =	stream.linear.scatter [tilespmem:s9], [sflag:$0x1], $0x1B00, $0x38;
	[tilespmem:$0x1DB30] =	vst v63  }
0x63: {  	_ =	swait.ge [sflag:s8], $0x1B00  }
0x64: {  	[sflag:s8] =	ssyncset.done $0x0  }
0x65: {  	[sflag:s8] =	ssyncadd.s32 $0xFFFFE500  }
0x66: {  	[spmem:s16] =	stream.linear.scatter [tilespmem:s9], [sflag:$0x1], $0x1B00, $0x38;
	[tilespmem:$0x1DB30] =	vst v63  }
0x67: {  	_ =	swait.ge [sflag:s8], $0x1B00  }
0x68: {  	[sflag:s8] =	ssyncset.done $0x0  }
0x69: {  	[sflag:s8] =	ssyncadd.s32 $0xFFFFE500  }
0x6a: {  	[spmem:s1] =	stream.linear.scatter [tilespmem:s9], [sflag:$0x1], $0x1B00, $0x38;
	[tilespmem:$0x1DB30] =	vst v63  }
0x6b: {  	_ =	swait.ge [sflag:s8], $0x1B00  }
0x6c: {  	[sflag:s8] =	ssyncset.done $0x0  }
0x6d: {  	[sflag:s8] =	ssyncadd.s32 $0xFFFFE500  }
0x6e: {  	[spmem:s2] =	stream.linear.scatter [tilespmem:s9], [sflag:$0x1], $0x1B00, $0x38;
	[tilespmem:$0x1DB30] =	vst v63  }
0x6f: {  	_ =	swait.ge [sflag:s8], $0x1B00  }
0x70: {  	[sflag:s8] =	ssyncset.done $0x0  }
0x71: {  	[sflag:s8] =	ssyncadd.s32 $0xFFFFE500  }
0x72: {  	[spmem:s3] =	stream.linear.scatter [tilespmem:s9], [sflag:$0x1], $0x1B00, $0x38;
	[tilespmem:$0x1DB30] =	vst v63  }
0x73: {  	_ =	swait.ge [sflag:s8], $0x1B00  }
0x74: {  	[sflag:s8] =	ssyncset.done $0x0  }
0x75: {  	s22 =	simm.s32 @!p0 $0x60A0;
	[sflag:s8] =	ssyncadd.s32 $0xFFFFE500  }
0x76: {  	[spmem:s7] =	stream.linear.scatter @!p0 [tilespmem:s22], [sflag:$0x1], $0x900, $0x38;
	[tilespmem:$0x1DB30] =	vst v63  }
0x77: {  	s22 =	simm.s32 @!p0 $0x1  }
0x78: {  	_ =	swait.ge @!p0 [sflag:s22], $0x900  }
0x79: {  	[sflag:s22] =	ssyncset.done @!p0 $0x0  }
0x7a: {  	[sflag:s22] =	ssyncadd.s32 @!p0 $0xFFFFF700  }
0x7b: {  	s23 =	simm.s32 $0x0;
	s22 =	simm.s32 $0x0;
	[bflag:$0x0] =	sbarrier.arrive $0xFFFF  }
.LBB2_4:
0x7c: {  	s24 =	smul.u32 $0x50, s23;
	_ =	sdelay $0x1  }
0x7d: {  	s24 =	sadd.s32 s4, s24  }
0x7e: {  	s25 =	sshrl.u32 s24, $0x3  }
0x7f: {  	s26 =	sadd.s32 s13, s25  }
0x80: {  	[tilespmem:s10], [sflag:$0x1] =	stream.linear.gather [hbm4b:s26+s22], $0x50, $0x38;
	[tilespmem:$0x1DB30] =	vst v63  }
0x81: {  	_ =	swait.ge [sflag:s8], $0x50  }
0x82: {  	[sflag:s8] =	ssyncset.done $0x0  }
0x83: {  	s25 =	sadd.s32 s15, s25;
	[sflag:s8] =	ssyncadd.s32 $0xFFFFFFB0  }
0x84: {  	[tilespmem:s11], [sflag:$0x1] =	stream.linear.gather [hbm4b:s25+s22], $0x50, $0x38;
	[tilespmem:$0x1DB30] =	vst v63  }
0x85: {  	_ =	swait.ge [sflag:s8], $0x50  }
0x86: {  	s24 =	sshll.u32 s24, $0x1;
	[sflag:s8] =	ssyncset.done $0x0  }
0x87: {  	s24 =	sadd.s32 s19, s24;
	[sflag:s8] =	ssyncadd.s32 $0xFFFFFFB0  }
0x88: {  	[tilespmem:s14], [sflag:$0x1] =	stream.linear.gather [hbm4b:s24+s22], $0x500, $0x38;
	[tilespmem:$0x1DB30] =	vst v63  }
0x89: {  	_ =	swait.ge [sflag:s8], $0x500  }
0x8a: {  	[sflag:s8] =	ssyncset.done $0x0  }
0x8b: {  	[sflag:s8] =	ssyncadd.s32 $0xFFFFFB00  }
0x8c: {  	[tilespmem:s22], [sflag:$0x1] =	stream.indirect.gather [hbm4b:s12+s17], $0x80, s11, s17, $0xb8;
	[tilespmem:$0x1DB30] =	vst v63  }
0x8d: {  	_ =	swait.ge [sflag:s8], $0x2800  }
0x8e: {  	[sflag:s8] =	ssyncset.done $0x0  }
0x8f: {  	[sflag:s8] =	ssyncadd.s32 $0xFFFFD800  }
0x90: {  	[tilespmem:s21], [sflag:$0x1] =	stream.indirect.gather [hbm4b:s20+s17], $0x10, s10, s17, $0xb8;
	[tilespmem:$0x1DB30] =	vst v63  }
0x91: {  	_ =	swait.ge [sflag:s8], $0x500  }
0x92: {  	[sflag:s8] =	ssyncset.done $0x0  }
0x93: {  	s26 =	simm.s32 $0x0;
	[sflag:s8] =	ssyncadd.s32 $0xFFFFFB00  }
0x94: {  	v4 =	vld [tilespmem:s26+$0x5500]  }
0x95: {  	v2 =	vld [tilespmem:s26+$0x5A00];
	_ =	sdelay $0x1  }
0x96: {  	v3 =	vld [tilespmem:$0x5FE0];
	_ =	sdelay $0x2  }
0x97: {  	v2 =	vmul.f32 v2, v4;
	_ =	sdelay $0x1  }
0x98: {  	s24 =	simm.s32 $0x40;
	v5 =	vmul.f32 v2, v3  }
0x99: {  	v2 =	vld [tilespmem:s24+$0xFFFFFFC0]  }
0x9a: {  	v6 =	vperm.xlane v5, v1;
	_ =	sdelay $0x1  }
0x9b: {  	v6 =	vadd.f32 v5, v6;
	_ =	sdelay $0x1  }
0x9c: {  	v7 =	vmul.f32 v6, v2  }
0x9d: {  	s25 =	simm.s32 $0x2840  }
0x9e: {  	v2 =	vld [tilespmem:$0x5FF0];
	[tilespmem:s25+$0xFFFFFFC0] =	vst v7  }
0x9f: {  	v7 =	vld [tilespmem:s24+$0xFFFFFFD0];
	_ =	sdelay $0x4  }
0xa0: {  	v7 =	vmul.f32 v7, v6;
	_ =	sdelay $0x1  }
0xa1: {  	[tilespmem:s25+$0xFFFFFFD0] =	vst v7  }
0xa2: {  	v7 =	vld [tilespmem:s24+$0xFFFFFFE0];
	_ =	sdelay $0x4  }
0xa3: {  	v7 =	vmul.f32 v7, v6;
	_ =	sdelay $0x1  }
0xa4: {  	[tilespmem:s25+$0xFFFFFFE0] =	vst v7  }
0xa5: {  	v7 =	vld [tilespmem:s24+$0xFFFFFFF0];
	_ =	sdelay $0x4  }
0xa6: {  	v7 =	vmul.f32 v7, v6;
	_ =	sdelay $0x1  }
0xa7: {  	[tilespmem:s25+$0xFFFFFFF0] =	vst v7  }
0xa8: {  	v7 =	vld [tilespmem:s24+$0x0];
	_ =	sdelay $0x4  }
0xa9: {  	v7 =	vmul.f32 v7, v6  }
0xaa: {  	v8 =	vadd.f32 $0.0e+00, v5  }
0xab: {  	[tilespmem:s25+$0x0] =	vst v7  }
0xac: {  	v8 =	vbroadcast v8, $0x0;
	v7 =	vbroadcast v5, $0x1;
	v9 =	vld [tilespmem:s24+$0x10];
	_ =	sdelay $0x1  }
0xad: {  	v10 =	vbroadcast v5, $0x2;
	v7 =	vadd.f32 v8, v7;
	_ =	sdelay $0x1  }
0xae: {  	v59 =	vbroadcast v5, $0x3;
	v7 =	vadd.f32 v7, v10  }
0xaf: {  	v9 =	vmul.f32 v9, v6  }
0xb0: {  	v60 =	vbroadcast v5, $0x4;
	v7 =	vadd.f32 v7, v59  }
0xb1: {  	[tilespmem:s25+$0x10] =	vst v9  }
0xb2: {  	v61 =	vbroadcast v5, $0x5;
	v7 =	vadd.f32 v7, v60;
	v9 =	vld [tilespmem:s24+$0x20];
	_ =	sdelay $0x1  }
0xb3: {  	v62 =	vbroadcast v5, $0x6;
	v7 =	vadd.f32 v7, v61;
	_ =	sdelay $0x1  }
0xb4: {  	v5 =	vbroadcast v5, $0x7;
	v7 =	vadd.f32 v7, v62  }
0xb5: {  	v63 =	vmul.f32 v9, v6  }
0xb6: {  	v5 =	vadd.f32 v7, v5  }
0xb7: {  	[tilespmem:s25+$0x20] =	vst v63  }
0xb8: {  	v5 =	vmul.f32 $1.250000000e-01, v5;
	v7 =	vld [tilespmem:s24+$0x30];
	_ =	sdelay $0x1  }
0xb9: {  	v4 =	vmul.f32 v5, v4;
	_ =	sdelay $0x1  }
0xba: {  	v4 =	vmul.f32 v4, v2  }
0xbb: {  	v5 =	vmul.f32 v7, v6  }
0xbc: {  	[tilespmem:s25+$0x40] =	vst v4  }
0xbd: {  	s28 =	simm.s32 $0x10;
	[tilespmem:s25+$0x30] =	vst v5  }
0xbe: {  	s26 =	simm.s32 $0x80;
	v4 =	vld [tilespmem:s28+$0x5500]  }
.LBB2_5:
0xbf: {  	p1 =	sne.s32 s26, $0x13C0;
	v5 =	vld [tilespmem:s28+$0x5A00];
	_ =	sdelay $0x4  }
0xc0: {  	v5 =	vmul.f32 v5, v4;
	_ =	sdelay $0x1  }
0xc1: {  	s24 =	sadd.s32 $0x80, s24;
	v5 =	vmul.f32 v5, v3  }
0xc2: {  	v6 =	vld [tilespmem:s24+$0xFFFFFFC0]  }
0xc3: {  	v7 =	vperm.xlane v5, v1;
	v8 =	vadd.f32 $0.0e+00, v5;
	v9 =	vbroadcast v5, $0x1  }
0xc4: {  	v10 =	vbroadcast v5, $0x2;
	v11 =	vbroadcast v5, $0x3  }
0xc5: {  	v12 =	vbroadcast v5, $0x4;
	v7 =	vadd.f32 v5, v7;
	v8 =	vbroadcast v8, $0x0  }
0xc6: {  	v13 =	vbroadcast v5, $0x5;
	v14 =	vbroadcast v5, $0x6  }
0xc7: {  	v5 =	vbroadcast v5, $0x7;
	v8 =	vadd.f32 v8, v9;
	v6 =	vmul.f32 v7, v6  }
0xc8: {  	s25 =	sadd.s32 $0x90, s25  }
0xc9: {  	v8 =	vadd.f32 v8, v10;
	[tilespmem:s25+$0xFFFFFFC0] =	vst v6  }
0xca: {  	v6 =	vld [tilespmem:s24+$0xFFFFFFD0]  }
0xcb: {  	v8 =	vadd.f32 v8, v11;
	_ =	sdelay $0x1  }
0xcc: {  	v8 =	vadd.f32 v8, v12;
	_ =	sdelay $0x1  }
0xcd: {  	v8 =	vadd.f32 v8, v13;
	v6 =	vmul.f32 v6, v7;
	_ =	sdelay $0x1  }
0xce: {  	v8 =	vadd.f32 v8, v14;
	[tilespmem:s25+$0xFFFFFFD0] =	vst v6  }
0xcf: {  	v6 =	vld [tilespmem:s24+$0xFFFFFFE0]  }
0xd0: {  	v5 =	vadd.f32 v8, v5;
	_ =	sdelay $0x1  }
0xd1: {  	v5 =	vmul.f32 $1.250000000e-01, v5;
	_ =	sdelay $0x1  }
0xd2: {  	v6 =	vmul.f32 v6, v7;
	v4 =	vmul.f32 v5, v4;
	_ =	sdelay $0x1  }
0xd3: {  	[tilespmem:s25+$0xFFFFFFE0] =	vst v6;
	v4 =	vmul.f32 v4, v2  }
0xd4: {  	v5 =	vld [tilespmem:s24+$0xFFFFFFF0];
	_ =	sdelay $0x4  }
0xd5: {  	v5 =	vmul.f32 v5, v7;
	_ =	sdelay $0x1  }
0xd6: {  	[tilespmem:s25+$0xFFFFFFF0] =	vst v5  }
0xd7: {  	v5 =	vld [tilespmem:s24+$0x0];
	_ =	sdelay $0x4  }
0xd8: {  	v5 =	vmul.f32 v5, v7;
	_ =	sdelay $0x1  }
0xd9: {  	[tilespmem:s25+$0x0] =	vst v5  }
0xda: {  	v5 =	vld [tilespmem:s24+$0x10];
	_ =	sdelay $0x4  }
0xdb: {  	v5 =	vmul.f32 v5, v7;
	_ =	sdelay $0x1  }
0xdc: {  	[tilespmem:s25+$0x10] =	vst v5  }
0xdd: {  	v5 =	vld [tilespmem:s24+$0x20];
	_ =	sdelay $0x4  }
0xde: {  	v5 =	vmul.f32 v5, v7;
	_ =	sdelay $0x1  }
0xdf: {  	[tilespmem:s25+$0x20] =	vst v5  }
0xe0: {  	v5 =	vld [tilespmem:s24+$0x30];
	[tilespmem:s25+$0x40] =	vst v4;
	_ =	sdelay $0x3  }
.Ltmp1:
0xe1: {  	(pc) =	sbr.rel @p1 .LBB2_5-.Ltmp1, $3  }
0xe2: {  	v4 =	vmul.f32 v5, v7;
	_ =	sdelay $0x1  }
0xe3: {  	s28 =	sshra.s32 s26, $0x2;
	[tilespmem:s25+$0x30] =	vst v4  }
0xe4: {  	s26 =	sadd.s32 $0x40, s26;
	v4 =	vld [tilespmem:s28+$0x5500]  }
0xe5: {  	v5 =	vld [tilespmem:s28+$0x5A00];
	_ =	sdelay $0x4  }
0xe6: {  	v5 =	vmul.f32 v5, v4;
	_ =	sdelay $0x1  }
0xe7: {  	s24 =	sadd.s32 $0x80, s24;
	v3 =	vmul.f32 v5, v3  }
0xe8: {  	v56 =	vld [tilespmem:s24+$0xFFFFFFC0]  }
0xe9: {  	v6 =	vperm.xlane v3, v1;
	_ =	sdelay $0x1  }
0xea: {  	v6 =	vadd.f32 v3, v6;
	_ =	sdelay $0x1  }
0xeb: {  	v5 =	vmul.f32 v6, v56  }
0xec: {  	s25 =	sadd.s32 $0x90, s25  }
0xed: {  	[tilespmem:s25+$0xFFFFFFC0] =	vst v5  }
0xee: {  	v5 =	vld [tilespmem:s24+$0xFFFFFFD0];
	_ =	sdelay $0x4  }
0xef: {  	v5 =	vmul.f32 v5, v6;
	_ =	sdelay $0x1  }
0xf0: {  	[tilespmem:s25+$0xFFFFFFD0] =	vst v5  }
0xf1: {  	v5 =	vld [tilespmem:s24+$0xFFFFFFE0];
	_ =	sdelay $0x4  }
0xf2: {  	v5 =	vmul.f32 v5, v6;
	_ =	sdelay $0x1  }
0xf3: {  	[tilespmem:s25+$0xFFFFFFE0] =	vst v5  }
0xf4: {  	v5 =	vld [tilespmem:s24+$0xFFFFFFF0];
	_ =	sdelay $0x4  }
0xf5: {  	v5 =	vmul.f32 v5, v6;
	_ =	sdelay $0x1  }
0xf6: {  	[tilespmem:s25+$0xFFFFFFF0] =	vst v5  }
0xf7: {  	v5 =	vld [tilespmem:s24+$0x0];
	_ =	sdelay $0x4  }
0xf8: {  	v5 =	vmul.f32 v5, v6  }
0xf9: {  	v7 =	vadd.f32 $0.0e+00, v3  }
0xfa: {  	[tilespmem:s25+$0x0] =	vst v5  }
0xfb: {  	v57 =	vbroadcast v3, $0x1;
	v7 =	vbroadcast v7, $0x0;
	v8 =	vld [tilespmem:s24+$0x10];
	_ =	sdelay $0x1  }
0xfc: {  	v9 =	vbroadcast v3, $0x2;
	v5 =	vadd.f32 v7, v57;
	_ =	sdelay $0x1  }
0xfd: {  	v58 =	vbroadcast v3, $0x3;
	v5 =	vadd.f32 v5, v9  }
0xfe: {  	v8 =	vmul.f32 v8, v6  }
0xff: {  	v59 =	vbroadcast v3, $0x4;
	v5 =	vadd.f32 v5, v58  }
0x100: {  	[tilespmem:s25+$0x10] =	vst v8  }
0x101: {  	v60 =	vbroadcast v3, $0x5;
	v5 =	vadd.f32 v5, v59;
	v8 =	vld [tilespmem:s24+$0x20];
	_ =	sdelay $0x1  }
0x102: {  	v61 =	vbroadcast v3, $0x6;
	v5 =	vadd.f32 v5, v60;
	_ =	sdelay $0x1  }
0x103: {  	v3 =	vbroadcast v3, $0x7;
	v5 =	vadd.f32 v5, v61  }
0x104: {  	v62 =	vmul.f32 v8, v6  }
0x105: {  	v3 =	vadd.f32 v5, v3  }
0x106: {  	[tilespmem:s25+$0x20] =	vst v62  }
0x107: {  	v3 =	vmul.f32 $1.250000000e-01, v3;
	v63 =	vld [tilespmem:s24+$0x30];
	_ =	sdelay $0x1  }
0x108: {  	v3 =	vmul.f32 v3, v4;
	_ =	sdelay $0x1  }
0x109: {  	v2 =	vmul.f32 v3, v2  }
0x10a: {  	s23 =	sadd.s32 $0x1, s23;
	v3 =	vmul.f32 v63, v6  }
0x10b: {  	p1 =	sne.s32 s23, $0x7D;
	[tilespmem:s25+$0x40] =	vst v2  }
.Ltmp2:
0x10c: {  	[tilespmem:s25+$0x30] =	vst v3;
	(pc) =	sbr.rel @p1 .LBB2_4-.Ltmp2, $4  }
0x10d: {  	[spmem:s18] =	stream.indirect.scatter.add.f32 [tilespmem:s5], [sflag:$0x1], $0x90, s10, s17, $0xb8;
	[tilespmem:$0x1DB30] =	vst v63  }
0x10e: {  	_ =	swait.ge [sflag:s8], $0x2D00  }
0x10f: {  	[sflag:s8] =	ssyncset.done $0x0  }
0x110: {  	[sflag:s8] =	ssyncadd.s32 $0xFFFFD300  }
0x111: {  	[bflag:$0x0] =	sbarrier.arrive $0xFFFF  }
0x112: {  	[tilespmem:s9], [sflag:$0x1] =	stream.linear.gather [spmem:s29], $0x1B00, $0x38;
	[tilespmem:$0x1DB30] =	vst v63  }
0x113: {  	_ =	swait.ge [sflag:s8], $0x1B00  }
0x114: {  	[sflag:s8] =	ssyncset.done $0x0  }
0x115: {  	s22 =	rddreg [dreg:$0x6];
	[sflag:s8] =	ssyncadd.s32 $0xFFFFE500  }
0x116: {  	[hbm4b:s22+s0] =	stream.linear.scatter [tilespmem:s9], [sflag:$0x1], $0x1B00, $0x38;
	[tilespmem:$0x1DB30] =	vst v63  }
0x117: {  	_ =	swait.ge [sflag:s8], $0x1B00  }
0x118: {  	[sflag:s8] =	ssyncset.done $0x0  }
0x119: {  	[sflag:s8] =	ssyncadd.s32 $0xFFFFE500  }
0x11a: {  	[tilespmem:s9], [sflag:$0x1] =	stream.linear.gather [spmem:s30], $0x1B00, $0x38;
	[tilespmem:$0x1DB30] =	vst v63  }
0x11b: {  	_ =	swait.ge [sflag:s8], $0x1B00  }
0x11c: {  	[sflag:s8] =	ssyncset.done $0x0  }
0x11d: {  	s24 =	rddreg [dreg:$0x7];
	[sflag:s8] =	ssyncadd.s32 $0xFFFFE500  }
0x11e: {  	[hbm4b:s24+s0] =	stream.linear.scatter [tilespmem:s9], [sflag:$0x1], $0x1B00, $0x38;
	[tilespmem:$0x1DB30] =	vst v63  }
0x11f: {  	_ =	swait.ge [sflag:s8], $0x1B00  }
0x120: {  	[sflag:s8] =	ssyncset.done $0x0  }
0x121: {  	[sflag:s8] =	ssyncadd.s32 $0xFFFFE500  }
0x122: {  	[tilespmem:s9], [sflag:$0x1] =	stream.linear.gather [spmem:s31], $0x1B00, $0x38;
	[tilespmem:$0x1DB30] =	vst v63  }
0x123: {  	_ =	swait.ge [sflag:s8], $0x1B00  }
0x124: {  	[sflag:s8] =	ssyncset.done $0x0  }
0x125: {  	s25 =	smov.u32 s29;
	s29 =	rddreg [dreg:$0x8];
	[sflag:s8] =	ssyncadd.s32 $0xFFFFE500  }
0x126: {  	[hbm4b:s29+s0] =	stream.linear.scatter [tilespmem:s9], [sflag:$0x1], $0x1B00, $0x38;
	[tilespmem:$0x1DB30] =	vst v63  }
0x127: {  	_ =	swait.ge [sflag:s8], $0x1B00  }
0x128: {  	[sflag:s8] =	ssyncset.done $0x0  }
0x129: {  	s26 =	smov.u32 s30;
	s30 =	rddreg [dreg:$0x14];
	[sflag:s8] =	ssyncadd.s32 $0xFFFFE500  }
0x12a: {  	[tilespmem:s9], [sflag:$0x1] =	stream.linear.gather [spmem:s30], $0x1B00, $0x38;
	[tilespmem:$0x1DB30] =	vst v63  }
0x12b: {  	_ =	swait.ge [sflag:s8], $0x1B00  }
0x12c: {  	[sflag:s8] =	ssyncset.done $0x0  }
0x12d: {  	s28 =	smov.u32 s31;
	s31 =	rddreg [dreg:$0x9];
	[sflag:s8] =	ssyncadd.s32 $0xFFFFE500  }
0x12e: {  	[hbm4b:s31+s0] =	stream.linear.scatter [tilespmem:s9], [sflag:$0x1], $0x1B00, $0x38;
	[tilespmem:$0x1DB30] =	vst v63  }
0x12f: {  	_ =	swait.ge [sflag:s8], $0x1B00  }
0x130: {  	[sflag:s8] =	ssyncset.done $0x0  }
0x131: {  	s23 =	rddreg [dreg:$0x15];
	[sflag:s8] =	ssyncadd.s32 $0xFFFFE500  }
0x132: {  	[tilespmem:s9], [sflag:$0x1] =	stream.linear.gather [spmem:s23], $0x1B00, $0x38;
	[tilespmem:$0x1DB30] =	vst v63  }
0x133: {  	_ =	swait.ge [sflag:s8], $0x1B00  }
0x134: {  	[sflag:s8] =	ssyncset.done $0x0  }
0x135: {  	s24 =	rddreg [dreg:$0xa];
	[sflag:s8] =	ssyncadd.s32 $0xFFFFE500  }
0x136: {  	[hbm4b:s24+s0] =	stream.linear.scatter [tilespmem:s9], [sflag:$0x1], $0x1B00, $0x38;
	[tilespmem:$0x1DB30] =	vst v63  }
0x137: {  	_ =	swait.ge [sflag:s8], $0x1B00  }
0x138: {  	[sflag:s8] =	ssyncset.done $0x0  }
0x139: {  	s29 =	rddreg [dreg:$0x16];
	[sflag:s8] =	ssyncadd.s32 $0xFFFFE500  }
0x13a: {  	[tilespmem:s9], [sflag:$0x1] =	stream.linear.gather [spmem:s29], $0x1B00, $0x38;
	[tilespmem:$0x1DB30] =	vst v63  }
0x13b: {  	_ =	swait.ge [sflag:s8], $0x1B00  }
0x13c: {  	[sflag:s8] =	ssyncset.done $0x0  }
0x13d: {  	s30 =	rddreg [dreg:$0xb];
	[sflag:s8] =	ssyncadd.s32 $0xFFFFE500  }
0x13e: {  	[hbm4b:s30+s0] =	stream.linear.scatter [tilespmem:s9], [sflag:$0x1], $0x1B00, $0x38;
	[tilespmem:$0x1DB30] =	vst v63  }
0x13f: {  	_ =	swait.ge [sflag:s8], $0x1B00  }
0x140: {  	[sflag:s8] =	ssyncset.done $0x0  }
0x141: {  	s31 =	rddreg [dreg:$0x17];
	[sflag:s8] =	ssyncadd.s32 $0xFFFFE500  }
0x142: {  	[tilespmem:s9], [sflag:$0x1] =	stream.linear.gather [spmem:s31], $0x1B00, $0x38;
	[tilespmem:$0x1DB30] =	vst v63  }
0x143: {  	_ =	swait.ge [sflag:s8], $0x1B00  }
0x144: {  	[sflag:s8] =	ssyncset.done $0x0  }
0x145: {  	s23 =	rddreg [dreg:$0xc];
	[sflag:s8] =	ssyncadd.s32 $0xFFFFE500  }
0x146: {  	[hbm4b:s23+s0] =	stream.linear.scatter [tilespmem:s9], [sflag:$0x1], $0x1B00, $0x38;
	[tilespmem:$0x1DB30] =	vst v63  }
0x147: {  	_ =	swait.ge [sflag:s8], $0x1B00  }
0x148: {  	[sflag:s8] =	ssyncset.done $0x0  }
0x149: {  	s24 =	rddreg [dreg:$0x18];
	[sflag:s8] =	ssyncadd.s32 $0xFFFFE500  }
0x14a: {  	[tilespmem:s9], [sflag:$0x1] =	stream.linear.gather [spmem:s24], $0x1B00, $0x38;
	[tilespmem:$0x1DB30] =	vst v63  }
0x14b: {  	_ =	swait.ge [sflag:s8], $0x1B00  }
0x14c: {  	[sflag:s8] =	ssyncset.done $0x0  }
0x14d: {  	s29 =	rddreg [dreg:$0xd];
	[sflag:s8] =	ssyncadd.s32 $0xFFFFE500  }
0x14e: {  	[hbm4b:s29+s0] =	stream.linear.scatter [tilespmem:s9], [sflag:$0x1], $0x1B00, $0x38;
	[tilespmem:$0x1DB30] =	vst v63  }
0x14f: {  	_ =	swait.ge [sflag:s8], $0x1B00  }
0x150: {  	[sflag:s8] =	ssyncset.done $0x0  }
0x151: {  	s30 =	rddreg [dreg:$0x19];
	[sflag:s8] =	ssyncadd.s32 $0xFFFFE500  }
0x152: {  	[tilespmem:s9], [sflag:$0x1] =	stream.linear.gather [spmem:s30], $0x1B00, $0x38;
	[tilespmem:$0x1DB30] =	vst v63  }
0x153: {  	_ =	swait.ge [sflag:s8], $0x1B00  }
0x154: {  	[sflag:s8] =	ssyncset.done $0x0  }
0x155: {  	s31 =	rddreg [dreg:$0xe];
	[sflag:s8] =	ssyncadd.s32 $0xFFFFE500  }
0x156: {  	[hbm4b:s31+s0] =	stream.linear.scatter [tilespmem:s9], [sflag:$0x1], $0x1B00, $0x38;
	[tilespmem:$0x1DB30] =	vst v63  }
0x157: {  	_ =	swait.ge [sflag:s8], $0x1B00  }
0x158: {  	[sflag:s8] =	ssyncset.done $0x0  }
0x159: {  	[sflag:s8] =	ssyncadd.s32 $0xFFFFE500  }
0x15a: {  	[tilespmem:s9], [sflag:$0x1] =	stream.linear.gather [spmem:s16], $0x1B00, $0x38;
	[tilespmem:$0x1DB30] =	vst v63  }
0x15b: {  	_ =	swait.ge [sflag:s8], $0x1B00  }
0x15c: {  	[sflag:s8] =	ssyncset.done $0x0  }
0x15d: {  	s23 =	rddreg [dreg:$0xf];
	[sflag:s8] =	ssyncadd.s32 $0xFFFFE500  }
0x15e: {  	[hbm4b:s23+s0] =	stream.linear.scatter [tilespmem:s9], [sflag:$0x1], $0x1B00, $0x38;
	[tilespmem:$0x1DB30] =	vst v63  }
0x15f: {  	_ =	swait.ge [sflag:s8], $0x1B00  }
0x160: {  	[sflag:s8] =	ssyncset.done $0x0  }
0x161: {  	[sflag:s8] =	ssyncadd.s32 $0xFFFFE500  }
0x162: {  	[tilespmem:s9], [sflag:$0x1] =	stream.linear.gather [spmem:s1], $0x1B00, $0x38;
	[tilespmem:$0x1DB30] =	vst v63  }
0x163: {  	_ =	swait.ge [sflag:s8], $0x1B00  }
0x164: {  	[sflag:s8] =	ssyncset.done $0x0  }
0x165: {  	s24 =	rddreg [dreg:$0x10];
	[sflag:s8] =	ssyncadd.s32 $0xFFFFE500  }
0x166: {  	[hbm4b:s24+s0] =	stream.linear.scatter [tilespmem:s9], [sflag:$0x1], $0x1B00, $0x38;
	[tilespmem:$0x1DB30] =	vst v63  }
0x167: {  	_ =	swait.ge [sflag:s8], $0x1B00  }
0x168: {  	[sflag:s8] =	ssyncset.done $0x0  }
0x169: {  	[sflag:s8] =	ssyncadd.s32 $0xFFFFE500  }
0x16a: {  	[tilespmem:s9], [sflag:$0x1] =	stream.linear.gather [spmem:s2], $0x1B00, $0x38;
	[tilespmem:$0x1DB30] =	vst v63  }
0x16b: {  	_ =	swait.ge [sflag:s8], $0x1B00  }
0x16c: {  	[sflag:s8] =	ssyncset.done $0x0  }
0x16d: {  	s29 =	rddreg [dreg:$0x11];
	[sflag:s8] =	ssyncadd.s32 $0xFFFFE500  }
0x16e: {  	[hbm4b:s29+s0] =	stream.linear.scatter [tilespmem:s9], [sflag:$0x1], $0x1B00, $0x38;
	[tilespmem:$0x1DB30] =	vst v63  }
0x16f: {  	_ =	swait.ge [sflag:s8], $0x1B00  }
0x170: {  	[sflag:s8] =	ssyncset.done $0x0  }
0x171: {  	[sflag:s8] =	ssyncadd.s32 $0xFFFFE500  }
0x172: {  	[tilespmem:s9], [sflag:$0x1] =	stream.linear.gather [spmem:s3], $0x1B00, $0x38;
	[tilespmem:$0x1DB30] =	vst v63  }
0x173: {  	_ =	swait.ge [sflag:s8], $0x1B00  }
0x174: {  	[sflag:s8] =	ssyncset.done $0x0  }
0x175: {  	s30 =	rddreg [dreg:$0x12];
	[sflag:s8] =	ssyncadd.s32 $0xFFFFE500  }
0x176: {  	[hbm4b:s30+s0] =	stream.linear.scatter [tilespmem:s9], [sflag:$0x1], $0x1B00, $0x38;
	[tilespmem:$0x1DB30] =	vst v63  }
0x177: {  	_ =	swait.ge [sflag:s8], $0x1B00  }
0x178: {  	[sflag:s8] =	ssyncset.done $0x0  }
0x179: {  	s22 =	simm.s32 @!p0 $0x60A0;
	s23 =	simm.s32 @!p0 $0x1;
	[sflag:s8] =	ssyncadd.s32 $0xFFFFE500  }
0x17a: {  	[tilespmem:s22], [sflag:$0x1] =	stream.linear.gather @!p0 [spmem:s7], $0x900, $0x38;
	[tilespmem:$0x1DB30] =	vst v63  }
0x17b: {  	_ =	swait.ge @!p0 [sflag:s23], $0x900  }
0x17c: {  	[sflag:s23] =	ssyncset.done @!p0 $0x0  }
0x17d: {  	s24 =	simm.s32 @!p0 $0x0;
	s29 =	rddreg [dreg:$0x1a];
	[sflag:s23] =	ssyncadd.s32 @!p0 $0xFFFFF700  }
0x17e: {  	[hbm4b:s29+s24] =	stream.linear.scatter @!p0 [tilespmem:s22], [sflag:$0x1], $0x900, $0x38;
	[tilespmem:$0x1DB30] =	vst v63  }
0x17f: {  	_ =	swait.ge @!p0 [sflag:s23], $0x900  }
0x180: {  	s6 =	sadd.s32 $0x1, s6;
	s31 =	rddreg [dreg:$0x1b]  }
0x181: {  	p1 =	sne.s32 s6, s31  }
.Ltmp3:
0x182: {  	_ = 	snop;
	(pc) =	sbr.rel @p1 .LBB2_1-.Ltmp3, $3  }
0x183: {  	_ =	sdelay $0x1  }
0x184: {  	[sflag:s23] =	ssyncset.done @!p0 $0x0  }
0x185: {  	[sflag:s23] =	ssyncadd.s32 @!p0 $0xFFFFF700  }
0x186: {  	_ =	sfence.sel $0x180000  }
0x187: {  	[bflag:$0x0] =	sbarrier.arrive $0xFFFF  }
0x188: {  	_ =	strace $0x9000004A  }
0x189: {  	[bflag:$0x2] =	sbarrier.arrive $0xFFFF  }
0x18a: {  	s0 =	rddreg [dreg:$0x5]  }
0x18b: {  	s0 =	sadd.s32 @!p0 $0x100000, s0  }
0x18c: {  	[sflag:s0] =	ssyncadd.tile.s32 @!p0 $0x1;
	_ =	shalt  }
.Lfunc_end2:
_tile_overlayer_lowered:
.L_overlay_start_2:
0x18d: {  	(tag) =	ssettag $0x2  }
0x18e: {  	s0 =	rddreg [dreg:$0x0];
	s2 =	stileid.u32  }
0x18f: {  	s1 =	rddreg [dreg:$0x1];
	p0 =	sne.s32 s2, $0x0  }
0x190: {  	s3 =	rddreg [dreg:$0x2];
	[bflag:$0x3] =	sbarrier.arrive $0xFFFF;
	s2 =	simm.s32 @!p0 $0x1C01  }
0x191: {  	[timem:s3], [sflag:s2] =	dma.local @!p0 [hbm:s0], s1  }
0x192: {  	s0 =	simm.s32 @!p0 $0x1  }
0x193: {  	_ =	swait.ge @!p0 [sflag:s0], s1  }
0x194: {  	s1 =	ssub.s32 @!p0 $0x0, s1;
	[sflag:s0] =	ssyncset.done @!p0 $0x0  }
0x195: {  	[sflag:s0] =	ssyncadd.s32 @!p0 s1  }
0x196: {  	[bflag:$0x3] =	sbarrier.arrive $0xFFFF  }
0x197: {  	_ =	shalt  }

// kernel: kernel.8.cloned.1.call-start
scs
__scs_entry_jumppad:
0x0: {  	(pc) =	sbr.rel $0x88, $3  }
0x1: {  	(tag) =	ssettag $0x0;
	lr =	simm.s32 $0x1  }
0x2: {  	[smem:$0x3F7C] =	sst lr;
	_ =	strace $0xD0000000  }
0x3: {  	_ = 	snop  }
0x4: {  	_ = 	snop  }
0x5: {  	_ = 	snop  }
0x6: {  	_ = 	snop  }
0x7: {  	_ = 	snop  }
__scs_overlays_trampoline_lowered:
0x8: {  	[smem:$0x3F8B] =	sst s0  }
0x9: {  	[smem:$0x3F8C] =	sst s1  }
0xa: {  	[smem:$0x3F8D] =	sst s2  }
0xb: {  	[smem:$0x3F8E] =	sst s3  }
0xc: {  	[smem:$0x3F8F] =	sst s4  }
0xd: {  	[smem:$0x3F90] =	sst s5  }
0xe: {  	[smem:$0x3F91] =	sst s6  }
0xf: {  	[smem:$0x3F92] =	sst s7  }
0x10: {  	[smem:$0x3F93] =	sst s8  }
0x11: {  	[smem:$0x3F94] =	sst s9;
	s0 =	simm.s32 @!p0 $0x0  }
0x12: {  	s1 =	sld [smem:$0x3F7A];
	s0 =	simm.s32 @p0 $0x1  }
0x13: {  	[smem:$0x3F95] =	sst s0;
	s0 =	simm.s32 @!p1 $0x0  }
0x14: {  	s2 =	sld [smem:$0x3F79];
	s0 =	simm.s32 @p1 $0x1  }
0x15: {  	[smem:$0x3F96] =	sst s0;
	s0 =	simm.s32 @!p2 $0x0  }
0x16: {  	s3 =	sld [smem:$0x3FDB];
	s0 =	simm.s32 @p2 $0x1  }
0x17: {  	s4 =	simm.s32 $0x1BF5;
	[smem:$0x3F98] =	sst s0  }
0x18: {  	s0 =	sld [smem:$0x3F7B];
	_ =	swait.ge [sflag:s4], $0x0  }
0x19: {  	s7 =	sld [smem:$0x3F7C]  }
0x1a: {  	s8 =	sadd.s32 $0xFFFFE003, lr  }
0x1b: {  	s9 =	sadd.s32 $0xFFFFFEF7, lr;
	s5 =	simm.s32 $0xFFFFFFFF;
	p2 =	slt.u32 s8, $0xFFFFF086  }
0x1c: {  	p1 =	slt.u32 s9, $0xF7A;
	s5 =	simm.s32 @!p2 $0x0  }
0x1d: {  	s5 =	simm.s32 @p1 $0x1;
	p0 =	seq.s32 s7, s2  }
0x1e: {  	s7 =	smul.u32 @!p0 $0xF7A, s2;
	p2 =	seq.s32 @!p0 s5, $0x0  }
0x1f: {  	s9 =	smul.u32 $0xF7A, s1;
	s8 =	simm.s32 @!p0 $0x1BF5;
	p2 =	por !p2, p0  }
0x20: {  	[sflag:s8] =	ssyncset.s32 @!p0 $0xFFFFF086;
	s6 =	sadd.s32 @!p0 s3, s7;
	s7 =	simm.s32 @!p0 $0x108  }
0x21: {  	s3 =	sadd.s32 s3, s9;
	s6 =	sadd.s32 @!p0 $0x88, s6;
	s7 =	simm.s32 @p2 $0x1082  }
0x22: {  	[simem:s7], [sflag:s8] =	dma.local @!p0 [hbm:s6], $0xF7A  }
0x23: {  	s9 =	sor.u32 $0xD0000000, s2;
	s6 =	simm.s32 $0x108;
	_ =	swait.ge @!p0 [sflag:s8], $0x0  }
0x24: {  	s3 =	sadd.s32 $0x88, s3;
	s6 =	simm.s32 @!p1 $0x1082;
	[sflag:s4] =	ssyncset.s32 $0xFFFFF086  }
0x25: {  	[simem:s6], [sflag:s4] =	dma.local [hbm:s3], $0xF7A  }
0x26: {  	[smem:$0x3F7C] =	sst s1;
	(tag) =	ssettag s2;
	_ =	strace s9  }
0x27: {  	s1 =	sld [smem:$0x3F8C]  }
0x28: {  	s2 =	sld [smem:$0x3F8D]  }
0x29: {  	s4 =	sld [smem:$0x3F8F]  }
0x2a: {  	p0 =	seq.s32 s5, $0x0;
	s5 =	sld [smem:$0x3F90]  }
0x2b: {  	s6 =	sld [smem:$0x3F91]  }
0x2c: {  	s7 =	sld [smem:$0x3F92]  }
0x2d: {  	s3 =	simm.s32 $0x108;
	s8 =	sld [smem:$0x3F93]  }
0x2e: {  	s3 =	simm.s32 @!p0 $0x1082;
	s9 =	sld [smem:$0x3F94]  }
0x2f: {  	lr =	sadd.s32 s0, s3;
	s0 =	sld [smem:$0x3F8B]  }
0x30: {  	s3 =	sld [smem:$0x3F8E]  }
0x31: {  	[smem:$0x3F97] =	sst s10  }
0x32: {  	s10 =	sld [smem:$0x3F95];
	_ =	sdelay $0x3  }
0x33: {  	p0 =	seq.s32 s10, $0x1;
	s10 =	sld [smem:$0x3F97];
	_ =	sdelay $0x3  }
0x34: {  	[smem:$0x3F97] =	sst s10  }
0x35: {  	s10 =	sld [smem:$0x3F96];
	_ =	sdelay $0x3  }
0x36: {  	p1 =	seq.s32 s10, $0x1;
	s10 =	sld [smem:$0x3F97];
	_ =	sdelay $0x3  }
0x37: {  	[smem:$0x3F97] =	sst s10  }
0x38: {  	s10 =	sld [smem:$0x3F98]  }
0x39: {  	_ = 	snop;
	(pc) =	sbr.ind lr, $3  }
0x3a: {  	_ = 	snop  }
0x3b: {  	_ = 	snop  }
0x3c: {  	p2 =	seq.s32 s10, $0x1;
	s10 =	sld [smem:$0x3F97]  }
0x3d: {  	_ =	shalt  }
0x3e: {  	_ =	shalt  }
0x3f: {  	_ =	shalt  }
0x40: {  	_ =	shalt  }
0x41: {  	_ =	shalt  }
0x42: {  	_ =	shalt  }
0x43: {  	_ =	shalt  }
0x44: {  	_ =	shalt  }
0x45: {  	_ =	shalt  }
0x46: {  	_ =	shalt  }
0x47: {  	_ =	shalt  }
0x48: {  	_ =	shalt  }
0x49: {  	_ =	shalt  }
0x4a: {  	_ =	shalt  }
0x4b: {  	_ =	shalt  }
0x4c: {  	_ =	shalt  }
0x4d: {  	_ =	shalt  }
0x4e: {  	_ =	shalt  }
0x4f: {  	_ =	shalt  }
0x50: {  	_ =	shalt  }
0x51: {  	_ =	shalt  }
0x52: {  	_ =	shalt  }
0x53: {  	_ =	shalt  }
0x54: {  	_ =	shalt  }
0x55: {  	_ =	shalt  }
0x56: {  	_ =	shalt  }
0x57: {  	_ =	shalt  }
0x58: {  	_ =	shalt  }
0x59: {  	_ =	shalt  }
0x5a: {  	_ =	shalt  }
0x5b: {  	_ =	shalt  }
0x5c: {  	_ =	shalt  }
0x5d: {  	_ =	shalt  }
0x5e: {  	_ =	shalt  }
0x5f: {  	_ =	shalt  }
0x60: {  	_ =	shalt  }
0x61: {  	_ =	shalt  }
0x62: {  	_ =	shalt  }
0x63: {  	_ =	shalt  }
0x64: {  	_ =	shalt  }
0x65: {  	_ =	shalt  }
0x66: {  	_ =	shalt  }
0x67: {  	_ =	shalt  }
0x68: {  	_ =	shalt  }
0x69: {  	_ =	shalt  }
0x6a: {  	_ =	shalt  }
0x6b: {  	_ =	shalt  }
0x6c: {  	_ =	shalt  }
0x6d: {  	_ =	shalt  }
0x6e: {  	_ =	shalt  }
0x6f: {  	_ =	shalt  }
0x70: {  	_ =	shalt  }
0x71: {  	_ =	shalt  }
0x72: {  	_ =	shalt  }
0x73: {  	_ =	shalt  }
0x74: {  	_ =	shalt  }
0x75: {  	_ =	shalt  }
0x76: {  	_ =	shalt  }
0x77: {  	_ =	shalt  }
0x78: {  	_ =	shalt  }
0x79: {  	_ =	shalt  }
0x7a: {  	_ =	shalt  }
0x7b: {  	_ =	shalt  }
0x7c: {  	_ =	shalt  }
0x7d: {  	_ =	shalt  }
0x7e: {  	_ =	shalt  }
0x7f: {  	_ =	shalt  }
0x80: {  	_ =	shalt  }
0x81: {  	_ =	shalt  }
0x82: {  	_ =	shalt  }
0x83: {  	_ =	shalt  }
0x84: {  	_ =	shalt  }
0x85: {  	_ =	shalt  }
0x86: {  	_ =	shalt  }
0x87: {  	_ =	shalt  }
.Lfunc_end0:
.L_simem_size_0:
called_computation_lowered:
.L_overlay_start_0:
0x88: {  	s2 =	sld [smem:$0x3FD9]  }
0x89: {  	s3 =	sld [smem:$0x3FFE];
	_ =	sdelay $0x1  }
0x8a: {  	s1 =	srdreg.scid  }
0x8b: {  	s0 =	sand.u32 $0x1, s1  }
0x8c: {  	s17 =	sshll.u32 s0, $0xA;
	s2 =	sadd.s32 s3, s2  }
0x8d: {  	s2 =	sadd.s32 s2, s17  }
0x8e: {  	[smem:$0x3FA3] =	sst s2  }
0x8f: {  	_ = 	snop  }
0x90: {  	s2 =	sld [smem:$0x3FC7]  }
0x91: {  	s18 =	sld [smem:$0x3FC6];
	(tm) =	ssettm $0x1  }
0x92: {  	s4 =	sld [smem:$0x3FFB];
	_ =	sdelay $0x3  }
0x93: {  	_ =	strace s4  }
0x94: {  	s4 =	sld [smem:$0x3FFC];
	_ =	sdelay $0x3  }
0x95: {  	_ =	strace s4  }
0x96: {  	s4 =	sld [smem:$0x3FFD];
	_ =	sdelay $0x3  }
0x97: {  	_ =	strace s4  }
0x98: {  	_ =	strace $0x8FFFFFFF  }
0x99: {  	s19 =	sld [smem:$0x3FDB];
	_ =	sdelay $0x1  }
0x9a: {  	s5 =	simm.s32 $_scs_section_size  }
0x9b: {  	s6 =	simm.s32 $_size__tile_overlayer_lowered;
	s7 =	simm.s32 $_tile_overlayer_lowered  }
0x9c: {  	s22 =	simm.s32 $0x1BFF;
	s21 =	sshll.u32 s7, $0x1;
	s4 =	sadd.s32 s5, s19  }
0x9d: {  	s8 =	simm.s32 $0x0;
	s20 =	sshll.u32 s6, $0x1;
	s6 =	sadd.s32 s21, s4  }
0x9e: {  	[timem:s8], [sflag:s22] =	dma.local [hbm:s6], s20  }
0x9f: {  	_ =	swait.ge [sflag:s22], s20  }
0xa0: {  	s5 =	ssub.s32 $0x0, s20;
	[sflag:s22] =	ssyncset.done $0x0  }
0xa1: {  	[sflag:s22] =	ssyncadd.s32 s5;
	_ =	sdelay $0x1  }
0xa2: {  	s23 =	simm.s32 $0x1B8B  }
0xa3: {  	_ =	swait.ge [sflag:s23], $0x1  }
0xa4: {  	[sflag:s23] =	ssyncset.done $0x0  }
0xa5: {  	s25 =	simm.s32 $0x1B8E;
	s24 =	sld [smem:$0x3FFE];
	[sflag:s23] =	ssyncadd.s32 $0xFFFFFFFF  }
0xa6: {  	s26 =	simm.s32 $execute0_lowered;
	[smem:$0x3FD2] =	sst s25  }
0xa7: {  	s6 =	sshll.u32 s26, $0x1;
	_ =	strace $0x80000046;
	[dreg:$0x1] =	wrdreg $0xFFFFFFFF  }
0xa8: {  	s28 =	simm.s32 $_size_execute0_lowered;
	s4 =	sadd.s32 s4, s6;
	[dreg:$0x0] =	wrdreg $0x0  }
0xa9: {  	s6 =	sshll.u32 s28, $0x1;
	[dreg:$0x2] =	wrdreg s4  }
0xaa: {  	[dreg:$0x3] =	wrdreg s6  }
0xab: {  	[dreg:$0x4] =	wrdreg $0xC0  }
0xac: {  	_ =	task [dreg:s8], $0x5FFFF  }
0xad: {  	[dreg:$0x1] =	wrdreg $0xFFFFFFFF  }
0xae: {  	[dreg:$0x0] =	wrdreg $0x60  }
0xaf: {  	[dreg:$0x2] =	wrdreg s24  }
0xb0: {  	[dreg:$0x3] =	wrdreg s2  }
0xb1: {  	[dreg:$0x4] =	wrdreg s18  }
0xb2: {  	[dreg:$0x5] =	wrdreg $0x8CA00  }
0xb3: {  	[dreg:$0x6] =	wrdreg $0x9  }
0xb4: {  	_ =	task.clear_ibuf [dreg:s8], $0x7FFFF;
	_ =	strace $0x90000046  }
0xb5: {  	s29 =	simm.s32 $0x9;
	_ =	strace $0x80000048  }
0xb6: {  	_ =	swait.ge [sflag:s29], $0x1  }
0xb7: {  	[sflag:s29] =	ssyncadd.s32 $0xFFFFFFFF  }
0xb8: {  	_ =	strace $0x90000048  }
0xb9: {  	_ =	sfence  }
0xba: {  	s30 =	sld [smem:$0x0];
	_ =	sdelay $0x2  }
0xbb: {  	s31 =	sshll.u32 s1, $0xD;
	s1 =	sshrl.u32 s1, $0x2  }
0xbc: {  	s3 =	sand.u32 $0x4000, s31;
	s1 =	sadd.s32 s1, s30  }
0xbd: {  	s0 =	sor.u32 s3, s0;
	s1 =	sshll.u32 s1, $0x11  }
0xbe: {  	s0 =	sor.u32 s1, s0  }
0xbf: {  	s0 =	sadd.s32 $0x8F2B, s0  }
0xc0: {  	[sflag:s0] =	ssyncadd.remote.s32 $0x1  }
0xc1: {  	_ =	sfence.sel $0xFFFF  }
0xc2: {  	[dreg:$0x0] =	wrdreg $0xFFFFFFFF;
	(pc) =	sbr.abs _section_cstart, $3  }
0xc3: {  	[dreg:$0x1] =	wrdreg $0xFFFFFFFF  }
0xc4: {  	_ =	task.clear_ibuf [dreg:s8], $0x2FFFF;
	_ =	strace $0x9FFFFFFF  }
0xc5: {  	(tm) =	ssettm $0x7FFFFFFF  }
tec
execute0_lowered:
.L_overlay_start_1:
0x0: {  	(tag) =	ssettag $0x1  }
0x1: {  	s0 =	rddreg [dreg:$0x0]  }
0x2: {  	s1 =	rddreg [dreg:$0x1]  }
0x3: {  	s2 =	rddreg [dreg:$0x2]  }
0x4: {  	s3 =	rddreg [dreg:$0x3];
	s4 =	simm.s32 $0x0;
	s9 =	srdreg.scid  }
0x5: {  	s14 =	stileid.u32;
	s18 =	simm.s32 $0x1;
	s20 =	simm.s32 $0x6400  }
0x6: {  	s21 =	simm.s32 $0x6450;
	s22 =	simm.s32 $0x5A00;
	s23 =	simm.s32 $0x50  }
0x7: {  	s24 =	simm.s32 $0x2800;
	s28 =	simm.s32 $0x5F00;
	s29 =	simm.s32 $0x0  }
0x8: {  	s30 =	simm.s32 $0x0;
	[smem:$0x7FF] =	sst s4;
	s5 =	sadd.s32 $0x2D000, s0  }
0x9: {  	s6 =	sadd.s32 $0x5E00, s0;
	s7 =	sadd.s32 $0xF0600, s0;
	s8 =	sadd.s32 $0x54200, s0  }
0xa: {  	s9 =	sand.u32 $0x1, s9;
	s10 =	sadd.s32 $0x5C00, s0;
	s12 =	smul.u32 $0x2700, s14  }
0xb: {  	p0 =	sne.s32 s14, $0x0;
	_ =	strace $0x80000047;
	[dreg:$0x5] =	wrdreg s10  }
0xc: {  	s11 =	ssub.s32 $0x2, s9;
	s10 =	sadd.s32 $0xFF400, s0;
	s15 =	smul.u32 $0x27100, s9  }
0xd: {  	s0 =	sadd.s32 $0xF5600, s0;
	s9 =	sshll.u32 s9, $0x4;
	s13 =	sshrl.u32 s11, $0x1  }
0xe: {  	s9 =	sor.u32 s14, s9;
	s16 =	ssub.s32 s11, s13;
	s11 =	sadd.s32 s12, s3  }
0xf: {  	s25 =	sadd.s32 s12, s15;
	s12 =	sadd.s32 $0x27000, s3;
	s15 =	sshrl.u32 s15, $0x3  }
0x10: {  	v0 =	vlaneseq.u32;
	s13 =	smul.u32 $0x2710, s9;
	s17 =	sshrl.u32 s25, $0x3;
	s31 =	smax.u32 s16, $0x1  }
0x11: {  	v1 =	vmul.u32 $0xFFFFFFFF, v0;
	s26 =	sadd.s32 s0, s17;
	s0 =	sadd.s32 s0, s15;
	[dreg:$0x8] =	wrdreg s31  }
0x12: {  	s16 =	simm.s32 $0x65A0;
	[dreg:$0x6] =	wrdreg s26;
	s0 =	sadd.s32 $0x4E00, s0  }
0x13: {  	v0 =	vimm.f32 $0.0e+00;
	v1 =	vadd.s32 $0xF, v1;
	s25 =	simm.s32 $0x5000;
	s26 =	simm.s32 $0x5500;
	[dreg:$0x7] =	wrdreg s0  }
.LBB2_1:
0x14: {  	s0 =	rddreg [dreg:$0x5];
	s9 =	simm.s32 $0x64A0  }
0x15: {  	[tilespmem:s9], [sflag:$0x1] =	stream.linear.gather [hbm4b:s0+s4], $0x100, $0x38;
	[tilespmem:$0xB3B0] =	vst v63  }
0x16: {  	_ =	swait.ge [sflag:s18], $0x100  }
0x17: {  	[sflag:s18] =	ssyncset.done $0x0  }
0x18: {  	s0 =	simm.s32 $0x40;
	s9 =	simm.s32 $0x0;
	[sflag:s18] =	ssyncadd.s32 $0xFFFFFF00  }
.LBB2_2:
0x19: {  	p1 =	sne.s32 s0, $0x9BC0;
	[tilespmem:s9+$0x65A0] =	vst v0;
	s9 =	smov.u32 s0;
	s0 =	sadd.s32 $0x40, s0  }
.Ltmp0:
0x1a: {  	(pc) =	sbr.rel @p1 .LBB2_2-.Ltmp0, $2  }
0x1b: {  	_ =	sdelay $0x2  }
0x1c: {  	s9 =	sshra.s32 s9, $0x2  }
0x1d: {  	[tilespmem:s9+$0x65A0] =	vst v0  }
0x1e: {  	[spmem:s11] =	stream.linear.scatter [tilespmem:s16], [sflag:$0x1], $0x2700, $0x38;
	[tilespmem:$0xB3B0] =	vst v63  }
0x1f: {  	_ =	swait.ge [sflag:s18], $0x2700  }
0x20: {  	[sflag:s18] =	ssyncset.done $0x0  }
0x21: {  	s0 =	simm.s32 @!p0 $0x65A0;
	[sflag:s18] =	ssyncadd.s32 $0xFFFFD900  }
0x22: {  	[spmem:s12] =	stream.linear.scatter @!p0 [tilespmem:s0], [sflag:$0x1], $0x100, $0x38;
	[tilespmem:$0xB3B0] =	vst v63  }
0x23: {  	s0 =	simm.s32 @!p0 $0x1  }
0x24: {  	_ =	swait.ge @!p0 [sflag:s0], $0x100  }
0x25: {  	[sflag:s0] =	ssyncset.done @!p0 $0x0  }
0x26: {  	[sflag:s0] =	ssyncadd.s32 @!p0 $0xFFFFFF00  }
0x27: {  	s31 =	simm.s32 $0x0;
	[bflag:$0x0] =	sbarrier.arrive $0xFFFF  }
.LBB2_4:
0x28: {  	s0 =	smul.u32 $0x50, s31;
	_ =	sdelay $0x1  }
0x29: {  	s0 =	sadd.s32 s13, s0  }
0x2a: {  	s9 =	sshrl.u32 s0, $0x3  }
0x2b: {  	s14 =	sadd.s32 s1, s9  }
0x2c: {  	[tilespmem:s20], [sflag:$0x1] =	stream.linear.gather [hbm4b:s14+s30], $0x50, $0x38;
	[tilespmem:$0xB3B0] =	vst v63  }
0x2d: {  	_ =	swait.ge [sflag:s18], $0x50  }
0x2e: {  	[sflag:s18] =	ssyncset.done $0x0  }
0x2f: {  	s9 =	sadd.s32 s2, s9;
	[sflag:s18] =	ssyncadd.s32 $0xFFFFFFB0  }
0x30: {  	[tilespmem:s21], [sflag:$0x1] =	stream.linear.gather [hbm4b:s9+s30], $0x50, $0x38;
	[tilespmem:$0xB3B0] =	vst v63  }
0x31: {  	_ =	swait.ge [sflag:s18], $0x50  }
0x32: {  	s0 =	sshll.u32 s0, $0x1;
	[sflag:s18] =	ssyncset.done $0x0  }
0x33: {  	s19 =	sadd.s32 s8, s0;
	[sflag:s18] =	ssyncadd.s32 $0xFFFFFFB0  }
0x34: {  	[tilespmem:s22], [sflag:$0x1] =	stream.linear.gather [hbm4b:s19+s30], $0x500, $0x38;
	[tilespmem:$0xB3B0] =	vst v63  }
0x35: {  	_ =	swait.ge [sflag:s18], $0x500  }
0x36: {  	[sflag:s18] =	ssyncset.done $0x0  }
0x37: {  	[sflag:s18] =	ssyncadd.s32 $0xFFFFFB00  }
0x38: {  	[tilespmem:s30], [sflag:$0x1] =	stream.indirect.gather [hbm4b:s5+s23], $0x80, s20, s23, $0xb8;
	[tilespmem:$0xB3B0] =	vst v63  }
0x39: {  	_ =	swait.ge [sflag:s18], $0x2800  }
0x3a: {  	[sflag:s18] =	ssyncset.done $0x0  }
0x3b: {  	[sflag:s18] =	ssyncadd.s32 $0xFFFFD800  }
0x3c: {  	[tilespmem:s24], [sflag:$0x1] =	stream.indirect.gather [hbm4b:s6+s23], $0x80, s21, s23, $0xb8;
	[tilespmem:$0xB3B0] =	vst v63  }
0x3d: {  	_ =	swait.ge [sflag:s18], $0x2800  }
0x3e: {  	[sflag:s18] =	ssyncset.done $0x0  }
0x3f: {  	[sflag:s18] =	ssyncadd.s32 $0xFFFFD800  }
0x40: {  	[tilespmem:s25], [sflag:$0x1] =	stream.indirect.gather [hbm4b:s7+s23], $0x10, s20, s23, $0xb8;
	[tilespmem:$0xB3B0] =	vst v63  }
0x41: {  	_ =	swait.ge [sflag:s18], $0x500  }
0x42: {  	[sflag:s18] =	ssyncset.done $0x0  }
0x43: {  	[sflag:s18] =	ssyncadd.s32 $0xFFFFFB00  }
0x44: {  	[tilespmem:s26], [sflag:$0x1] =	stream.indirect.gather [hbm4b:s7+s23], $0x10, s21, s23, $0xb8;
	[tilespmem:$0xB3B0] =	vst v63  }
0x45: {  	_ =	swait.ge [sflag:s18], $0x500  }
0x46: {  	[sflag:s18] =	ssyncset.done $0x0  }
0x47: {  	s9 =	simm.s32 $0x0;
	[sflag:s18] =	ssyncadd.s32 $0xFFFFFB00  }
0x48: {  	v2 =	vld [tilespmem:s9+$0x5000];
	_ =	sdelay $0x1  }
0x49: {  	v3 =	vld [tilespmem:s9+$0x5500];
	_ =	sdelay $0x2  }
0x4a: {  	v4 =	vbroadcast v2, $0x8  }
0x4b: {  	v5 =	vbroadcast v2, $0x2;
	v6 =	vbroadcast v2, $0x5  }
0x4c: {  	v7 =	vbroadcast v2, $0x6;
	v8 =	vbroadcast v2, $0x7;
	v3 =	vsub.f32 v3, v2  }
0x4d: {  	v9 =	vbroadcast v2, $0x0;
	v10 =	vbroadcast v2, $0x1  }
0x4e: {  	v11 =	vbroadcast v2, $0x3;
	v12 =	vbroadcast v3, $0xB  }
0x4f: {  	v15 =	vbroadcast v3, $0x9;
	v13 =	vbroadcast v3, $0xA  }
0x50: {  	v2 =	vbroadcast v2, $0x4;
	v3 =	vmul.f32 v12, v7  }
0x51: {  	v7 =	vmul.f32 v15, v9;
	v9 =	vmul.f32 v13, v11  }
0x52: {  	v10 =	vmul.f32 v15, v10;
	v2 =	vmul.f32 v13, v2  }
0x53: {  	v5 =	vmul.f32 v15, v5;
	v6 =	vmul.f32 v13, v6  }
0x54: {  	v8 =	vmul.f32 v12, v8;
	v7 =	vadd.f32 v9, v7;
	v2 =	vadd.f32 v2, v10  }
0x55: {  	v5 =	vadd.f32 v6, v5  }
0x56: {  	v4 =	vmul.f32 v12, v4;
	v18 =	vadd.f32 v7, v3;
	v17 =	vadd.f32 v2, v8;
	_ =	sdelay $0x1  }
0x57: {  	v16 =	vadd.f32 v5, v4;
	v2 =	vmul.f32 v18, v18;
	v3 =	vmul.f32 v17, v17;
	_ =	sdelay $0x1  }
0x58: {  	v2 =	vadd.f32 v3, v2;
	v3 =	vmul.f32 v16, v16;
	_ =	sdelay $0x1  }
0x59: {  	v2 =	vadd.f32 v2, v3;
	_ =	sdelay $0x1  }
0x5a: {  	v2 =	vmax.f32 v2, $9.999999960e-13  }
0x5b: {  	v3 =	vshra.s32 v2, $0x1;
	v4 =	vmul.f32 $5.000000000e-01, v2  }
0x5c: {  	v3 =	vsub.s32 $0x5F3759DF, v3  }
0x5d: {  	v5 =	vmul.f32 v3, v4;
	_ =	sdelay $0x1  }
0x5e: {  	v5 =	vmul.f32 v3, v5;
	_ =	sdelay $0x1  }
0x5f: {  	v5 =	vsub.f32 $1.500000000e+00, v5;
	_ =	sdelay $0x1  }
0x60: {  	v3 =	vmul.f32 v3, v5;
	_ =	sdelay $0x1  }
0x61: {  	v5 =	vmul.f32 v3, v4;
	_ =	sdelay $0x1  }
0x62: {  	v5 =	vmul.f32 v5, v3;
	_ =	sdelay $0x1  }
0x63: {  	v5 =	vsub.f32 $1.500000000e+00, v5;
	_ =	sdelay $0x1  }
0x64: {  	v3 =	vmul.f32 v5, v3;
	_ =	sdelay $0x1  }
0x65: {  	v4 =	vmul.f32 v3, v4;
	_ =	sdelay $0x1  }
0x66: {  	v4 =	vmul.f32 v4, v3;
	_ =	sdelay $0x1  }
0x67: {  	s17 =	simm.s32 $0x10;
	v4 =	vsub.f32 $1.500000000e+00, v4  }
0x68: {  	v5 =	vld [tilespmem:s17+$0x5000]  }
0x69: {  	v3 =	vmul.f32 v4, v3  }
0x6a: {  	v4 =	vld [tilespmem:s17+$0x5500]  }
0x6b: {  	v2 =	vmul.f32 v3, v2;
	_ =	sdelay $0x1  }
0x6c: {  	v7 =	vbroadcast v5, $0x8;
	v9 =	vbroadcast v5, $0x2;
	v2 =	vmax.f32 v2, $9.999999970e-07  }
0x6d: {  	v10 =	vbroadcast v5, $0x5;
	(erf) = vrcp.f32 v2  }
0x6e: {  	v11 =	vbroadcast v5, $0x7;
	v14 =	vbroadcast v5, $0x0;
	v4 =	vsub.f32 v4, v5  }
0x6f: {  	v19 =	vbroadcast v5, $0x1;
	v20 =	vbroadcast v5, $0x3  }
0x70: {  	v3 =	vbroadcast v5, $0x6;
	v2 =	vbroadcast v4, $0xB  }
0x71: {  	v5 =	vbroadcast v5, $0x4;
	v8 =	vbroadcast v4, $0x9  }
0x72: {  	v6 =	vbroadcast v4, $0xA;
	v21 =	vmul.f32 v2, v3  }
0x73: {  	v4 =	vld [tilespmem:$0x64C0];
	v22 =	vmul.f32 v2, v7;
	v7 =	vmul.f32 v8, v9  }
0x74: {  	v3 =	vld [tilespmem:$0x64B0];
	v9 =	vmul.f32 v8, v14;
	v14 =	vmul.f32 v6, v20  }
0x75: {  	v19 =	vmul.f32 v8, v19;
	v20 =	vmul.f32 v6, v5  }
0x76: {  	v5 =	vld [tilespmem:$0x64D0];
	v10 =	vmul.f32 v6, v10;
	v11 =	vmul.f32 v2, v11;
	v9 =	vadd.f32 v14, v9;
	v23 =	vpop (erf)  }
0x77: {  	v19 =	vadd.f32 v20, v19;
	v20 =	vmul.f32 v23, v18;
	v24 =	vmul.f32 v23, v17  }
0x78: {  	v10 =	vadd.f32 v10, v7;
	v14 =	vadd.f32 v9, v21;
	v9 =	vmul.f32 v23, v16  }
0x79: {  	v11 =	vadd.f32 v19, v11;
	v19 =	vmul.f32 v20, v3;
	v20 =	vmul.f32 v24, v4  }
0x7a: {  	v7 =	vld [tilespmem:$0x64A0];
	v10 =	vadd.f32 v10, v22;
	v21 =	vmul.f32 v14, v14  }
0x7b: {  	v22 =	vmul.f32 v11, v11;
	v9 =	vmul.f32 v9, v5;
	v19 =	vadd.f32 v20, v19;
	_ =	sdelay $0x1  }
0x7c: {  	v20 =	vadd.f32 v22, v21;
	v21 =	vmul.f32 v10, v10;
	v9 =	vadd.f32 v19, v9;
	_ =	sdelay $0x1  }
0x7d: {  	v19 =	vadd.f32 v20, v21;
	v9 =	vadd.f32 v9, v7  }
0x7e: {  	s16 =	simm.s32 $0x2840  }
0x7f: {  	s15 =	simm.s32 $0x40;
	v26 =	vld [tilespmem:s16+$0xFFFFFFD0];
	v19 =	vmax.f32 v19, $9.999999960e-13;
	v9 =	vadd.f32 v9, v9  }
0x80: {  	v23 =	vld [tilespmem:s15+$0xFFFFFFC0];
	v21 =	vshra.s32 v19, $0x1;
	v22 =	vmul.f32 $5.000000000e-01, v19  }
0x81: {  	v24 =	vld [tilespmem:s15+$0xFFFFFFD0];
	v21 =	vsub.s32 $0x5F3759DF, v21;
	v9 =	vmul.f32 $1.442695020e+00, v9  }
0x82: {  	v20 =	vld [tilespmem:s16+$0xFFFFFFC0];
	v25 =	vmul.f32 v21, v22  }
0x83: {  	v27 =	vld [tilespmem:s15+$0xFFFFFFE0];
	(erf) = vpow2.f32 v9  }
0x84: {  	v9 =	vmul.f32 v21, v25;
	v25 =	vld [tilespmem:s16+$0xFFFFFFE0]  }
0x85: {  	v28 =	vld [tilespmem:s15+$0xFFFFFFF0]  }
0x86: {  	v29 =	vld [tilespmem:s16+$0xFFFFFFF0];
	v9 =	vsub.f32 $1.500000000e+00, v9  }
0x87: {  	v20 =	vmul.f32 v20, v23;
	v23 =	vmul.f32 v26, v24;
	v24 =	vld [tilespmem:s15+$0x0]  }
0x88: {  	v9 =	vmul.f32 v21, v9;
	v21 =	vld [tilespmem:s16+$0x0]  }
0x89: {  	v20 =	vadd.f32 v23, v20;
	v23 =	vmul.f32 v25, v27;
	v25 =	vld [tilespmem:s15+$0x10]  }
0x8a: {  	v27 =	vld [tilespmem:s16+$0x10];
	v26 =	vmul.f32 v9, v22  }
0x8b: {  	v20 =	vadd.f32 v23, v20;
	v23 =	vmul.f32 v29, v28;
	v28 =	vld [tilespmem:s15+$0x20]  }
0x8c: {  	v29 =	vld [tilespmem:s16+$0x20];
	v26 =	vmul.f32 v26, v9;
	v30 =	vpop (erf)  }
0x8d: {  	v20 =	vadd.f32 v23, v20;
	v21 =	vmul.f32 v21, v24;
	v23 =	vld [tilespmem:s15+$0x30];
	v24 =	vadd.f32 $1.000000000e+00, v30  }
0x8e: {  	s14 =	simm.s32 $0x20;
	v26 =	vsub.f32 $1.500000000e+00, v26;
	v30 =	vld [tilespmem:s16+$0x30]  }
0x8f: {  	v31 =	vld [tilespmem:s14+$0x5000];
	v20 =	vadd.f32 v21, v20;
	v21 =	vmul.f32 v27, v25;
	(erf) = vrcp.f32 v24;
	_ =	sdelay $0x1  }
0x90: {  	v9 =	vmul.f32 v26, v9;
	v20 =	vadd.f32 v21, v20;
	v21 =	vmul.f32 v29, v28;
	_ =	sdelay $0x1  }
0x91: {  	v22 =	vmul.f32 v9, v22;
	v20 =	vadd.f32 v21, v20;
	v21 =	vmul.f32 v30, v23  }
0x92: {  	v25 =	vbroadcast v31, $0x2  }
0x93: {  	v27 =	vbroadcast v31, $0x0;
	v28 =	vld [tilespmem:s14+$0x5500];
	v23 =	vmul.f32 v22, v9;
	v20 =	vadd.f32 v21, v20  }
0x94: {  	v24 =	vbroadcast v31, $0x8;
	v26 =	vbroadcast v31, $0x5  }
0x95: {  	v29 =	vbroadcast v31, $0x6;
	v21 =	vsub.f32 $1.500000000e+00, v23;
	v30 =	vperm.xlane v20, v1  }
0x96: {  	v33 =	vld [tilespmem:s9+$0x5A00];
	v22 =	vbroadcast v31, $0x7;
	v23 =	vbroadcast v31, $0x1;
	v32 =	vpop (erf)  }
0x97: {  	v9 =	vmul.f32 v21, v9;
	v20 =	vadd.f32 v20, v30;
	v32 =	vadd.f32 v32, v32  }
0x98: {  	v21 =	vsub.f32 v28, v31;
	v28 =	vbroadcast v31, $0x4;
	v30 =	vbroadcast v31, $0x3  }
0x99: {  	v34 =	vmul.f32 v9, v19;
	v35 =	vmul.f32 $2.500000000e-01, v20;
	v32 =	vsub.f32 $1.000000000e+00, v32  }
0x9a: {  	v31 =	vld [tilespmem:$0x6500];
	v19 =	vbroadcast v21, $0xB;
	v20 =	vbroadcast v21, $0x9  }
0x9b: {  	s19 =	simm.s32 $0xC0;
	v9 =	vld [tilespmem:$0x64E0];
	v34 =	vmax.f32 v34, $9.999999970e-07;
	v33 =	vadd.f32 v33, v35;
	v32 =	vmul.f32 $1.000000010e-01, v32  }
.LBB2_5:
0x9c: {  	p1 =	sne.s32 s19, $0x13C0;
	v21 =	vbroadcast v21, $0xA;
	(erf) = vrcp.f32 v34;
	v34 =	vld [tilespmem:$0x6530]  }
0x9d: {  	v29 =	vmul.f32 v19, v29;
	v24 =	vmul.f32 v19, v24;
	v32 =	vadd.f32 v32, v33  }
0x9e: {  	v25 =	vmul.f32 v20, v25;
	v26 =	vmul.f32 v21, v26;
	v33 =	vld [tilespmem:$0x6510]  }
0x9f: {  	v32 =	vmul.f32 $1.442695020e+00, v32;
	v31 =	vmul.f32 v18, v31;
	v18 =	vmov v14  }
0xa0: {  	v14 =	vmul.f32 v20, v27;
	v27 =	vmul.f32 v21, v30;
	v30 =	vld [tilespmem:$0x6540]  }
0xa1: {  	v31 =	vadd.f32 $0.0e+00, v31;
	v34 =	vmul.f32 v34, v15;
	(erf) = vpow2.f32 v32;
	v15 =	vmovc v8;
	v8 =	vmovc v20  }
0xa2: {  	v20 =	vmul.f32 v8, v23;
	v23 =	vmul.f32 v21, v28;
	v28 =	vld [tilespmem:$0x6520]  }
0xa3: {  	v32 =	vadd.f32 v26, v25;
	v26 =	vadd.f32 v31, v34;
	v31 =	vmul.f32 v17, v33;
	v17 =	vmovc v11  }
0xa4: {  	v22 =	vmul.f32 v19, v22;
	v11 =	vadd.f32 v27, v14;
	v20 =	vadd.f32 v23, v20;
	v23 =	vld [tilespmem:$0x6550]  }
0xa5: {  	v24 =	vadd.f32 v32, v24;
	v25 =	vpop (erf);
	v26 =	vadd.f32 v26, v31;
	v27 =	vmul.f32 v30, v13  }
0xa6: {  	v14 =	vadd.f32 v11, v29;
	v13 =	vmovc v6;
	v29 =	vmul.f32 v25, v18;
	v30 =	vmul.f32 v25, v17  }
0xa7: {  	v6 =	vmovc v21;
	v31 =	vmul.f32 v25, v10;
	v26 =	vadd.f32 v26, v27;
	v27 =	vmul.f32 v28, v16  }
0xa8: {  	v11 =	vadd.f32 v20, v22;
	v16 =	vmovc v10;
	v20 =	vmul.f32 v29, v3;
	v21 =	vmul.f32 v30, v4  }
0xa9: {  	v22 =	vmul.f32 v14, v14;
	v10 =	vmovc v24;
	v26 =	vadd.f32 v26, v27;
	v27 =	vmul.f32 v23, v12  }
0xaa: {  	v23 =	vmul.f32 v11, v11;
	v20 =	vadd.f32 v21, v20;
	v21 =	vmul.f32 v31, v5;
	v25 =	vpop (erf)  }
0xab: {  	v12 =	vmovc v2;
	v2 =	vmov v19;
	v26 =	vadd.f32 v26, v27;
	v25 =	vmul.f32 v25, v9  }
0xac: {  	v19 =	vadd.f32 v23, v22;
	v22 =	vmul.f32 v24, v10;
	v20 =	vadd.f32 v20, v21  }
0xad: {  	v21 =	vadd.f32 v25, v26  }
0xae: {  	v19 =	vadd.f32 v19, v22;
	v20 =	vadd.f32 v20, v7  }
0xaf: {  	s16 =	sadd.s32 $0x80, s16;
	[tilespmem:s9+$0x5F00] =	vst v21;
	s9 =	smov.u32 s17;
	s17 =	smov.u32 s14  }
0xb0: {  	s15 =	sadd.s32 $0x80, s15;
	v19 =	vmax.f32 v19, $9.999999960e-13;
	v21 =	vld [tilespmem:s16+$0xFFFFFFC0];
	v20 =	vadd.f32 v20, v20  }
0xb1: {  	v22 =	vshra.s32 v19, $0x1;
	v23 =	vmul.f32 $5.000000000e-01, v19;
	v24 =	vld [tilespmem:s15+$0xFFFFFFC0]  }
0xb2: {  	v22 =	vsub.s32 $0x5F3759DF, v22;
	v25 =	vld [tilespmem:s15+$0xFFFFFFD0];
	v20 =	vmul.f32 $1.442695020e+00, v20  }
0xb3: {  	v26 =	vmul.f32 v22, v23;
	v27 =	vld [tilespmem:s16+$0xFFFFFFD0]  }
0xb4: {  	v28 =	vld [tilespmem:s15+$0xFFFFFFE0];
	(erf) = vpow2.f32 v20  }
0xb5: {  	v20 =	vmul.f32 v22, v26;
	v26 =	vld [tilespmem:s16+$0xFFFFFFE0]  }
0xb6: {  	v29 =	vld [tilespmem:s15+$0xFFFFFFF0]  }
0xb7: {  	v20 =	vsub.f32 $1.500000000e+00, v20;
	v30 =	vld [tilespmem:s16+$0xFFFFFFF0]  }
0xb8: {  	v21 =	vmul.f32 v21, v24;
	v24 =	vmul.f32 v27, v25;
	v25 =	vld [tilespmem:s15+$0x0]  }
0xb9: {  	v20 =	vmul.f32 v22, v20;
	v22 =	vld [tilespmem:s16+$0x0]  }
0xba: {  	v21 =	vadd.f32 v24, v21;
	v24 =	vmul.f32 v26, v28;
	v26 =	vld [tilespmem:s15+$0x10]  }
0xbb: {  	v27 =	vmul.f32 v20, v23;
	v28 =	vld [tilespmem:s16+$0x10]  }
0xbc: {  	v21 =	vadd.f32 v24, v21;
	v24 =	vmul.f32 v30, v29;
	v29 =	vld [tilespmem:s15+$0x20]  }
0xbd: {  	v27 =	vmul.f32 v27, v20;
	v30 =	vld [tilespmem:s16+$0x20];
	v31 =	vpop (erf)  }
0xbe: {  	v21 =	vadd.f32 v24, v21;
	v22 =	vmul.f32 v22, v25;
	v24 =	vld [tilespmem:s15+$0x30];
	v25 =	vadd.f32 $1.000000000e+00, v31  }
0xbf: {  	s14 =	sshra.s32 s19, $0x2;
	v27 =	vsub.f32 $1.500000000e+00, v27;
	v31 =	vld [tilespmem:s16+$0x30]  }
0xc0: {  	v32 =	vld [tilespmem:s14+$0x5000];
	v21 =	vadd.f32 v22, v21;
	v22 =	vmul.f32 v28, v26;
	(erf) = vrcp.f32 v25;
	_ =	sdelay $0x1  }
0xc1: {  	v20 =	vmul.f32 v27, v20;
	v21 =	vadd.f32 v22, v21;
	v22 =	vmul.f32 v30, v29;
	_ =	sdelay $0x1  }
0xc2: {  	v23 =	vmul.f32 v20, v23;
	v21 =	vadd.f32 v22, v21;
	v22 =	vmul.f32 v31, v24  }
0xc3: {  	v24 =	vbroadcast v32, $0x8  }
0xc4: {  	v23 =	vmul.f32 v23, v20;
	v25 =	vbroadcast v32, $0x2;
	v28 =	vld [tilespmem:s14+$0x5500];
	v21 =	vadd.f32 v22, v21  }
0xc5: {  	v26 =	vbroadcast v32, $0x5;
	v29 =	vbroadcast v32, $0x6  }
0xc6: {  	v22 =	vbroadcast v32, $0x7;
	v30 =	vsub.f32 $1.500000000e+00, v23;
	v31 =	vperm.xlane v21, v1  }
0xc7: {  	v27 =	vbroadcast v32, $0x0;
	v23 =	vbroadcast v32, $0x1;
	v33 =	vld [tilespmem:s9+$0x5A00];
	v34 =	vpop (erf)  }
.Ltmp1:
0xc8: {  	v20 =	vmul.f32 v30, v20;
	v31 =	vadd.f32 v21, v31;
	v34 =	vadd.f32 v34, v34;
	(pc) =	sbr.rel @p1 .LBB2_5-.Ltmp1, $4  }
0xc9: {  	v30 =	vbroadcast v32, $0x3;
	v21 =	vsub.f32 v28, v32;
	v28 =	vbroadcast v32, $0x4  }
0xca: {  	v32 =	vmul.f32 v20, v19;
	v35 =	vmul.f32 $2.500000000e-01, v31;
	v36 =	vsub.f32 $1.000000000e+00, v34  }
0xcb: {  	v20 =	vbroadcast v21, $0x9;
	v19 =	vbroadcast v21, $0xB;
	v31 =	vld [tilespmem:$0x6500]  }
0xcc: {  	s19 =	sadd.s32 $0x40, s19;
	v34 =	vmax.f32 v32, $9.999999970e-07;
	v32 =	vmul.f32 $1.000000010e-01, v36;
	v33 =	vadd.f32 v33, v35  }
0xcd: {  	v41 =	vld [tilespmem:$0x6530]  }
0xce: {  	v21 =	vbroadcast v21, $0xA;
	(erf) = vrcp.f32 v34;
	v32 =	vadd.f32 v32, v33  }
0xcf: {  	v29 =	vmul.f32 v19, v29;
	v24 =	vmul.f32 v19, v24;
	v42 =	vld [tilespmem:$0x6510]  }
0xd0: {  	v32 =	vmul.f32 $1.442695020e+00, v32;
	v18 =	vmul.f32 v18, v31  }
0xd1: {  	v25 =	vmul.f32 v20, v25;
	v27 =	vmul.f32 v20, v27;
	v43 =	vld [tilespmem:$0x6540]  }
0xd2: {  	v44 =	vld [tilespmem:$0x6520];
	v18 =	vadd.f32 $0.0e+00, v18;
	v15 =	vmul.f32 v41, v15;
	(erf) = vpow2.f32 v32  }
0xd3: {  	v23 =	vmul.f32 v20, v23;
	v22 =	vmul.f32 v19, v22  }
0xd4: {  	v46 =	vld [tilespmem:$0x6550];
	v26 =	vmul.f32 v21, v26;
	v17 =	vmul.f32 v17, v42;
	v18 =	vadd.f32 v18, v15  }
0xd5: {  	v30 =	vmul.f32 v21, v30;
	v28 =	vmul.f32 v21, v28  }
0xd6: {  	v25 =	vadd.f32 v26, v25;
	v13 =	vmul.f32 v43, v13;
	v18 =	vadd.f32 v18, v17  }
0xd7: {  	v45 =	vadd.f32 v30, v27;
	v23 =	vadd.f32 v28, v23;
	v16 =	vmul.f32 v44, v16;
	v47 =	vpop (erf)  }
0xd8: {  	v48 =	vmul.f32 v47, v14;
	v49 =	vmul.f32 v47, v11;
	v18 =	vadd.f32 v18, v13  }
0xd9: {  	v12 =	vmul.f32 v46, v12;
	v15 =	vadd.f32 v25, v24;
	v24 =	vmul.f32 v47, v10  }
0xda: {  	v50 =	vmul.f32 v48, v3;
	v51 =	vmul.f32 v49, v4;
	v16 =	vadd.f32 v18, v16  }
0xdb: {  	v17 =	vadd.f32 v45, v29;
	v13 =	vadd.f32 v23, v22;
	v54 =	vmul.f32 v24, v5;
	v55 =	vpop (erf)  }
0xdc: {  	v22 =	vadd.f32 v51, v50;
	v12 =	vadd.f32 v16, v12;
	v56 =	vmul.f32 v55, v9  }
0xdd: {  	v52 =	vmul.f32 v17, v17;
	v53 =	vmul.f32 v13, v13  }
0xde: {  	v22 =	vadd.f32 v22, v54;
	v12 =	vadd.f32 v56, v12  }
0xdf: {  	v57 =	vmul.f32 v15, v15;
	v18 =	vadd.f32 v53, v52  }
0xe0: {  	s19 =	sadd.s32 $0x80, s16;
	v59 =	vadd.f32 v22, v7;
	[tilespmem:s9+$0x5F00] =	vst v12  }
0xe1: {  	s15 =	sadd.s32 $0x80, s15;
	v58 =	vadd.f32 v18, v57;
	v60 =	vld [tilespmem:s19+$0xFFFFFFC0]  }
0xe2: {  	v18 =	vadd.f32 v59, v59;
	v63 =	vld [tilespmem:s15+$0xFFFFFFC0]  }
0xe3: {  	v12 =	vmax.f32 v58, $9.999999960e-13;
	v33 =	vld [tilespmem:s15+$0xFFFFFFD0]  }
0xe4: {  	v61 =	vshra.s32 v12, $0x1;
	v62 =	vmul.f32 $5.000000000e-01, v12;
	v35 =	vld [tilespmem:s19+$0xFFFFFFD0];
	v18 =	vmul.f32 $1.442695020e+00, v18  }
0xe5: {  	v36 =	vld [tilespmem:s15+$0xFFFFFFE0];
	v22 =	vsub.s32 $0x5F3759DF, v61  }
0xe6: {  	v38 =	vld [tilespmem:s19+$0xFFFFFFE0];
	v34 =	vmul.f32 v22, v62;
	(erf) = vpow2.f32 v18  }
0xe7: {  	v39 =	vld [tilespmem:s15+$0xFFFFFFF0]  }
0xe8: {  	v40 =	vld [tilespmem:s19+$0xFFFFFFF0];
	v37 =	vmul.f32 v22, v34  }
0xe9: {  	v42 =	vld [tilespmem:s15+$0x0]  }
0xea: {  	v43 =	vld [tilespmem:s19+$0x0];
	v16 =	vmul.f32 v60, v63;
	v41 =	vmul.f32 v35, v33;
	v18 =	vsub.f32 $1.500000000e+00, v37  }
0xeb: {  	v45 =	vld [tilespmem:s15+$0x10]  }
0xec: {  	v47 =	vld [tilespmem:s19+$0x10];
	v44 =	vmul.f32 v38, v36;
	v16 =	vadd.f32 v41, v16;
	v18 =	vmul.f32 v22, v18;
	_ =	sdelay $0x1  }
0xed: {  	v49 =	vld [tilespmem:s15+$0x20];
	v48 =	vmul.f32 v40, v39;
	v16 =	vadd.f32 v44, v16;
	v46 =	vmul.f32 v18, v62  }
0xee: {  	v50 =	vld [tilespmem:s19+$0x20];
	v22 =	vmul.f32 v43, v42;
	v51 =	vpop (erf)  }
0xef: {  	v52 =	vld [tilespmem:s15+$0x30];
	v16 =	vadd.f32 v48, v16;
	v27 =	vmul.f32 v46, v18;
	v53 =	vadd.f32 $1.000000000e+00, v51  }
0xf0: {  	v54 =	vld [tilespmem:s19+$0x30];
	v55 =	vmul.f32 v47, v45  }
0xf1: {  	v16 =	vadd.f32 v22, v16;
	v27 =	vsub.f32 $1.500000000e+00, v27;
	(erf) = vrcp.f32 v53;
	_ =	sdelay $0x1  }
0xf2: {  	v56 =	vmul.f32 v50, v49;
	v16 =	vadd.f32 v55, v16;
	v18 =	vmul.f32 v27, v18;
	_ =	sdelay $0x1  }
0xf3: {  	v57 =	vmul.f32 v54, v52;
	v16 =	vadd.f32 v56, v16;
	v23 =	vmul.f32 v18, v62;
	_ =	sdelay $0x1  }
0xf4: {  	v16 =	vadd.f32 v57, v16;
	v23 =	vmul.f32 v23, v18;
	_ =	sdelay $0x1  }
0xf5: {  	v59 =	vperm.xlane v16, v1;
	v58 =	vsub.f32 $1.500000000e+00, v23  }
0xf6: {  	v60 =	vld [tilespmem:s17+$0x5A00];
	v25 =	vpop (erf)  }
0xf7: {  	v16 =	vadd.f32 v16, v59;
	v18 =	vmul.f32 v58, v18;
	v61 =	vadd.f32 v25, v25;
	_ =	sdelay $0x1  }
0xf8: {  	v16 =	vmul.f32 $2.500000000e-01, v16;
	v12 =	vmul.f32 v18, v12;
	v62 =	vsub.f32 $1.000000000e+00, v61  }
0xf9: {  	v63 =	vld [tilespmem:$0x6500]  }
0xfa: {  	v16 =	vadd.f32 v60, v16;
	v12 =	vmax.f32 v12, $9.999999970e-07;
	v18 =	vmul.f32 $1.000000010e-01, v62  }
0xfb: {  	v25 =	vld [tilespmem:$0x6530];
	(erf) = vrcp.f32 v12  }
0xfc: {  	v16 =	vadd.f32 v18, v16  }
0xfd: {  	v26 =	vld [tilespmem:$0x6510]  }
0xfe: {  	v27 =	vmul.f32 v14, v63;
	v16 =	vmul.f32 $1.442695020e+00, v16  }
0xff: {  	v28 =	vld [tilespmem:$0x6540]  }
0x100: {  	v14 =	vadd.f32 $0.0e+00, v27;
	v8 =	vmul.f32 v25, v8;
	(erf) = vpow2.f32 v16  }
0x101: {  	v29 =	vld [tilespmem:$0x6520]  }
0x102: {  	v30 =	vmul.f32 v11, v26;
	v8 =	vadd.f32 v14, v8  }
0x103: {  	v31 =	vld [tilespmem:$0x6550]  }
0x104: {  	v6 =	vmul.f32 v28, v6;
	v8 =	vadd.f32 v8, v30;
	v32 =	vpop (erf)  }
0x105: {  	v33 =	vmul.f32 v32, v17;
	v34 =	vmul.f32 v32, v13  }
0x106: {  	v35 =	vmul.f32 v29, v10;
	v6 =	vadd.f32 v8, v6;
	v16 =	vmul.f32 v32, v15  }
0x107: {  	v3 =	vmul.f32 v33, v3;
	v36 =	vmul.f32 v34, v4  }
0x108: {  	v2 =	vmul.f32 v31, v2;
	v6 =	vadd.f32 v6, v35  }
0x109: {  	v37 =	vmul.f32 v16, v5;
	v3 =	vadd.f32 v36, v3;
	v38 =	vpop (erf)  }
0x10a: {  	v2 =	vadd.f32 v6, v2;
	v5 =	vmul.f32 v38, v9  }
0x10b: {  	v3 =	vadd.f32 v3, v37  }
0x10c: {  	v2 =	vadd.f32 v5, v2  }
0x10d: {  	v3 =	vadd.f32 v3, v7  }
0x10e: {  	s9 =	sadd.s32 $0x80, s19;
	[tilespmem:s17+$0x5F00] =	vst v2  }
0x10f: {  	s15 =	sadd.s32 $0x80, s15;
	v3 =	vadd.f32 v3, v3;
	v2 =	vld [tilespmem:s9+$0xFFFFFFC0]  }
0x110: {  	v39 =	vld [tilespmem:s15+$0xFFFFFFC0]  }
0x111: {  	v40 =	vld [tilespmem:s15+$0xFFFFFFD0];
	v3 =	vmul.f32 $1.442695020e+00, v3  }
0x112: {  	v41 =	vld [tilespmem:s9+$0xFFFFFFD0]  }
0x113: {  	v42 =	vld [tilespmem:s15+$0xFFFFFFE0];
	(erf) = vpow2.f32 v3  }
0x114: {  	v3 =	vld [tilespmem:s9+$0xFFFFFFE0]  }
0x115: {  	v43 =	vld [tilespmem:s15+$0xFFFFFFF0]  }
0x116: {  	v44 =	vld [tilespmem:s9+$0xFFFFFFF0]  }
0x117: {  	v46 =	vld [tilespmem:s15+$0x0];
	v2 =	vmul.f32 v2, v39;
	v45 =	vmul.f32 v41, v40  }
0x118: {  	v47 =	vld [tilespmem:s9+$0x0]  }
0x119: {  	v48 =	vld [tilespmem:s15+$0x10];
	v2 =	vadd.f32 v45, v2;
	v3 =	vmul.f32 v3, v42  }
0x11a: {  	v49 =	vld [tilespmem:s9+$0x10]  }
0x11b: {  	v50 =	vld [tilespmem:s15+$0x20];
	v2 =	vadd.f32 v3, v2;
	v3 =	vmul.f32 v44, v43  }
0x11c: {  	v51 =	vld [tilespmem:s9+$0x20];
	v52 =	vpop (erf)  }
0x11d: {  	v53 =	vld [tilespmem:s15+$0x30];
	v2 =	vadd.f32 v3, v2;
	v3 =	vmul.f32 v47, v46;
	v54 =	vadd.f32 $1.000000000e+00, v52  }
0x11e: {  	v55 =	vld [tilespmem:s9+$0x30]  }
0x11f: {  	v2 =	vadd.f32 v3, v2;
	v3 =	vmul.f32 v49, v48;
	(erf) = vrcp.f32 v54;
	_ =	sdelay $0x1  }
0x120: {  	v2 =	vadd.f32 v3, v2;
	v3 =	vmul.f32 v51, v50;
	_ =	sdelay $0x1  }
0x121: {  	v2 =	vadd.f32 v3, v2;
	v3 =	vmul.f32 v55, v53;
	_ =	sdelay $0x1  }
0x122: {  	v2 =	vadd.f32 v3, v2;
	_ =	sdelay $0x1  }
0x123: {  	v3 =	vperm.xlane v2, v1  }
0x124: {  	v56 =	vld [tilespmem:s14+$0x5A00];
	v57 =	vpop (erf)  }
0x125: {  	v2 =	vadd.f32 v2, v3;
	v3 =	vadd.f32 v57, v57;
	_ =	sdelay $0x1  }
0x126: {  	v2 =	vmul.f32 $2.500000000e-01, v2;
	v3 =	vsub.f32 $1.000000000e+00, v3  }
0x127: {  	v58 =	vld [tilespmem:$0x6500]  }
0x128: {  	v2 =	vadd.f32 v56, v2;
	v3 =	vmul.f32 $1.000000010e-01, v3  }
0x129: {  	v59 =	vld [tilespmem:$0x6530]  }
0x12a: {  	v2 =	vadd.f32 v3, v2  }
0x12b: {  	v3 =	vld [tilespmem:$0x6510]  }
0x12c: {  	v5 =	vmul.f32 v17, v58;
	v2 =	vmul.f32 $1.442695020e+00, v2  }
0x12d: {  	v60 =	vld [tilespmem:$0x6540]  }
0x12e: {  	v4 =	vmul.f32 v59, v20;
	v5 =	vadd.f32 $0.0e+00, v5;
	(erf) = vpow2.f32 v2  }
0x12f: {  	v2 =	vld [tilespmem:$0x6520]  }
0x130: {  	v4 =	vadd.f32 v5, v4;
	v3 =	vmul.f32 v13, v3  }
0x131: {  	v61 =	vld [tilespmem:$0x6550]  }
0x132: {  	v62 =	vmul.f32 v60, v21;
	v3 =	vadd.f32 v4, v3;
	_ =	sdelay $0x1  }
0x133: {  	v3 =	vadd.f32 v3, v62;
	v2 =	vmul.f32 v2, v15;
	_ =	sdelay $0x1  }
0x134: {  	v2 =	vadd.f32 v3, v2;
	v3 =	vmul.f32 v61, v19  }
0x135: {  	v63 =	vpop (erf)  }
0x136: {  	v2 =	vadd.f32 v2, v3;
	v3 =	vmul.f32 v63, v9;
	_ =	sdelay $0x1  }
0x137: {  	v2 =	vadd.f32 v3, v2;
	_ =	sdelay $0x1  }
0x138: {  	s0 =	sadd.s32 s10, s0;
	[tilespmem:s14+$0x5F00] =	vst v2  }
0x139: {  	[hbm4b:s0+s4] =	stream.linear.scatter [tilespmem:s28], [sflag:$0x1], $0x500, $0x38;
	[tilespmem:$0xB3B0] =	vst v63  }
0x13a: {  	s31 =	sadd.s32 $0x1, s31;
	_ =	swait.ge [sflag:s18], $0x500  }
0x13b: {  	p1 =	sne.s32 s31, $0x7D;
	[sflag:s18] =	ssyncset.done $0x0  }
.Ltmp2:
0x13c: {  	[sflag:s18] =	ssyncadd.s32 $0xFFFFFB00;
	(pc) =	sbr.rel @p1 .LBB2_4-.Ltmp2, $4  }
0x13d: {  	[spmem:s3] =	stream.indirect.scatter.add.f32 [tilespmem:s28], [sflag:$0x1], $0x10, s20, s23, $0xb8;
	[tilespmem:$0xB3B0] =	vst v63  }
0x13e: {  	_ =	swait.ge [sflag:s18], $0x500  }
0x13f: {  	[sflag:s18] =	ssyncset.done $0x0  }
0x140: {  	[sflag:s18] =	ssyncadd.s32 $0xFFFFFB00  }
0x141: {  	[bflag:$0x0] =	sbarrier.arrive $0xFFFF;
	s16 =	simm.s32 $0x65A0  }
0x142: {  	[tilespmem:s16], [sflag:$0x1] =	stream.linear.gather [spmem:s11], $0x2700, $0x38;
	[tilespmem:$0xB3B0] =	vst v63  }
0x143: {  	_ =	swait.ge [sflag:s18], $0x2700  }
0x144: {  	[sflag:s18] =	ssyncset.done $0x0  }
0x145: {  	s0 =	rddreg [dreg:$0x6];
	[sflag:s18] =	ssyncadd.s32 $0xFFFFD900  }
0x146: {  	[hbm4b:s0+s4] =	stream.linear.scatter [tilespmem:s16], [sflag:$0x1], $0x2700, $0x38;
	[tilespmem:$0xB3B0] =	vst v63  }
0x147: {  	_ =	swait.ge [sflag:s18], $0x2700  }
0x148: {  	[sflag:s18] =	ssyncset.done $0x0  }
0x149: {  	s9 =	simm.s32 @!p0 $0x1;
	s0 =	simm.s32 @!p0 $0x65A0;
	[sflag:s18] =	ssyncadd.s32 $0xFFFFD900  }
0x14a: {  	[tilespmem:s0], [sflag:$0x1] =	stream.linear.gather @!p0 [spmem:s12], $0x100, $0x38;
	[tilespmem:$0xB3B0] =	vst v63  }
0x14b: {  	_ =	swait.ge @!p0 [sflag:s9], $0x100  }
0x14c: {  	[sflag:s9] =	ssyncset.done @!p0 $0x0  }
0x14d: {  	s14 =	simm.s32 @!p0 $0x0;
	s15 =	rddreg [dreg:$0x7];
	[sflag:s9] =	ssyncadd.s32 @!p0 $0xFFFFFF00  }
0x14e: {  	[hbm4b:s15+s14] =	stream.linear.scatter @!p0 [tilespmem:s0], [sflag:$0x1], $0x100, $0x38;
	[tilespmem:$0xB3B0] =	vst v63  }
0x14f: {  	_ =	swait.ge @!p0 [sflag:s9], $0x100  }
0x150: {  	s29 =	sadd.s32 $0x1, s29;
	s31 =	rddreg [dreg:$0x8]  }
0x151: {  	p1 =	sne.s32 s29, s31  }
.Ltmp3:
0x152: {  	_ = 	snop;
	(pc) =	sbr.rel @p1 .LBB2_1-.Ltmp3, $3  }
0x153: {  	_ =	sdelay $0x1  }
0x154: {  	[sflag:s9] =	ssyncset.done @!p0 $0x0  }
0x155: {  	[sflag:s9] =	ssyncadd.s32 @!p0 $0xFFFFFF00  }
0x156: {  	_ =	sfence.sel $0x180000  }
0x157: {  	[bflag:$0x0] =	sbarrier.arrive $0xFFFF  }
0x158: {  	_ =	strace $0x90000047  }
0x159: {  	[bflag:$0x2] =	sbarrier.arrive $0xFFFF  }
0x15a: {  	s0 =	rddreg [dreg:$0x4]  }
0x15b: {  	s0 =	sadd.s32 @!p0 $0x100000, s0  }
0x15c: {  	[sflag:s0] =	ssyncadd.tile.s32 @!p0 $0x1;
	_ =	shalt  }
.Lfunc_end2:
_tile_overlayer_lowered:
.L_overlay_start_2:
0x15d: {  	(tag) =	ssettag $0x2  }
0x15e: {  	s0 =	rddreg [dreg:$0x0];
	s2 =	stileid.u32  }
0x15f: {  	s1 =	rddreg [dreg:$0x1];
	p0 =	sne.s32 s2, $0x0  }
0x160: {  	s3 =	rddreg [dreg:$0x2];
	[bflag:$0x3] =	sbarrier.arrive $0xFFFF;
	s2 =	simm.s32 @!p0 $0x1C01  }
0x161: {  	[timem:s3], [sflag:s2] =	dma.local @!p0 [hbm:s0], s1  }
0x162: {  	s0 =	simm.s32 @!p0 $0x1  }
0x163: {  	_ =	swait.ge @!p0 [sflag:s0], s1  }
0x164: {  	s1 =	ssub.s32 @!p0 $0x0, s1;
	[sflag:s0] =	ssyncset.done @!p0 $0x0  }
0x165: {  	[sflag:s0] =	ssyncadd.s32 @!p0 s1  }
0x166: {  	[bflag:$0x3] =	sbarrier.arrive $0xFFFF  }
0x167: {  	_ =	shalt  }

</sc_bundles>
